<compile_context>
chip_gen: v7x
topology: tpu7x:2x2x1
jax: 0.10.2.dev20260603
libtpu: 0.0.44.dev20260713+nightly
codegen_flags: <defaults>
</compile_context>

<pallas_src>
import jax
import jax.numpy as jnp
from jax import lax
from jax.experimental import pallas as pl
from jax.experimental.pallas import tpu as pltpu
from jax.experimental.pallas import tpu_sc as plsc

_B = 64
_C = 768
_HW = 256
_NW = 32
_CH = 16
_NCHB = _HW // _CH
_CPW = _B * _NCHB // _NW
_NBUF = 8
_LEAD = 4


def _permute_body(in_hbm, p_hbm, out_hbm, p_v, *rest):
    bufs, sg, so = rest[:_NBUF], rest[_NBUF:2 * _NBUF], rest[2 * _NBUF:]
    wid = lax.axis_index("s") * 2 + lax.axis_index("c")

    pltpu.sync_copy(p_hbm, p_v)

    def start_gather(i):
        k = i % _NBUF
        b = wid * (_CPW // _NCHB) + i // _NCHB
        s0 = (i % _NCHB) * _CH
        return pltpu.async_copy(
            in_hbm.at[b].at[p_v.at[pl.ds(s0, _CH)]], bufs[k], sg[k])

    def start_out(i):
        k = i % _NBUF
        b = wid * (_CPW // _NCHB) + i // _NCHB
        s0 = (i % _NCHB) * _CH
        return pltpu.async_copy(
            bufs[k], out_hbm.at[b, pl.ds(s0, _CH)], so[k])

    gd = {i: start_gather(i) for i in range(_LEAD)}
    od = {}
    for i in range(_CPW):
        gd[i].wait()
        od[i] = start_out(i)
        j = i + _LEAD
        if j < _CPW:
            if j >= _NBUF:
                od[j - _NBUF].wait()
            gd[j] = start_gather(j)
    for i in range(_CPW - _NBUF, _CPW):
        od[i].wait()


@jax.jit
def _permute(x3, p):
    mesh = plsc.VectorSubcoreMesh(core_axis_name="c", subcore_axis_name="s")
    f = pl.kernel(
        _permute_body,
        mesh=mesh,
        compiler_params=pltpu.CompilerParams(needs_layout_passes=False),
        out_type=jax.ShapeDtypeStruct((_B, _HW, _C), jnp.float32),
        scratch_types=(
            [pltpu.VMEM((_HW,), jnp.int32)]
            + [pltpu.VMEM((_CH, _C), jnp.float32)] * _NBUF
            + [pltpu.SemaphoreType.DMA] * (2 * _NBUF)
        ),
    )
    return f(x3, p)


def kernel(inputs, p_array):
    B, C, H, W = inputs.shape
    x3 = jnp.transpose(inputs, (0, 2, 3, 1)).reshape(B, H * W, C)
    p = p_array.astype(jnp.int32)
    out3 = _permute(x3, p)
    return jnp.transpose(out3.reshape(B, H, W, C), (0, 3, 1, 2))

# --- scband reference (transcript-rebuilt; emitter-appended) ---
"""Pipeline reference for scband-interleaver2-dold-46978352284080 (READ-ONLY COPY).

The authoritative reference and input builder live on the scoring server;
editing this copy changes nothing except your own understanding.
"""

import jax, jax.numpy as jnp
import numpy as np


def setup_inputs(seed: int = 0) -> dict:
    key = jax.random.key(seed)
    inputs = jax.random.normal(key, (64, 768, 16, 16), dtype=jnp.float32)
    # permutation over flattened H*W = 256 positions (reversal), matching init p_array
    p_array = jnp.arange(255, -1, -1, dtype=jnp.int64)
    return {"inputs": inputs, "p_array": p_array}


def reference(inputs, p_array):
    B, C, H, W = inputs.shape
    x = inputs.reshape(B, C, H * W)
    x = jnp.transpose(x, (2, 0, 1))          # [H*W, B, C]
    res = jnp.take(x, p_array, axis=0)        # gather over spatial positions
    res = jnp.transpose(res, (1, 2, 0))      # [B, C, H*W]
    res = res.reshape(B, C, H, W)
    return res

if __name__ == "__main__":
    import jax
    _d = setup_inputs()
    print(jax.jit(kernel)(*tuple(_d.values())))

</pallas_src>

<mosaic_0001>
#map = affine_map<(d0, d1) -> (0, 0, 0)>
#map1 = affine_map<(d0, d1) -> (0)>
module attributes {stable_mosaic.version = 14 : i64} {
  func.func @_permute_body(%arg0: i32, %arg1: i32, %arg2: memref<64x256x768xf32, #tpu.memory_space<hbm>>, %arg3: memref<256xi32, #tpu.memory_space<hbm>>, %arg4: memref<64x256x768xf32, #tpu.memory_space<hbm>>, %arg5: memref<256xi32, #tpu.memory_space<vmem>>, %arg6: memref<16x768xf32, #tpu.memory_space<vmem>>, %arg7: memref<16x768xf32, #tpu.memory_space<vmem>>, %arg8: memref<16x768xf32, #tpu.memory_space<vmem>>, %arg9: memref<16x768xf32, #tpu.memory_space<vmem>>, %arg10: memref<16x768xf32, #tpu.memory_space<vmem>>, %arg11: memref<16x768xf32, #tpu.memory_space<vmem>>, %arg12: memref<16x768xf32, #tpu.memory_space<vmem>>, %arg13: memref<16x768xf32, #tpu.memory_space<vmem>>, %arg14: memref<!tpu.dma_semaphore, #tpu.memory_space<semaphore_mem>>, %arg15: memref<!tpu.dma_semaphore, #tpu.memory_space<semaphore_mem>>, %arg16: memref<!tpu.dma_semaphore, #tpu.memory_space<semaphore_mem>>, %arg17: memref<!tpu.dma_semaphore, #tpu.memory_space<semaphore_mem>>, %arg18: memref<!tpu.dma_semaphore, #tpu.memory_space<semaphore_mem>>, %arg19: memref<!tpu.dma_semaphore, #tpu.memory_space<semaphore_mem>>, %arg20: memref<!tpu.dma_semaphore, #tpu.memory_space<semaphore_mem>>, %arg21: memref<!tpu.dma_semaphore, #tpu.memory_space<semaphore_mem>>, %arg22: memref<!tpu.dma_semaphore, #tpu.memory_space<semaphore_mem>>, %arg23: memref<!tpu.dma_semaphore, #tpu.memory_space<semaphore_mem>>, %arg24: memref<!tpu.dma_semaphore, #tpu.memory_space<semaphore_mem>>, %arg25: memref<!tpu.dma_semaphore, #tpu.memory_space<semaphore_mem>>, %arg26: memref<!tpu.dma_semaphore, #tpu.memory_space<semaphore_mem>>, %arg27: memref<!tpu.dma_semaphore, #tpu.memory_space<semaphore_mem>>, %arg28: memref<!tpu.dma_semaphore, #tpu.memory_space<semaphore_mem>>, %arg29: memref<!tpu.dma_semaphore, #tpu.memory_space<semaphore_mem>>) attributes {dimension_semantics = [#tpu.dimension_semantics<core_parallel>, #tpu.dimension_semantics<subcore_parallel>], iteration_bounds = array<i64: 2, 16>, scalar_prefetch = 0 : i64, scratch_operands = 25 : i64, tpu.core_type = #tpu.core_type<sc_vector_subcore>, window_params = [{transform_indices = #map}, {transform_indices = #map1}, {transform_indices = #map}]} {
    %mul3A = arith.constant 2 : i32
    %mul3A_0 = arith.muli %arg1, %mul3A : i32
    %add3A = arith.addi %mul3A_0, %arg0 : i32
    "tpu.region"() ({
      %run_scoped3A = tpu.sem_alloc : memref<!tpu.dma_semaphore, #tpu.memory_space<semaphore_mem>>
      tpu.enqueue_dma source(%arg3 : memref<256xi32, #tpu.memory_space<hbm>>) target(%arg5 : memref<256xi32, #tpu.memory_space<vmem>>) target_semaphore(%run_scoped3A : memref<!tpu.dma_semaphore, #tpu.memory_space<semaphore_mem>>)
      tpu.wait_dma2 semaphore(%run_scoped3A : memref<!tpu.dma_semaphore, #tpu.memory_space<semaphore_mem>>) src(%arg3 : memref<256xi32, #tpu.memory_space<hbm>>) dst(%arg5 : memref<256xi32, #tpu.memory_space<vmem>>)
      tpu.yield
    }) : () -> ()
    %mul3A_1 = arith.constant 2 : i32
    %mul3A_2 = arith.muli %add3A, %mul3A_1 : i32
    %add3A_3 = arith.constant 0 : i32
    %add3A_4 = arith.addi %mul3A_2, %add3A_3 : i32
    %dma_start3A = arith.constant 0 : i32
    %dma_start3A_5 = tpu.memref_slice %arg5[%dma_start3A] : memref<256xi32, #tpu.memory_space<vmem>> -> memref<16xi32, #tpu.memory_space<vmem>>
    %dma_start3A_6 = arith.constant 0 : i32
    %dma_start3A_7 = arith.constant 0 : i32
    %dma_start3A_8 = tpu.memref_slice %arg2[%add3A_4, %dma_start3A_6, %dma_start3A_7] : memref<64x256x768xf32, #tpu.memory_space<hbm>> -> memref<1x256x768xf32, #tpu.memory_space<hbm>>
    %dma_start3A_9 = tpu.memref_squeeze %dma_start3A_8 : memref<1x256x768xf32, #tpu.memory_space<hbm>> -> memref<256x768xf32, #tpu.memory_space<hbm>>
    %dma_start3A_10 = arith.constant 0 : i32
    %dma_start3A_11 = arith.constant 0 : i32
    %dma_start3A_12 = tpu.memref_slice %dma_start3A_9[%dma_start3A_10, %dma_start3A_11] : memref<256x768xf32, #tpu.memory_space<hbm>> -> memref<256x768xf32, #tpu.memory_space<hbm>>
    tpu.enqueue_indirect_dma source(%dma_start3A_12 : memref<256x768xf32, #tpu.memory_space<hbm>>) target(%arg6 : memref<16x768xf32, #tpu.memory_space<vmem>>) offsets(%dma_start3A_5 : memref<16xi32, #tpu.memory_space<vmem>>) semaphore(%arg14 : memref<!tpu.dma_semaphore, #tpu.memory_space<semaphore_mem>>)
    %mul3A_13 = arith.constant 2 : i32
    %mul3A_14 = arith.muli %add3A, %mul3A_13 : i32
    %add3A_15 = arith.constant 0 : i32
    %add3A_16 = arith.addi %mul3A_14, %add3A_15 : i32
    %dma_start3A_17 = arith.constant 16 : i32
    %dma_start3A_18 = tpu.memref_slice %arg5[%dma_start3A_17] : memref<256xi32, #tpu.memory_space<vmem>> -> memref<16xi32, #tpu.memory_space<vmem>>
    %dma_start3A_19 = arith.constant 0 : i32
    %dma_start3A_20 = arith.constant 0 : i32
    %dma_start3A_21 = tpu.memref_slice %arg2[%add3A_16, %dma_start3A_19, %dma_start3A_20] : memref<64x256x768xf32, #tpu.memory_space<hbm>> -> memref<1x256x768xf32, #tpu.memory_space<hbm>>
    %dma_start3A_22 = tpu.memref_squeeze %dma_start3A_21 : memref<1x256x768xf32, #tpu.memory_space<hbm>> -> memref<256x768xf32, #tpu.memory_space<hbm>>
    %dma_start3A_23 = arith.constant 0 : i32
    %dma_start3A_24 = arith.constant 0 : i32
    %dma_start3A_25 = tpu.memref_slice %dma_start3A_22[%dma_start3A_23, %dma_start3A_24] : memref<256x768xf32, #tpu.memory_space<hbm>> -> memref<256x768xf32, #tpu.memory_space<hbm>>
    tpu.enqueue_indirect_dma source(%dma_start3A_25 : memref<256x768xf32, #tpu.memory_space<hbm>>) target(%arg7 : memref<16x768xf32, #tpu.memory_space<vmem>>) offsets(%dma_start3A_18 : memref<16xi32, #tpu.memory_space<vmem>>) semaphore(%arg15 : memref<!tpu.dma_semaphore, #tpu.memory_space<semaphore_mem>>)
    %mul3A_26 = arith.constant 2 : i32
    %mul3A_27 = arith.muli %add3A, %mul3A_26 : i32
    %add3A_28 = arith.constant 0 : i32
    %add3A_29 = arith.addi %mul3A_27, %add3A_28 : i32
    %dma_start3A_30 = arith.constant 32 : i32
    %dma_start3A_31 = tpu.memref_slice %arg5[%dma_start3A_30] : memref<256xi32, #tpu.memory_space<vmem>> -> memref<16xi32, #tpu.memory_space<vmem>>
    %dma_start3A_32 = arith.constant 0 : i32
    %dma_start3A_33 = arith.constant 0 : i32
    %dma_start3A_34 = tpu.memref_slice %arg2[%add3A_29, %dma_start3A_32, %dma_start3A_33] : memref<64x256x768xf32, #tpu.memory_space<hbm>> -> memref<1x256x768xf32, #tpu.memory_space<hbm>>
    %dma_start3A_35 = tpu.memref_squeeze %dma_start3A_34 : memref<1x256x768xf32, #tpu.memory_space<hbm>> -> memref<256x768xf32, #tpu.memory_space<hbm>>
    %dma_start3A_36 = arith.constant 0 : i32
    %dma_start3A_37 = arith.constant 0 : i32
    %dma_start3A_38 = tpu.memref_slice %dma_start3A_35[%dma_start3A_36, %dma_start3A_37] : memref<256x768xf32, #tpu.memory_space<hbm>> -> memref<256x768xf32, #tpu.memory_space<hbm>>
    tpu.enqueue_indirect_dma source(%dma_start3A_38 : memref<256x768xf32, #tpu.memory_space<hbm>>) target(%arg8 : memref<16x768xf32, #tpu.memory_space<vmem>>) offsets(%dma_start3A_31 : memref<16xi32, #tpu.memory_space<vmem>>) semaphore(%arg16 : memref<!tpu.dma_semaphore, #tpu.memory_space<semaphore_mem>>)
    %mul3A_39 = arith.constant 2 : i32
    %mul3A_40 = arith.muli %add3A, %mul3A_39 : i32
    %add3A_41 = arith.constant 0 : i32
    %add3A_42 = arith.addi %mul3A_40, %add3A_41 : i32
    %dma_start3A_43 = arith.constant 48 : i32
    %dma_start3A_44 = tpu.memref_slice %arg5[%dma_start3A_43] : memref<256xi32, #tpu.memory_space<vmem>> -> memref<16xi32, #tpu.memory_space<vmem>>
    %dma_start3A_45 = arith.constant 0 : i32
    %dma_start3A_46 = arith.constant 0 : i32
    %dma_start3A_47 = tpu.memref_slice %arg2[%add3A_42, %dma_start3A_45, %dma_start3A_46] : memref<64x256x768xf32, #tpu.memory_space<hbm>> -> memref<1x256x768xf32, #tpu.memory_space<hbm>>
    %dma_start3A_48 = tpu.memref_squeeze %dma_start3A_47 : memref<1x256x768xf32, #tpu.memory_space<hbm>> -> memref<256x768xf32, #tpu.memory_space<hbm>>
    %dma_start3A_49 = arith.constant 0 : i32
    %dma_start3A_50 = arith.constant 0 : i32
    %dma_start3A_51 = tpu.memref_slice %dma_start3A_48[%dma_start3A_49, %dma_start3A_50] : memref<256x768xf32, #tpu.memory_space<hbm>> -> memref<256x768xf32, #tpu.memory_space<hbm>>
    tpu.enqueue_indirect_dma source(%dma_start3A_51 : memref<256x768xf32, #tpu.memory_space<hbm>>) target(%arg9 : memref<16x768xf32, #tpu.memory_space<vmem>>) offsets(%dma_start3A_44 : memref<16xi32, #tpu.memory_space<vmem>>) semaphore(%arg17 : memref<!tpu.dma_semaphore, #tpu.memory_space<semaphore_mem>>)
    %dma_wait3A = arith.constant 0 : i32
    %dma_wait3A_52 = tpu.memref_slice %arg5[%dma_wait3A] : memref<256xi32, #tpu.memory_space<vmem>> -> memref<16xi32, #tpu.memory_space<vmem>>
    %dma_wait3A_53 = arith.constant 0 : i32
    %dma_wait3A_54 = arith.constant 0 : i32
    %dma_wait3A_55 = tpu.memref_slice %arg2[%add3A_4, %dma_wait3A_53, %dma_wait3A_54] : memref<64x256x768xf32, #tpu.memory_space<hbm>> -> memref<1x256x768xf32, #tpu.memory_space<hbm>>
    %dma_wait3A_56 = tpu.memref_squeeze %dma_wait3A_55 : memref<1x256x768xf32, #tpu.memory_space<hbm>> -> memref<256x768xf32, #tpu.memory_space<hbm>>
    %dma_wait3A_57 = arith.constant 0 : i32
    %dma_wait3A_58 = arith.constant 0 : i32
    %dma_wait3A_59 = tpu.memref_slice %dma_wait3A_56[%dma_wait3A_57, %dma_wait3A_58] : memref<256x768xf32, #tpu.memory_space<hbm>> -> memref<256x768xf32, #tpu.memory_space<hbm>>
    tpu.wait_indirect_dma semaphore(%arg14 : memref<!tpu.dma_semaphore, #tpu.memory_space<semaphore_mem>>) src(%dma_wait3A_59 : memref<256x768xf32, #tpu.memory_space<hbm>>) dst(%arg6 : memref<16x768xf32, #tpu.memory_space<vmem>>)
    %mul3A_60 = arith.constant 2 : i32
    %mul3A_61 = arith.muli %add3A, %mul3A_60 : i32
    %add3A_62 = arith.constant 0 : i32
    %add3A_63 = arith.addi %mul3A_61, %add3A_62 : i32
    %dma_start3A_64 = arith.constant 0 : i32
    %dma_start3A_65 = arith.constant 0 : i32
    %dma_start3A_66 = tpu.memref_slice %arg4[%add3A_63, %dma_start3A_64, %dma_start3A_65] : memref<64x256x768xf32, #tpu.memory_space<hbm>> -> memref<1x16x768xf32, #tpu.memory_space<hbm>>
    %dma_start3A_67 = tpu.memref_squeeze %dma_start3A_66 : memref<1x16x768xf32, #tpu.memory_space<hbm>> -> memref<16x768xf32, #tpu.memory_space<hbm>>
    %dma_start3A_68 = arith.constant 0 : i32
    %dma_start3A_69 = arith.constant 0 : i32
    %dma_start3A_70 = tpu.memref_slice %arg4[%add3A_63, %dma_start3A_68, %dma_start3A_69] : memref<64x256x768xf32, #tpu.memory_space<hbm>> -> memref<1x16x768xf32, #tpu.memory_space<hbm>>
    %dma_start3A_71 = tpu.memref_squeeze %dma_start3A_70 : memref<1x16x768xf32, #tpu.memory_space<hbm>> -> memref<16x768xf32, #tpu.memory_space<hbm>>
    tpu.enqueue_dma source(%arg6 : memref<16x768xf32, #tpu.memory_space<vmem>>) target(%dma_start3A_71 : memref<16x768xf32, #tpu.memory_space<hbm>>) target_semaphore(%arg22 : memref<!tpu.dma_semaphore, #tpu.memory_space<semaphore_mem>>)
    %mul3A_72 = arith.constant 2 : i32
    %mul3A_73 = arith.muli %add3A, %mul3A_72 : i32
    %add3A_74 = arith.constant 0 : i32
    %add3A_75 = arith.addi %mul3A_73, %add3A_74 : i32
    %dma_start3A_76 = arith.constant 64 : i32
    %dma_start3A_77 = tpu.memref_slice %arg5[%dma_start3A_76] : memref<256xi32, #tpu.memory_space<vmem>> -> memref<16xi32, #tpu.memory_space<vmem>>
    %dma_start3A_78 = arith.constant 0 : i32
    %dma_start3A_79 = arith.constant 0 : i32
    %dma_start3A_80 = tpu.memref_slice %arg2[%add3A_75, %dma_start3A_78, %dma_start3A_79] : memref<64x256x768xf32, #tpu.memory_space<hbm>> -> memref<1x256x768xf32, #tpu.memory_space<hbm>>
    %dma_start3A_81 = tpu.memref_squeeze %dma_start3A_80 : memref<1x256x768xf32, #tpu.memory_space<hbm>> -> memref<256x768xf32, #tpu.memory_space<hbm>>
    %dma_start3A_82 = arith.constant 0 : i32
    %dma_start3A_83 = arith.constant 0 : i32
    %dma_start3A_84 = tpu.memref_slice %dma_start3A_81[%dma_start3A_82, %dma_start3A_83] : memref<256x768xf32, #tpu.memory_space<hbm>> -> memref<256x768xf32, #tpu.memory_space<hbm>>
    tpu.enqueue_indirect_dma source(%dma_start3A_84 : memref<256x768xf32, #tpu.memory_space<hbm>>) target(%arg10 : memref<16x768xf32, #tpu.memory_space<vmem>>) offsets(%dma_start3A_77 : memref<16xi32, #tpu.memory_space<vmem>>) semaphore(%arg18 : memref<!tpu.dma_semaphore, #tpu.memory_space<semaphore_mem>>)
    %dma_wait3A_85 = arith.constant 16 : i32
    %dma_wait3A_86 = tpu.memref_slice %arg5[%dma_wait3A_85] : memref<256xi32, #tpu.memory_space<vmem>> -> memref<16xi32, #tpu.memory_space<vmem>>
    %dma_wait3A_87 = arith.constant 0 : i32
    %dma_wait3A_88 = arith.constant 0 : i32
    %dma_wait3A_89 = tpu.memref_slice %arg2[%add3A_16, %dma_wait3A_87, %dma_wait3A_88] : memref<64x256x768xf32, #tpu.memory_space<hbm>> -> memref<1x256x768xf32, #tpu.memory_space<hbm>>
    %dma_wait3A_90 = tpu.memref_squeeze %dma_wait3A_89 : memref<1x256x768xf32, #tpu.memory_space<hbm>> -> memref<256x768xf32, #tpu.memory_space<hbm>>
    %dma_wait3A_91 = arith.constant 0 : i32
    %dma_wait3A_92 = arith.constant 0 : i32
    %dma_wait3A_93 = tpu.memref_slice %dma_wait3A_90[%dma_wait3A_91, %dma_wait3A_92] : memref<256x768xf32, #tpu.memory_space<hbm>> -> memref<256x768xf32, #tpu.memory_space<hbm>>
    tpu.wait_indirect_dma semaphore(%arg15 : memref<!tpu.dma_semaphore, #tpu.memory_space<semaphore_mem>>) src(%dma_wait3A_93 : memref<256x768xf32, #tpu.memory_space<hbm>>) dst(%arg7 : memref<16x768xf32, #tpu.memory_space<vmem>>)
    %mul3A_94 = arith.constant 2 : i32
    %mul3A_95 = arith.muli %add3A, %mul3A_94 : i32
    %add3A_96 = arith.constant 0 : i32
    %add3A_97 = arith.addi %mul3A_95, %add3A_96 : i32
    %dma_start3A_98 = arith.constant 16 : i32
    %dma_start3A_99 = arith.constant 0 : i32
    %dma_start3A_100 = tpu.memref_slice %arg4[%add3A_97, %dma_start3A_98, %dma_start3A_99] : memref<64x256x768xf32, #tpu.memory_space<hbm>> -> memref<1x16x768xf32, #tpu.memory_space<hbm>>
    %dma_start3A_101 = tpu.memref_squeeze %dma_start3A_100 : memref<1x16x768xf32, #tpu.memory_space<hbm>> -> memref<16x768xf32, #tpu.memory_space<hbm>>
    %dma_start3A_102 = arith.constant 16 : i32
    %dma_start3A_103 = arith.constant 0 : i32
    %dma_start3A_104 = tpu.memref_slice %arg4[%add3A_97, %dma_start3A_102, %dma_start3A_103] : memref<64x256x768xf32, #tpu.memory_space<hbm>> -> memref<1x16x768xf32, #tpu.memory_space<hbm>>
    %dma_start3A_105 = tpu.memref_squeeze %dma_start3A_104 : memref<1x16x768xf32, #tpu.memory_space<hbm>> -> memref<16x768xf32, #tpu.memory_space<hbm>>
    tpu.enqueue_dma source(%arg7 : memref<16x768xf32, #tpu.memory_space<vmem>>) target(%dma_start3A_105 : memref<16x768xf32, #tpu.memory_space<hbm>>) target_semaphore(%arg23 : memref<!tpu.dma_semaphore, #tpu.memory_space<semaphore_mem>>)
    %mul3A_106 = arith.constant 2 : i32
    %mul3A_107 = arith.muli %add3A, %mul3A_106 : i32
    %add3A_108 = arith.constant 0 : i32
    %add3A_109 = arith.addi %mul3A_107, %add3A_108 : i32
    %dma_start3A_110 = arith.constant 80 : i32
    %dma_start3A_111 = tpu.memref_slice %arg5[%dma_start3A_110] : memref<256xi32, #tpu.memory_space<vmem>> -> memref<16xi32, #tpu.memory_space<vmem>>
    %dma_start3A_112 = arith.constant 0 : i32
    %dma_start3A_113 = arith.constant 0 : i32
    %dma_start3A_114 = tpu.memref_slice %arg2[%add3A_109, %dma_start3A_112, %dma_start3A_113] : memref<64x256x768xf32, #tpu.memory_space<hbm>> -> memref<1x256x768xf32, #tpu.memory_space<hbm>>
    %dma_start3A_115 = tpu.memref_squeeze %dma_start3A_114 : memref<1x256x768xf32, #tpu.memory_space<hbm>> -> memref<256x768xf32, #tpu.memory_space<hbm>>
    %dma_start3A_116 = arith.constant 0 : i32
    %dma_start3A_117 = arith.constant 0 : i32
    %dma_start3A_118 = tpu.memref_slice %dma_start3A_115[%dma_start3A_116, %dma_start3A_117] : memref<256x768xf32, #tpu.memory_space<hbm>> -> memref<256x768xf32, #tpu.memory_space<hbm>>
    tpu.enqueue_indirect_dma source(%dma_start3A_118 : memref<256x768xf32, #tpu.memory_space<hbm>>) target(%arg11 : memref<16x768xf32, #tpu.memory_space<vmem>>) offsets(%dma_start3A_111 : memref<16xi32, #tpu.memory_space<vmem>>) semaphore(%arg19 : memref<!tpu.dma_semaphore, #tpu.memory_space<semaphore_mem>>)
    %dma_wait3A_119 = arith.constant 32 : i32
    %dma_wait3A_120 = tpu.memref_slice %arg5[%dma_wait3A_119] : memref<256xi32, #tpu.memory_space<vmem>> -> memref<16xi32, #tpu.memory_space<vmem>>
    %dma_wait3A_121 = arith.constant 0 : i32
    %dma_wait3A_122 = arith.constant 0 : i32
    %dma_wait3A_123 = tpu.memref_slice %arg2[%add3A_29, %dma_wait3A_121, %dma_wait3A_122] : memref<64x256x768xf32, #tpu.memory_space<hbm>> -> memref<1x256x768xf32, #tpu.memory_space<hbm>>
    %dma_wait3A_124 = tpu.memref_squeeze %dma_wait3A_123 : memref<1x256x768xf32, #tpu.memory_space<hbm>> -> memref<256x768xf32, #tpu.memory_space<hbm>>
    %dma_wait3A_125 = arith.constant 0 : i32
    %dma_wait3A_126 = arith.constant 0 : i32
    %dma_wait3A_127 = tpu.memref_slice %dma_wait3A_124[%dma_wait3A_125, %dma_wait3A_126] : memref<256x768xf32, #tpu.memory_space<hbm>> -> memref<256x768xf32, #tpu.memory_space<hbm>>
    tpu.wait_indirect_dma semaphore(%arg16 : memref<!tpu.dma_semaphore, #tpu.memory_space<semaphore_mem>>) src(%dma_wait3A_127 : memref<256x768xf32, #tpu.memory_space<hbm>>) dst(%arg8 : memref<16x768xf32, #tpu.memory_space<vmem>>)
    %mul3A_128 = arith.constant 2 : i32
    %mul3A_129 = arith.muli %add3A, %mul3A_128 : i32
    %add3A_130 = arith.constant 0 : i32
    %add3A_131 = arith.addi %mul3A_129, %add3A_130 : i32
    %dma_start3A_132 = arith.constant 32 : i32
    %dma_start3A_133 = arith.constant 0 : i32
    %dma_start3A_134 = tpu.memref_slice %arg4[%add3A_131, %dma_start3A_132, %dma_start3A_133] : memref<64x256x768xf32, #tpu.memory_space<hbm>> -> memref<1x16x768xf32, #tpu.memory_space<hbm>>
    %dma_start3A_135 = tpu.memref_squeeze %dma_start3A_134 : memref<1x16x768xf32, #tpu.memory_space<hbm>> -> memref<16x768xf32, #tpu.memory_space<hbm>>
    %dma_start3A_136 = arith.constant 32 : i32
    %dma_start3A_137 = arith.constant 0 : i32
    %dma_start3A_138 = tpu.memref_slice %arg4[%add3A_131, %dma_start3A_136, %dma_start3A_137] : memref<64x256x768xf32, #tpu.memory_space<hbm>> -> memref<1x16x768xf32, #tpu.memory_space<hbm>>
    %dma_start3A_139 = tpu.memref_squeeze %dma_start3A_138 : memref<1x16x768xf32, #tpu.memory_space<hbm>> -> memref<16x768xf32, #tpu.memory_space<hbm>>
    tpu.enqueue_dma source(%arg8 : memref<16x768xf32, #tpu.memory_space<vmem>>) target(%dma_start3A_139 : memref<16x768xf32, #tpu.memory_space<hbm>>) target_semaphore(%arg24 : memref<!tpu.dma_semaphore, #tpu.memory_space<semaphore_mem>>)
    %mul3A_140 = arith.constant 2 : i32
    %mul3A_141 = arith.muli %add3A, %mul3A_140 : i32
    %add3A_142 = arith.constant 0 : i32
    %add3A_143 = arith.addi %mul3A_141, %add3A_142 : i32
    %dma_start3A_144 = arith.constant 96 : i32
    %dma_start3A_145 = tpu.memref_slice %arg5[%dma_start3A_144] : memref<256xi32, #tpu.memory_space<vmem>> -> memref<16xi32, #tpu.memory_space<vmem>>
    %dma_start3A_146 = arith.constant 0 : i32
    %dma_start3A_147 = arith.constant 0 : i32
    %dma_start3A_148 = tpu.memref_slice %arg2[%add3A_143, %dma_start3A_146, %dma_start3A_147] : memref<64x256x768xf32, #tpu.memory_space<hbm>> -> memref<1x256x768xf32, #tpu.memory_space<hbm>>
    %dma_start3A_149 = tpu.memref_squeeze %dma_start3A_148 : memref<1x256x768xf32, #tpu.memory_space<hbm>> -> memref<256x768xf32, #tpu.memory_space<hbm>>
    %dma_start3A_150 = arith.constant 0 : i32
    %dma_start3A_151 = arith.constant 0 : i32
    %dma_start3A_152 = tpu.memref_slice %dma_start3A_149[%dma_start3A_150, %dma_start3A_151] : memref<256x768xf32, #tpu.memory_space<hbm>> -> memref<256x768xf32, #tpu.memory_space<hbm>>
    tpu.enqueue_indirect_dma source(%dma_start3A_152 : memref<256x768xf32, #tpu.memory_space<hbm>>) target(%arg12 : memref<16x768xf32, #tpu.memory_space<vmem>>) offsets(%dma_start3A_145 : memref<16xi32, #tpu.memory_space<vmem>>) semaphore(%arg20 : memref<!tpu.dma_semaphore, #tpu.memory_space<semaphore_mem>>)
    %dma_wait3A_153 = arith.constant 48 : i32
    %dma_wait3A_154 = tpu.memref_slice %arg5[%dma_wait3A_153] : memref<256xi32, #tpu.memory_space<vmem>> -> memref<16xi32, #tpu.memory_space<vmem>>
    %dma_wait3A_155 = arith.constant 0 : i32
    %dma_wait3A_156 = arith.constant 0 : i32
    %dma_wait3A_157 = tpu.memref_slice %arg2[%add3A_42, %dma_wait3A_155, %dma_wait3A_156] : memref<64x256x768xf32, #tpu.memory_space<hbm>> -> memref<1x256x768xf32, #tpu.memory_space<hbm>>
    %dma_wait3A_158 = tpu.memref_squeeze %dma_wait3A_157 : memref<1x256x768xf32, #tpu.memory_space<hbm>> -> memref<256x768xf32, #tpu.memory_space<hbm>>
    %dma_wait3A_159 = arith.constant 0 : i32
    %dma_wait3A_160 = arith.constant 0 : i32
    %dma_wait3A_161 = tpu.memref_slice %dma_wait3A_158[%dma_wait3A_159, %dma_wait3A_160] : memref<256x768xf32, #tpu.memory_space<hbm>> -> memref<256x768xf32, #tpu.memory_space<hbm>>
    tpu.wait_indirect_dma semaphore(%arg17 : memref<!tpu.dma_semaphore, #tpu.memory_space<semaphore_mem>>) src(%dma_wait3A_161 : memref<256x768xf32, #tpu.memory_space<hbm>>) dst(%arg9 : memref<16x768xf32, #tpu.memory_space<vmem>>)
    %mul3A_162 = arith.constant 2 : i32
    %mul3A_163 = arith.muli %add3A, %mul3A_162 : i32
    %add3A_164 = arith.constant 0 : i32
    %add3A_165 = arith.addi %mul3A_163, %add3A_164 : i32
    %dma_start3A_166 = arith.constant 48 : i32
    %dma_start3A_167 = arith.constant 0 : i32
    %dma_start3A_168 = tpu.memref_slice %arg4[%add3A_165, %dma_start3A_166, %dma_start3A_167] : memref<64x256x768xf32, #tpu.memory_space<hbm>> -> memref<1x16x768xf32, #tpu.memory_space<hbm>>
    %dma_start3A_169 = tpu.memref_squeeze %dma_start3A_168 : memref<1x16x768xf32, #tpu.memory_space<hbm>> -> memref<16x768xf32, #tpu.memory_space<hbm>>
    %dma_start3A_170 = arith.constant 48 : i32
    %dma_start3A_171 = arith.constant 0 : i32
    %dma_start3A_172 = tpu.memref_slice %arg4[%add3A_165, %dma_start3A_170, %dma_start3A_171] : memref<64x256x768xf32, #tpu.memory_space<hbm>> -> memref<1x16x768xf32, #tpu.memory_space<hbm>>
    %dma_start3A_173 = tpu.memref_squeeze %dma_start3A_172 : memref<1x16x768xf32, #tpu.memory_space<hbm>> -> memref<16x768xf32, #tpu.memory_space<hbm>>
    tpu.enqueue_dma source(%arg9 : memref<16x768xf32, #tpu.memory_space<vmem>>) target(%dma_start3A_173 : memref<16x768xf32, #tpu.memory_space<hbm>>) target_semaphore(%arg25 : memref<!tpu.dma_semaphore, #tpu.memory_space<semaphore_mem>>)
    %mul3A_174 = arith.constant 2 : i32
    %mul3A_175 = arith.muli %add3A, %mul3A_174 : i32
    %add3A_176 = arith.constant 0 : i32
    %add3A_177 = arith.addi %mul3A_175, %add3A_176 : i32
    %dma_start3A_178 = arith.constant 112 : i32
    %dma_start3A_179 = tpu.memref_slice %arg5[%dma_start3A_178] : memref<256xi32, #tpu.memory_space<vmem>> -> memref<16xi32, #tpu.memory_space<vmem>>
    %dma_start3A_180 = arith.constant 0 : i32
    %dma_start3A_181 = arith.constant 0 : i32
    %dma_start3A_182 = tpu.memref_slice %arg2[%add3A_177, %dma_start3A_180, %dma_start3A_181] : memref<64x256x768xf32, #tpu.memory_space<hbm>> -> memref<1x256x768xf32, #tpu.memory_space<hbm>>
    %dma_start3A_183 = tpu.memref_squeeze %dma_start3A_182 : memref<1x256x768xf32, #tpu.memory_space<hbm>> -> memref<256x768xf32, #tpu.memory_space<hbm>>
    %dma_start3A_184 = arith.constant 0 : i32
    %dma_start3A_185 = arith.constant 0 : i32
    %dma_start3A_186 = tpu.memref_slice %dma_start3A_183[%dma_start3A_184, %dma_start3A_185] : memref<256x768xf32, #tpu.memory_space<hbm>> -> memref<256x768xf32, #tpu.memory_space<hbm>>
    tpu.enqueue_indirect_dma source(%dma_start3A_186 : memref<256x768xf32, #tpu.memory_space<hbm>>) target(%arg13 : memref<16x768xf32, #tpu.memory_space<vmem>>) offsets(%dma_start3A_179 : memref<16xi32, #tpu.memory_space<vmem>>) semaphore(%arg21 : memref<!tpu.dma_semaphore, #tpu.memory_space<semaphore_mem>>)
    %dma_wait3A_187 = arith.constant 64 : i32
    %dma_wait3A_188 = tpu.memref_slice %arg5[%dma_wait3A_187] : memref<256xi32, #tpu.memory_space<vmem>> -> memref<16xi32, #tpu.memory_space<vmem>>
    %dma_wait3A_189 = arith.constant 0 : i32
    %dma_wait3A_190 = arith.constant 0 : i32
    %dma_wait3A_191 = tpu.memref_slice %arg2[%add3A_75, %dma_wait3A_189, %dma_wait3A_190] : memref<64x256x768xf32, #tpu.memory_space<hbm>> -> memref<1x256x768xf32, #tpu.memory_space<hbm>>
    %dma_wait3A_192 = tpu.memref_squeeze %dma_wait3A_191 : memref<1x256x768xf32, #tpu.memory_space<hbm>> -> memref<256x768xf32, #tpu.memory_space<hbm>>
    %dma_wait3A_193 = arith.constant 0 : i32
    %dma_wait3A_194 = arith.constant 0 : i32
    %dma_wait3A_195 = tpu.memref_slice %dma_wait3A_192[%dma_wait3A_193, %dma_wait3A_194] : memref<256x768xf32, #tpu.memory_space<hbm>> -> memref<256x768xf32, #tpu.memory_space<hbm>>
    tpu.wait_indirect_dma semaphore(%arg18 : memref<!tpu.dma_semaphore, #tpu.memory_space<semaphore_mem>>) src(%dma_wait3A_195 : memref<256x768xf32, #tpu.memory_space<hbm>>) dst(%arg10 : memref<16x768xf32, #tpu.memory_space<vmem>>)
    %mul3A_196 = arith.constant 2 : i32
    %mul3A_197 = arith.muli %add3A, %mul3A_196 : i32
    %add3A_198 = arith.constant 0 : i32
    %add3A_199 = arith.addi %mul3A_197, %add3A_198 : i32
    %dma_start3A_200 = arith.constant 64 : i32
    %dma_start3A_201 = arith.constant 0 : i32
    %dma_start3A_202 = tpu.memref_slice %arg4[%add3A_199, %dma_start3A_200, %dma_start3A_201] : memref<64x256x768xf32, #tpu.memory_space<hbm>> -> memref<1x16x768xf32, #tpu.memory_space<hbm>>
    %dma_start3A_203 = tpu.memref_squeeze %dma_start3A_202 : memref<1x16x768xf32, #tpu.memory_space<hbm>> -> memref<16x768xf32, #tpu.memory_space<hbm>>
    %dma_start3A_204 = arith.constant 64 : i32
    %dma_start3A_205 = arith.constant 0 : i32
    %dma_start3A_206 = tpu.memref_slice %arg4[%add3A_199, %dma_start3A_204, %dma_start3A_205] : memref<64x256x768xf32, #tpu.memory_space<hbm>> -> memref<1x16x768xf32, #tpu.memory_space<hbm>>
    %dma_start3A_207 = tpu.memref_squeeze %dma_start3A_206 : memref<1x16x768xf32, #tpu.memory_space<hbm>> -> memref<16x768xf32, #tpu.memory_space<hbm>>
    tpu.enqueue_dma source(%arg10 : memref<16x768xf32, #tpu.memory_space<vmem>>) target(%dma_start3A_207 : memref<16x768xf32, #tpu.memory_space<hbm>>) target_semaphore(%arg26 : memref<!tpu.dma_semaphore, #tpu.memory_space<semaphore_mem>>)
    %dma_wait3A_208 = arith.constant 0 : i32
    %dma_wait3A_209 = arith.constant 0 : i32
    %dma_wait3A_210 = tpu.memref_slice %arg4[%add3A_63, %dma_wait3A_208, %dma_wait3A_209] : memref<64x256x768xf32, #tpu.memory_space<hbm>> -> memref<1x16x768xf32, #tpu.memory_space<hbm>>
    %dma_wait3A_211 = tpu.memref_squeeze %dma_wait3A_210 : memref<1x16x768xf32, #tpu.memory_space<hbm>> -> memref<16x768xf32, #tpu.memory_space<hbm>>
    %dma_wait3A_212 = arith.constant 0 : i32
    %dma_wait3A_213 = arith.constant 0 : i32
    %dma_wait3A_214 = tpu.memref_slice %arg4[%add3A_63, %dma_wait3A_212, %dma_wait3A_213] : memref<64x256x768xf32, #tpu.memory_space<hbm>> -> memref<1x16x768xf32, #tpu.memory_space<hbm>>
    %dma_wait3A_215 = tpu.memref_squeeze %dma_wait3A_214 : memref<1x16x768xf32, #tpu.memory_space<hbm>> -> memref<16x768xf32, #tpu.memory_space<hbm>>
    tpu.wait_dma2 semaphore(%arg22 : memref<!tpu.dma_semaphore, #tpu.memory_space<semaphore_mem>>) src(%arg6 : memref<16x768xf32, #tpu.memory_space<vmem>>) dst(%dma_wait3A_215 : memref<16x768xf32, #tpu.memory_space<hbm>>)
    %mul3A_216 = arith.constant 2 : i32
    %mul3A_217 = arith.muli %add3A, %mul3A_216 : i32
    %add3A_218 = arith.constant 0 : i32
    %add3A_219 = arith.addi %mul3A_217, %add3A_218 : i32
    %dma_start3A_220 = arith.constant 128 : i32
    %dma_start3A_221 = tpu.memref_slice %arg5[%dma_start3A_220] : memref<256xi32, #tpu.memory_space<vmem>> -> memref<16xi32, #tpu.memory_space<vmem>>
    %dma_start3A_222 = arith.constant 0 : i32
    %dma_start3A_223 = arith.constant 0 : i32
    %dma_start3A_224 = tpu.memref_slice %arg2[%add3A_219, %dma_start3A_222, %dma_start3A_223] : memref<64x256x768xf32, #tpu.memory_space<hbm>> -> memref<1x256x768xf32, #tpu.memory_space<hbm>>
    %dma_start3A_225 = tpu.memref_squeeze %dma_start3A_224 : memref<1x256x768xf32, #tpu.memory_space<hbm>> -> memref<256x768xf32, #tpu.memory_space<hbm>>
    %dma_start3A_226 = arith.constant 0 : i32
    %dma_start3A_227 = arith.constant 0 : i32
    %dma_start3A_228 = tpu.memref_slice %dma_start3A_225[%dma_start3A_226, %dma_start3A_227] : memref<256x768xf32, #tpu.memory_space<hbm>> -> memref<256x768xf32, #tpu.memory_space<hbm>>
    tpu.enqueue_indirect_dma source(%dma_start3A_228 : memref<256x768xf32, #tpu.memory_space<hbm>>) target(%arg6 : memref<16x768xf32, #tpu.memory_space<vmem>>) offsets(%dma_start3A_221 : memref<16xi32, #tpu.memory_space<vmem>>) semaphore(%arg14 : memref<!tpu.dma_semaphore, #tpu.memory_space<semaphore_mem>>)
    %dma_wait3A_229 = arith.constant 80 : i32
    %dma_wait3A_230 = tpu.memref_slice %arg5[%dma_wait3A_229] : memref<256xi32, #tpu.memory_space<vmem>> -> memref<16xi32, #tpu.memory_space<vmem>>
    %dma_wait3A_231 = arith.constant 0 : i32
    %dma_wait3A_232 = arith.constant 0 : i32
    %dma_wait3A_233 = tpu.memref_slice %arg2[%add3A_109, %dma_wait3A_231, %dma_wait3A_232] : memref<64x256x768xf32, #tpu.memory_space<hbm>> -> memref<1x256x768xf32, #tpu.memory_space<hbm>>
    %dma_wait3A_234 = tpu.memref_squeeze %dma_wait3A_233 : memref<1x256x768xf32, #tpu.memory_space<hbm>> -> memref<256x768xf32, #tpu.memory_space<hbm>>
    %dma_wait3A_235 = arith.constant 0 : i32
    %dma_wait3A_236 = arith.constant 0 : i32
    %dma_wait3A_237 = tpu.memref_slice %dma_wait3A_234[%dma_wait3A_235, %dma_wait3A_236] : memref<256x768xf32, #tpu.memory_space<hbm>> -> memref<256x768xf32, #tpu.memory_space<hbm>>
    tpu.wait_indirect_dma semaphore(%arg19 : memref<!tpu.dma_semaphore, #tpu.memory_space<semaphore_mem>>) src(%dma_wait3A_237 : memref<256x768xf32, #tpu.memory_space<hbm>>) dst(%arg11 : memref<16x768xf32, #tpu.memory_space<vmem>>)
    %mul3A_238 = arith.constant 2 : i32
    %mul3A_239 = arith.muli %add3A, %mul3A_238 : i32
    %add3A_240 = arith.constant 0 : i32
    %add3A_241 = arith.addi %mul3A_239, %add3A_240 : i32
    %dma_start3A_242 = arith.constant 80 : i32
    %dma_start3A_243 = arith.constant 0 : i32
    %dma_start3A_244 = tpu.memref_slice %arg4[%add3A_241, %dma_start3A_242, %dma_start3A_243] : memref<64x256x768xf32, #tpu.memory_space<hbm>> -> memref<1x16x768xf32, #tpu.memory_space<hbm>>
    %dma_start3A_245 = tpu.memref_squeeze %dma_start3A_244 : memref<1x16x768xf32, #tpu.memory_space<hbm>> -> memref<16x768xf32, #tpu.memory_space<hbm>>
    %dma_start3A_246 = arith.constant 80 : i32
    %dma_start3A_247 = arith.constant 0 : i32
    %dma_start3A_248 = tpu.memref_slice %arg4[%add3A_241, %dma_start3A_246, %dma_start3A_247] : memref<64x256x768xf32, #tpu.memory_space<hbm>> -> memref<1x16x768xf32, #tpu.memory_space<hbm>>
    %dma_start3A_249 = tpu.memref_squeeze %dma_start3A_248 : memref<1x16x768xf32, #tpu.memory_space<hbm>> -> memref<16x768xf32, #tpu.memory_space<hbm>>
    tpu.enqueue_dma source(%arg11 : memref<16x768xf32, #tpu.memory_space<vmem>>) target(%dma_start3A_249 : memref<16x768xf32, #tpu.memory_space<hbm>>) target_semaphore(%arg27 : memref<!tpu.dma_semaphore, #tpu.memory_space<semaphore_mem>>)
    %dma_wait3A_250 = arith.constant 16 : i32
    %dma_wait3A_251 = arith.constant 0 : i32
    %dma_wait3A_252 = tpu.memref_slice %arg4[%add3A_97, %dma_wait3A_250, %dma_wait3A_251] : memref<64x256x768xf32, #tpu.memory_space<hbm>> -> memref<1x16x768xf32, #tpu.memory_space<hbm>>
    %dma_wait3A_253 = tpu.memref_squeeze %dma_wait3A_252 : memref<1x16x768xf32, #tpu.memory_space<hbm>> -> memref<16x768xf32, #tpu.memory_space<hbm>>
    %dma_wait3A_254 = arith.constant 16 : i32
    %dma_wait3A_255 = arith.constant 0 : i32
    %dma_wait3A_256 = tpu.memref_slice %arg4[%add3A_97, %dma_wait3A_254, %dma_wait3A_255] : memref<64x256x768xf32, #tpu.memory_space<hbm>> -> memref<1x16x768xf32, #tpu.memory_space<hbm>>
    %dma_wait3A_257 = tpu.memref_squeeze %dma_wait3A_256 : memref<1x16x768xf32, #tpu.memory_space<hbm>> -> memref<16x768xf32, #tpu.memory_space<hbm>>
    tpu.wait_dma2 semaphore(%arg23 : memref<!tpu.dma_semaphore, #tpu.memory_space<semaphore_mem>>) src(%arg7 : memref<16x768xf32, #tpu.memory_space<vmem>>) dst(%dma_wait3A_257 : memref<16x768xf32, #tpu.memory_space<hbm>>)
    %mul3A_258 = arith.constant 2 : i32
    %mul3A_259 = arith.muli %add3A, %mul3A_258 : i32
    %add3A_260 = arith.constant 0 : i32
    %add3A_261 = arith.addi %mul3A_259, %add3A_260 : i32
    %dma_start3A_262 = arith.constant 144 : i32
    %dma_start3A_263 = tpu.memref_slice %arg5[%dma_start3A_262] : memref<256xi32, #tpu.memory_space<vmem>> -> memref<16xi32, #tpu.memory_space<vmem>>
    %dma_start3A_264 = arith.constant 0 : i32
    %dma_start3A_265 = arith.constant 0 : i32
    %dma_start3A_266 = tpu.memref_slice %arg2[%add3A_261, %dma_start3A_264, %dma_start3A_265] : memref<64x256x768xf32, #tpu.memory_space<hbm>> -> memref<1x256x768xf32, #tpu.memory_space<hbm>>
    %dma_start3A_267 = tpu.memref_squeeze %dma_start3A_266 : memref<1x256x768xf32, #tpu.memory_space<hbm>> -> memref<256x768xf32, #tpu.memory_space<hbm>>
    %dma_start3A_268 = arith.constant 0 : i32
    %dma_start3A_269 = arith.constant 0 : i32
    %dma_start3A_270 = tpu.memref_slice %dma_start3A_267[%dma_start3A_268, %dma_start3A_269] : memref<256x768xf32, #tpu.memory_space<hbm>> -> memref<256x768xf32, #tpu.memory_space<hbm>>
    tpu.enqueue_indirect_dma source(%dma_start3A_270 : memref<256x768xf32, #tpu.memory_space<hbm>>) target(%arg7 : memref<16x768xf32, #tpu.memory_space<vmem>>) offsets(%dma_start3A_263 : memref<16xi32, #tpu.memory_space<vmem>>) semaphore(%arg15 : memref<!tpu.dma_semaphore, #tpu.memory_space<semaphore_mem>>)
    %dma_wait3A_271 = arith.constant 96 : i32
    %dma_wait3A_272 = tpu.memref_slice %arg5[%dma_wait3A_271] : memref<256xi32, #tpu.memory_space<vmem>> -> memref<16xi32, #tpu.memory_space<vmem>>
    %dma_wait3A_273 = arith.constant 0 : i32
    %dma_wait3A_274 = arith.constant 0 : i32
    %dma_wait3A_275 = tpu.memref_slice %arg2[%add3A_143, %dma_wait3A_273, %dma_wait3A_274] : memref<64x256x768xf32, #tpu.memory_space<hbm>> -> memref<1x256x768xf32, #tpu.memory_space<hbm>>
    %dma_wait3A_276 = tpu.memref_squeeze %dma_wait3A_275 : memref<1x256x768xf32, #tpu.memory_space<hbm>> -> memref<256x768xf32, #tpu.memory_space<hbm>>
    %dma_wait3A_277 = arith.constant 0 : i32
    %dma_wait3A_278 = arith.constant 0 : i32
    %dma_wait3A_279 = tpu.memref_slice %dma_wait3A_276[%dma_wait3A_277, %dma_wait3A_278] : memref<256x768xf32, #tpu.memory_space<hbm>> -> memref<256x768xf32, #tpu.memory_space<hbm>>
    tpu.wait_indirect_dma semaphore(%arg20 : memref<!tpu.dma_semaphore, #tpu.memory_space<semaphore_mem>>) src(%dma_wait3A_279 : memref<256x768xf32, #tpu.memory_space<hbm>>) dst(%arg12 : memref<16x768xf32, #tpu.memory_space<vmem>>)
    %mul3A_280 = arith.constant 2 : i32
    %mul3A_281 = arith.muli %add3A, %mul3A_280 : i32
    %add3A_282 = arith.constant 0 : i32
    %add3A_283 = arith.addi %mul3A_281, %add3A_282 : i32
    %dma_start3A_284 = arith.constant 96 : i32
    %dma_start3A_285 = arith.constant 0 : i32
    %dma_start3A_286 = tpu.memref_slice %arg4[%add3A_283, %dma_start3A_284, %dma_start3A_285] : memref<64x256x768xf32, #tpu.memory_space<hbm>> -> memref<1x16x768xf32, #tpu.memory_space<hbm>>
    %dma_start3A_287 = tpu.memref_squeeze %dma_start3A_286 : memref<1x16x768xf32, #tpu.memory_space<hbm>> -> memref<16x768xf32, #tpu.memory_space<hbm>>
    %dma_start3A_288 = arith.constant 96 : i32
    %dma_start3A_289 = arith.constant 0 : i32
    %dma_start3A_290 = tpu.memref_slice %arg4[%add3A_283, %dma_start3A_288, %dma_start3A_289] : memref<64x256x768xf32, #tpu.memory_space<hbm>> -> memref<1x16x768xf32, #tpu.memory_space<hbm>>
    %dma_start3A_291 = tpu.memref_squeeze %dma_start3A_290 : memref<1x16x768xf32, #tpu.memory_space<hbm>> -> memref<16x768xf32, #tpu.memory_space<hbm>>
    tpu.enqueue_dma source(%arg12 : memref<16x768xf32, #tpu.memory_space<vmem>>) target(%dma_start3A_291 : memref<16x768xf32, #tpu.memory_space<hbm>>) target_semaphore(%arg28 : memref<!tpu.dma_semaphore, #tpu.memory_space<semaphore_mem>>)
    %dma_wait3A_292 = arith.constant 32 : i32
    %dma_wait3A_293 = arith.constant 0 : i32
    %dma_wait3A_294 = tpu.memref_slice %arg4[%add3A_131, %dma_wait3A_292, %dma_wait3A_293] : memref<64x256x768xf32, #tpu.memory_space<hbm>> -> memref<1x16x768xf32, #tpu.memory_space<hbm>>
    %dma_wait3A_295 = tpu.memref_squeeze %dma_wait3A_294 : memref<1x16x768xf32, #tpu.memory_space<hbm>> -> memref<16x768xf32, #tpu.memory_space<hbm>>
    %dma_wait3A_296 = arith.constant 32 : i32
    %dma_wait3A_297 = arith.constant 0 : i32
    %dma_wait3A_298 = tpu.memref_slice %arg4[%add3A_131, %dma_wait3A_296, %dma_wait3A_297] : memref<64x256x768xf32, #tpu.memory_space<hbm>> -> memref<1x16x768xf32, #tpu.memory_space<hbm>>
    %dma_wait3A_299 = tpu.memref_squeeze %dma_wait3A_298 : memref<1x16x768xf32, #tpu.memory_space<hbm>> -> memref<16x768xf32, #tpu.memory_space<hbm>>
    tpu.wait_dma2 semaphore(%arg24 : memref<!tpu.dma_semaphore, #tpu.memory_space<semaphore_mem>>) src(%arg8 : memref<16x768xf32, #tpu.memory_space<vmem>>) dst(%dma_wait3A_299 : memref<16x768xf32, #tpu.memory_space<hbm>>)
    %mul3A_300 = arith.constant 2 : i32
    %mul3A_301 = arith.muli %add3A, %mul3A_300 : i32
    %add3A_302 = arith.constant 0 : i32
    %add3A_303 = arith.addi %mul3A_301, %add3A_302 : i32
    %dma_start3A_304 = arith.constant 160 : i32
    %dma_start3A_305 = tpu.memref_slice %arg5[%dma_start3A_304] : memref<256xi32, #tpu.memory_space<vmem>> -> memref<16xi32, #tpu.memory_space<vmem>>
    %dma_start3A_306 = arith.constant 0 : i32
    %dma_start3A_307 = arith.constant 0 : i32
    %dma_start3A_308 = tpu.memref_slice %arg2[%add3A_303, %dma_start3A_306, %dma_start3A_307] : memref<64x256x768xf32, #tpu.memory_space<hbm>> -> memref<1x256x768xf32, #tpu.memory_space<hbm>>
    %dma_start3A_309 = tpu.memref_squeeze %dma_start3A_308 : memref<1x256x768xf32, #tpu.memory_space<hbm>> -> memref<256x768xf32, #tpu.memory_space<hbm>>
    %dma_start3A_310 = arith.constant 0 : i32
    %dma_start3A_311 = arith.constant 0 : i32
    %dma_start3A_312 = tpu.memref_slice %dma_start3A_309[%dma_start3A_310, %dma_start3A_311] : memref<256x768xf32, #tpu.memory_space<hbm>> -> memref<256x768xf32, #tpu.memory_space<hbm>>
    tpu.enqueue_indirect_dma source(%dma_start3A_312 : memref<256x768xf32, #tpu.memory_space<hbm>>) target(%arg8 : memref<16x768xf32, #tpu.memory_space<vmem>>) offsets(%dma_start3A_305 : memref<16xi32, #tpu.memory_space<vmem>>) semaphore(%arg16 : memref<!tpu.dma_semaphore, #tpu.memory_space<semaphore_mem>>)
    %dma_wait3A_313 = arith.constant 112 : i32
    %dma_wait3A_314 = tpu.memref_slice %arg5[%dma_wait3A_313] : memref<256xi32, #tpu.memory_space<vmem>> -> memref<16xi32, #tpu.memory_space<vmem>>
    %dma_wait3A_315 = arith.constant 0 : i32
    %dma_wait3A_316 = arith.constant 0 : i32
    %dma_wait3A_317 = tpu.memref_slice %arg2[%add3A_177, %dma_wait3A_315, %dma_wait3A_316] : memref<64x256x768xf32, #tpu.memory_space<hbm>> -> memref<1x256x768xf32, #tpu.memory_space<hbm>>
    %dma_wait3A_318 = tpu.memref_squeeze %dma_wait3A_317 : memref<1x256x768xf32, #tpu.memory_space<hbm>> -> memref<256x768xf32, #tpu.memory_space<hbm>>
    %dma_wait3A_319 = arith.constant 0 : i32
    %dma_wait3A_320 = arith.constant 0 : i32
    %dma_wait3A_321 = tpu.memref_slice %dma_wait3A_318[%dma_wait3A_319, %dma_wait3A_320] : memref<256x768xf32, #tpu.memory_space<hbm>> -> memref<256x768xf32, #tpu.memory_space<hbm>>
    tpu.wait_indirect_dma semaphore(%arg21 : memref<!tpu.dma_semaphore, #tpu.memory_space<semaphore_mem>>) src(%dma_wait3A_321 : memref<256x768xf32, #tpu.memory_space<hbm>>) dst(%arg13 : memref<16x768xf32, #tpu.memory_space<vmem>>)
    %mul3A_322 = arith.constant 2 : i32
    %mul3A_323 = arith.muli %add3A, %mul3A_322 : i32
    %add3A_324 = arith.constant 0 : i32
    %add3A_325 = arith.addi %mul3A_323, %add3A_324 : i32
    %dma_start3A_326 = arith.constant 112 : i32
    %dma_start3A_327 = arith.constant 0 : i32
    %dma_start3A_328 = tpu.memref_slice %arg4[%add3A_325, %dma_start3A_326, %dma_start3A_327] : memref<64x256x768xf32, #tpu.memory_space<hbm>> -> memref<1x16x768xf32, #tpu.memory_space<hbm>>
    %dma_start3A_329 = tpu.memref_squeeze %dma_start3A_328 : memref<1x16x768xf32, #tpu.memory_space<hbm>> -> memref<16x768xf32, #tpu.memory_space<hbm>>
    %dma_start3A_330 = arith.constant 112 : i32
    %dma_start3A_331 = arith.constant 0 : i32
    %dma_start3A_332 = tpu.memref_slice %arg4[%add3A_325, %dma_start3A_330, %dma_start3A_331] : memref<64x256x768xf32, #tpu.memory_space<hbm>> -> memref<1x16x768xf32, #tpu.memory_space<hbm>>
    %dma_start3A_333 = tpu.memref_squeeze %dma_start3A_332 : memref<1x16x768xf32, #tpu.memory_space<hbm>> -> memref<16x768xf32, #tpu.memory_space<hbm>>
    tpu.enqueue_dma source(%arg13 : memref<16x768xf32, #tpu.memory_space<vmem>>) target(%dma_start3A_333 : memref<16x768xf32, #tpu.memory_space<hbm>>) target_semaphore(%arg29 : memref<!tpu.dma_semaphore, #tpu.memory_space<semaphore_mem>>)
    %dma_wait3A_334 = arith.constant 48 : i32
    %dma_wait3A_335 = arith.constant 0 : i32
    %dma_wait3A_336 = tpu.memref_slice %arg4[%add3A_165, %dma_wait3A_334, %dma_wait3A_335] : memref<64x256x768xf32, #tpu.memory_space<hbm>> -> memref<1x16x768xf32, #tpu.memory_space<hbm>>
    %dma_wait3A_337 = tpu.memref_squeeze %dma_wait3A_336 : memref<1x16x768xf32, #tpu.memory_space<hbm>> -> memref<16x768xf32, #tpu.memory_space<hbm>>
    %dma_wait3A_338 = arith.constant 48 : i32
    %dma_wait3A_339 = arith.constant 0 : i32
    %dma_wait3A_340 = tpu.memref_slice %arg4[%add3A_165, %dma_wait3A_338, %dma_wait3A_339] : memref<64x256x768xf32, #tpu.memory_space<hbm>> -> memref<1x16x768xf32, #tpu.memory_space<hbm>>
    %dma_wait3A_341 = tpu.memref_squeeze %dma_wait3A_340 : memref<1x16x768xf32, #tpu.memory_space<hbm>> -> memref<16x768xf32, #tpu.memory_space<hbm>>
    tpu.wait_dma2 semaphore(%arg25 : memref<!tpu.dma_semaphore, #tpu.memory_space<semaphore_mem>>) src(%arg9 : memref<16x768xf32, #tpu.memory_space<vmem>>) dst(%dma_wait3A_341 : memref<16x768xf32, #tpu.memory_space<hbm>>)
    %mul3A_342 = arith.constant 2 : i32
    %mul3A_343 = arith.muli %add3A, %mul3A_342 : i32
    %add3A_344 = arith.constant 0 : i32
    %add3A_345 = arith.addi %mul3A_343, %add3A_344 : i32
    %dma_start3A_346 = arith.constant 176 : i32
    %dma_start3A_347 = tpu.memref_slice %arg5[%dma_start3A_346] : memref<256xi32, #tpu.memory_space<vmem>> -> memref<16xi32, #tpu.memory_space<vmem>>
    %dma_start3A_348 = arith.constant 0 : i32
    %dma_start3A_349 = arith.constant 0 : i32
    %dma_start3A_350 = tpu.memref_slice %arg2[%add3A_345, %dma_start3A_348, %dma_start3A_349] : memref<64x256x768xf32, #tpu.memory_space<hbm>> -> memref<1x256x768xf32, #tpu.memory_space<hbm>>
    %dma_start3A_351 = tpu.memref_squeeze %dma_start3A_350 : memref<1x256x768xf32, #tpu.memory_space<hbm>> -> memref<256x768xf32, #tpu.memory_space<hbm>>
    %dma_start3A_352 = arith.constant 0 : i32
    %dma_start3A_353 = arith.constant 0 : i32
    %dma_start3A_354 = tpu.memref_slice %dma_start3A_351[%dma_start3A_352, %dma_start3A_353] : memref<256x768xf32, #tpu.memory_space<hbm>> -> memref<256x768xf32, #tpu.memory_space<hbm>>
    tpu.enqueue_indirect_dma source(%dma_start3A_354 : memref<256x768xf32, #tpu.memory_space<hbm>>) target(%arg9 : memref<16x768xf32, #tpu.memory_space<vmem>>) offsets(%dma_start3A_347 : memref<16xi32, #tpu.memory_space<vmem>>) semaphore(%arg17 : memref<!tpu.dma_semaphore, #tpu.memory_space<semaphore_mem>>)
    %dma_wait3A_355 = arith.constant 128 : i32
    %dma_wait3A_356 = tpu.memref_slice %arg5[%dma_wait3A_355] : memref<256xi32, #tpu.memory_space<vmem>> -> memref<16xi32, #tpu.memory_space<vmem>>
    %dma_wait3A_357 = arith.constant 0 : i32
    %dma_wait3A_358 = arith.constant 0 : i32
    %dma_wait3A_359 = tpu.memref_slice %arg2[%add3A_219, %dma_wait3A_357, %dma_wait3A_358] : memref<64x256x768xf32, #tpu.memory_space<hbm>> -> memref<1x256x768xf32, #tpu.memory_space<hbm>>
    %dma_wait3A_360 = tpu.memref_squeeze %dma_wait3A_359 : memref<1x256x768xf32, #tpu.memory_space<hbm>> -> memref<256x768xf32, #tpu.memory_space<hbm>>
    %dma_wait3A_361 = arith.constant 0 : i32
    %dma_wait3A_362 = arith.constant 0 : i32
    %dma_wait3A_363 = tpu.memref_slice %dma_wait3A_360[%dma_wait3A_361, %dma_wait3A_362] : memref<256x768xf32, #tpu.memory_space<hbm>> -> memref<256x768xf32, #tpu.memory_space<hbm>>
    tpu.wait_indirect_dma semaphore(%arg14 : memref<!tpu.dma_semaphore, #tpu.memory_space<semaphore_mem>>) src(%dma_wait3A_363 : memref<256x768xf32, #tpu.memory_space<hbm>>) dst(%arg6 : memref<16x768xf32, #tpu.memory_space<vmem>>)
    %mul3A_364 = arith.constant 2 : i32
    %mul3A_365 = arith.muli %add3A, %mul3A_364 : i32
    %add3A_366 = arith.constant 0 : i32
    %add3A_367 = arith.addi %mul3A_365, %add3A_366 : i32
    %dma_start3A_368 = arith.constant 128 : i32
    %dma_start3A_369 = arith.constant 0 : i32
    %dma_start3A_370 = tpu.memref_slice %arg4[%add3A_367, %dma_start3A_368, %dma_start3A_369] : memref<64x256x768xf32, #tpu.memory_space<hbm>> -> memref<1x16x768xf32, #tpu.memory_space<hbm>>
    %dma_start3A_371 = tpu.memref_squeeze %dma_start3A_370 : memref<1x16x768xf32, #tpu.memory_space<hbm>> -> memref<16x768xf32, #tpu.memory_space<hbm>>
    %dma_start3A_372 = arith.constant 128 : i32
    %dma_start3A_373 = arith.constant 0 : i32
    %dma_start3A_374 = tpu.memref_slice %arg4[%add3A_367, %dma_start3A_372, %dma_start3A_373] : memref<64x256x768xf32, #tpu.memory_space<hbm>> -> memref<1x16x768xf32, #tpu.memory_space<hbm>>
    %dma_start3A_375 = tpu.memref_squeeze %dma_start3A_374 : memref<1x16x768xf32, #tpu.memory_space<hbm>> -> memref<16x768xf32, #tpu.memory_space<hbm>>
    tpu.enqueue_dma source(%arg6 : memref<16x768xf32, #tpu.memory_space<vmem>>) target(%dma_start3A_375 : memref<16x768xf32, #tpu.memory_space<hbm>>) target_semaphore(%arg22 : memref<!tpu.dma_semaphore, #tpu.memory_space<semaphore_mem>>)
    %dma_wait3A_376 = arith.constant 64 : i32
    %dma_wait3A_377 = arith.constant 0 : i32
    %dma_wait3A_378 = tpu.memref_slice %arg4[%add3A_199, %dma_wait3A_376, %dma_wait3A_377] : memref<64x256x768xf32, #tpu.memory_space<hbm>> -> memref<1x16x768xf32, #tpu.memory_space<hbm>>
    %dma_wait3A_379 = tpu.memref_squeeze %dma_wait3A_378 : memref<1x16x768xf32, #tpu.memory_space<hbm>> -> memref<16x768xf32, #tpu.memory_space<hbm>>
    %dma_wait3A_380 = arith.constant 64 : i32
    %dma_wait3A_381 = arith.constant 0 : i32
    %dma_wait3A_382 = tpu.memref_slice %arg4[%add3A_199, %dma_wait3A_380, %dma_wait3A_381] : memref<64x256x768xf32, #tpu.memory_space<hbm>> -> memref<1x16x768xf32, #tpu.memory_space<hbm>>
    %dma_wait3A_383 = tpu.memref_squeeze %dma_wait3A_382 : memref<1x16x768xf32, #tpu.memory_space<hbm>> -> memref<16x768xf32, #tpu.memory_space<hbm>>
    tpu.wait_dma2 semaphore(%arg26 : memref<!tpu.dma_semaphore, #tpu.memory_space<semaphore_mem>>) src(%arg10 : memref<16x768xf32, #tpu.memory_space<vmem>>) dst(%dma_wait3A_383 : memref<16x768xf32, #tpu.memory_space<hbm>>)
    %mul3A_384 = arith.constant 2 : i32
    %mul3A_385 = arith.muli %add3A, %mul3A_384 : i32
    %add3A_386 = arith.constant 0 : i32
    %add3A_387 = arith.addi %mul3A_385, %add3A_386 : i32
    %dma_start3A_388 = arith.constant 192 : i32
    %dma_start3A_389 = tpu.memref_slice %arg5[%dma_start3A_388] : memref<256xi32, #tpu.memory_space<vmem>> -> memref<16xi32, #tpu.memory_space<vmem>>
    %dma_start3A_390 = arith.constant 0 : i32
    %dma_start3A_391 = arith.constant 0 : i32
    %dma_start3A_392 = tpu.memref_slice %arg2[%add3A_387, %dma_start3A_390, %dma_start3A_391] : memref<64x256x768xf32, #tpu.memory_space<hbm>> -> memref<1x256x768xf32, #tpu.memory_space<hbm>>
    %dma_start3A_393 = tpu.memref_squeeze %dma_start3A_392 : memref<1x256x768xf32, #tpu.memory_space<hbm>> -> memref<256x768xf32, #tpu.memory_space<hbm>>
    %dma_start3A_394 = arith.constant 0 : i32
    %dma_start3A_395 = arith.constant 0 : i32
    %dma_start3A_396 = tpu.memref_slice %dma_start3A_393[%dma_start3A_394, %dma_start3A_395] : memref<256x768xf32, #tpu.memory_space<hbm>> -> memref<256x768xf32, #tpu.memory_space<hbm>>
    tpu.enqueue_indirect_dma source(%dma_start3A_396 : memref<256x768xf32, #tpu.memory_space<hbm>>) target(%arg10 : memref<16x768xf32, #tpu.memory_space<vmem>>) offsets(%dma_start3A_389 : memref<16xi32, #tpu.memory_space<vmem>>) semaphore(%arg18 : memref<!tpu.dma_semaphore, #tpu.memory_space<semaphore_mem>>)
    %dma_wait3A_397 = arith.constant 144 : i32
    %dma_wait3A_398 = tpu.memref_slice %arg5[%dma_wait3A_397] : memref<256xi32, #tpu.memory_space<vmem>> -> memref<16xi32, #tpu.memory_space<vmem>>
    %dma_wait3A_399 = arith.constant 0 : i32
    %dma_wait3A_400 = arith.constant 0 : i32
    %dma_wait3A_401 = tpu.memref_slice %arg2[%add3A_261, %dma_wait3A_399, %dma_wait3A_400] : memref<64x256x768xf32, #tpu.memory_space<hbm>> -> memref<1x256x768xf32, #tpu.memory_space<hbm>>
    %dma_wait3A_402 = tpu.memref_squeeze %dma_wait3A_401 : memref<1x256x768xf32, #tpu.memory_space<hbm>> -> memref<256x768xf32, #tpu.memory_space<hbm>>
    %dma_wait3A_403 = arith.constant 0 : i32
    %dma_wait3A_404 = arith.constant 0 : i32
    %dma_wait3A_405 = tpu.memref_slice %dma_wait3A_402[%dma_wait3A_403, %dma_wait3A_404] : memref<256x768xf32, #tpu.memory_space<hbm>> -> memref<256x768xf32, #tpu.memory_space<hbm>>
    tpu.wait_indirect_dma semaphore(%arg15 : memref<!tpu.dma_semaphore, #tpu.memory_space<semaphore_mem>>) src(%dma_wait3A_405 : memref<256x768xf32, #tpu.memory_space<hbm>>) dst(%arg7 : memref<16x768xf32, #tpu.memory_space<vmem>>)
    %mul3A_406 = arith.constant 2 : i32
    %mul3A_407 = arith.muli %add3A, %mul3A_406 : i32
    %add3A_408 = arith.constant 0 : i32
    %add3A_409 = arith.addi %mul3A_407, %add3A_408 : i32
    %dma_start3A_410 = arith.constant 144 : i32
    %dma_start3A_411 = arith.constant 0 : i32
    %dma_start3A_412 = tpu.memref_slice %arg4[%add3A_409, %dma_start3A_410, %dma_start3A_411] : memref<64x256x768xf32, #tpu.memory_space<hbm>> -> memref<1x16x768xf32, #tpu.memory_space<hbm>>
    %dma_start3A_413 = tpu.memref_squeeze %dma_start3A_412 : memref<1x16x768xf32, #tpu.memory_space<hbm>> -> memref<16x768xf32, #tpu.memory_space<hbm>>
    %dma_start3A_414 = arith.constant 144 : i32
    %dma_start3A_415 = arith.constant 0 : i32
    %dma_start3A_416 = tpu.memref_slice %arg4[%add3A_409, %dma_start3A_414, %dma_start3A_415] : memref<64x256x768xf32, #tpu.memory_space<hbm>> -> memref<1x16x768xf32, #tpu.memory_space<hbm>>
    %dma_start3A_417 = tpu.memref_squeeze %dma_start3A_416 : memref<1x16x768xf32, #tpu.memory_space<hbm>> -> memref<16x768xf32, #tpu.memory_space<hbm>>
    tpu.enqueue_dma source(%arg7 : memref<16x768xf32, #tpu.memory_space<vmem>>) target(%dma_start3A_417 : memref<16x768xf32, #tpu.memory_space<hbm>>) target_semaphore(%arg23 : memref<!tpu.dma_semaphore, #tpu.memory_space<semaphore_mem>>)
    %dma_wait3A_418 = arith.constant 80 : i32
    %dma_wait3A_419 = arith.constant 0 : i32
    %dma_wait3A_420 = tpu.memref_slice %arg4[%add3A_241, %dma_wait3A_418, %dma_wait3A_419] : memref<64x256x768xf32, #tpu.memory_space<hbm>> -> memref<1x16x768xf32, #tpu.memory_space<hbm>>
    %dma_wait3A_421 = tpu.memref_squeeze %dma_wait3A_420 : memref<1x16x768xf32, #tpu.memory_space<hbm>> -> memref<16x768xf32, #tpu.memory_space<hbm>>
    %dma_wait3A_422 = arith.constant 80 : i32
    %dma_wait3A_423 = arith.constant 0 : i32
    %dma_wait3A_424 = tpu.memref_slice %arg4[%add3A_241, %dma_wait3A_422, %dma_wait3A_423] : memref<64x256x768xf32, #tpu.memory_space<hbm>> -> memref<1x16x768xf32, #tpu.memory_space<hbm>>
    %dma_wait3A_425 = tpu.memref_squeeze %dma_wait3A_424 : memref<1x16x768xf32, #tpu.memory_space<hbm>> -> memref<16x768xf32, #tpu.memory_space<hbm>>
    tpu.wait_dma2 semaphore(%arg27 : memref<!tpu.dma_semaphore, #tpu.memory_space<semaphore_mem>>) src(%arg11 : memref<16x768xf32, #tpu.memory_space<vmem>>) dst(%dma_wait3A_425 : memref<16x768xf32, #tpu.memory_space<hbm>>)
    %mul3A_426 = arith.constant 2 : i32
    %mul3A_427 = arith.muli %add3A, %mul3A_426 : i32
    %add3A_428 = arith.constant 0 : i32
    %add3A_429 = arith.addi %mul3A_427, %add3A_428 : i32
    %dma_start3A_430 = arith.constant 208 : i32
    %dma_start3A_431 = tpu.memref_slice %arg5[%dma_start3A_430] : memref<256xi32, #tpu.memory_space<vmem>> -> memref<16xi32, #tpu.memory_space<vmem>>
    %dma_start3A_432 = arith.constant 0 : i32
    %dma_start3A_433 = arith.constant 0 : i32
    %dma_start3A_434 = tpu.memref_slice %arg2[%add3A_429, %dma_start3A_432, %dma_start3A_433] : memref<64x256x768xf32, #tpu.memory_space<hbm>> -> memref<1x256x768xf32, #tpu.memory_space<hbm>>
    %dma_start3A_435 = tpu.memref_squeeze %dma_start3A_434 : memref<1x256x768xf32, #tpu.memory_space<hbm>> -> memref<256x768xf32, #tpu.memory_space<hbm>>
    %dma_start3A_436 = arith.constant 0 : i32
    %dma_start3A_437 = arith.constant 0 : i32
    %dma_start3A_438 = tpu.memref_slice %dma_start3A_435[%dma_start3A_436, %dma_start3A_437] : memref<256x768xf32, #tpu.memory_space<hbm>> -> memref<256x768xf32, #tpu.memory_space<hbm>>
    tpu.enqueue_indirect_dma source(%dma_start3A_438 : memref<256x768xf32, #tpu.memory_space<hbm>>) target(%arg11 : memref<16x768xf32, #tpu.memory_space<vmem>>) offsets(%dma_start3A_431 : memref<16xi32, #tpu.memory_space<vmem>>) semaphore(%arg19 : memref<!tpu.dma_semaphore, #tpu.memory_space<semaphore_mem>>)
    %dma_wait3A_439 = arith.constant 160 : i32
    %dma_wait3A_440 = tpu.memref_slice %arg5[%dma_wait3A_439] : memref<256xi32, #tpu.memory_space<vmem>> -> memref<16xi32, #tpu.memory_space<vmem>>
    %dma_wait3A_441 = arith.constant 0 : i32
    %dma_wait3A_442 = arith.constant 0 : i32
    %dma_wait3A_443 = tpu.memref_slice %arg2[%add3A_303, %dma_wait3A_441, %dma_wait3A_442] : memref<64x256x768xf32, #tpu.memory_space<hbm>> -> memref<1x256x768xf32, #tpu.memory_space<hbm>>
    %dma_wait3A_444 = tpu.memref_squeeze %dma_wait3A_443 : memref<1x256x768xf32, #tpu.memory_space<hbm>> -> memref<256x768xf32, #tpu.memory_space<hbm>>
    %dma_wait3A_445 = arith.constant 0 : i32
    %dma_wait3A_446 = arith.constant 0 : i32
    %dma_wait3A_447 = tpu.memref_slice %dma_wait3A_444[%dma_wait3A_445, %dma_wait3A_446] : memref<256x768xf32, #tpu.memory_space<hbm>> -> memref<256x768xf32, #tpu.memory_space<hbm>>
    tpu.wait_indirect_dma semaphore(%arg16 : memref<!tpu.dma_semaphore, #tpu.memory_space<semaphore_mem>>) src(%dma_wait3A_447 : memref<256x768xf32, #tpu.memory_space<hbm>>) dst(%arg8 : memref<16x768xf32, #tpu.memory_space<vmem>>)
    %mul3A_448 = arith.constant 2 : i32
    %mul3A_449 = arith.muli %add3A, %mul3A_448 : i32
    %add3A_450 = arith.constant 0 : i32
    %add3A_451 = arith.addi %mul3A_449, %add3A_450 : i32
    %dma_start3A_452 = arith.constant 160 : i32
    %dma_start3A_453 = arith.constant 0 : i32
    %dma_start3A_454 = tpu.memref_slice %arg4[%add3A_451, %dma_start3A_452, %dma_start3A_453] : memref<64x256x768xf32, #tpu.memory_space<hbm>> -> memref<1x16x768xf32, #tpu.memory_space<hbm>>
    %dma_start3A_455 = tpu.memref_squeeze %dma_start3A_454 : memref<1x16x768xf32, #tpu.memory_space<hbm>> -> memref<16x768xf32, #tpu.memory_space<hbm>>
    %dma_start3A_456 = arith.constant 160 : i32
    %dma_start3A_457 = arith.constant 0 : i32
    %dma_start3A_458 = tpu.memref_slice %arg4[%add3A_451, %dma_start3A_456, %dma_start3A_457] : memref<64x256x768xf32, #tpu.memory_space<hbm>> -> memref<1x16x768xf32, #tpu.memory_space<hbm>>
    %dma_start3A_459 = tpu.memref_squeeze %dma_start3A_458 : memref<1x16x768xf32, #tpu.memory_space<hbm>> -> memref<16x768xf32, #tpu.memory_space<hbm>>
    tpu.enqueue_dma source(%arg8 : memref<16x768xf32, #tpu.memory_space<vmem>>) target(%dma_start3A_459 : memref<16x768xf32, #tpu.memory_space<hbm>>) target_semaphore(%arg24 : memref<!tpu.dma_semaphore, #tpu.memory_space<semaphore_mem>>)
    %dma_wait3A_460 = arith.constant 96 : i32
    %dma_wait3A_461 = arith.constant 0 : i32
    %dma_wait3A_462 = tpu.memref_slice %arg4[%add3A_283, %dma_wait3A_460, %dma_wait3A_461] : memref<64x256x768xf32, #tpu.memory_space<hbm>> -> memref<1x16x768xf32, #tpu.memory_space<hbm>>
    %dma_wait3A_463 = tpu.memref_squeeze %dma_wait3A_462 : memref<1x16x768xf32, #tpu.memory_space<hbm>> -> memref<16x768xf32, #tpu.memory_space<hbm>>
    %dma_wait3A_464 = arith.constant 96 : i32
    %dma_wait3A_465 = arith.constant 0 : i32
    %dma_wait3A_466 = tpu.memref_slice %arg4[%add3A_283, %dma_wait3A_464, %dma_wait3A_465] : memref<64x256x768xf32, #tpu.memory_space<hbm>> -> memref<1x16x768xf32, #tpu.memory_space<hbm>>
    %dma_wait3A_467 = tpu.memref_squeeze %dma_wait3A_466 : memref<1x16x768xf32, #tpu.memory_space<hbm>> -> memref<16x768xf32, #tpu.memory_space<hbm>>
    tpu.wait_dma2 semaphore(%arg28 : memref<!tpu.dma_semaphore, #tpu.memory_space<semaphore_mem>>) src(%arg12 : memref<16x768xf32, #tpu.memory_space<vmem>>) dst(%dma_wait3A_467 : memref<16x768xf32, #tpu.memory_space<hbm>>)
    %mul3A_468 = arith.constant 2 : i32
    %mul3A_469 = arith.muli %add3A, %mul3A_468 : i32
    %add3A_470 = arith.constant 0 : i32
    %add3A_471 = arith.addi %mul3A_469, %add3A_470 : i32
    %dma_start3A_472 = arith.constant 224 : i32
    %dma_start3A_473 = tpu.memref_slice %arg5[%dma_start3A_472] : memref<256xi32, #tpu.memory_space<vmem>> -> memref<16xi32, #tpu.memory_space<vmem>>
    %dma_start3A_474 = arith.constant 0 : i32
    %dma_start3A_475 = arith.constant 0 : i32
    %dma_start3A_476 = tpu.memref_slice %arg2[%add3A_471, %dma_start3A_474, %dma_start3A_475] : memref<64x256x768xf32, #tpu.memory_space<hbm>> -> memref<1x256x768xf32, #tpu.memory_space<hbm>>
    %dma_start3A_477 = tpu.memref_squeeze %dma_start3A_476 : memref<1x256x768xf32, #tpu.memory_space<hbm>> -> memref<256x768xf32, #tpu.memory_space<hbm>>
    %dma_start3A_478 = arith.constant 0 : i32
    %dma_start3A_479 = arith.constant 0 : i32
    %dma_start3A_480 = tpu.memref_slice %dma_start3A_477[%dma_start3A_478, %dma_start3A_479] : memref<256x768xf32, #tpu.memory_space<hbm>> -> memref<256x768xf32, #tpu.memory_space<hbm>>
    tpu.enqueue_indirect_dma source(%dma_start3A_480 : memref<256x768xf32, #tpu.memory_space<hbm>>) target(%arg12 : memref<16x768xf32, #tpu.memory_space<vmem>>) offsets(%dma_start3A_473 : memref<16xi32, #tpu.memory_space<vmem>>) semaphore(%arg20 : memref<!tpu.dma_semaphore, #tpu.memory_space<semaphore_mem>>)
    %dma_wait3A_481 = arith.constant 176 : i32
    %dma_wait3A_482 = tpu.memref_slice %arg5[%dma_wait3A_481] : memref<256xi32, #tpu.memory_space<vmem>> -> memref<16xi32, #tpu.memory_space<vmem>>
    %dma_wait3A_483 = arith.constant 0 : i32
    %dma_wait3A_484 = arith.constant 0 : i32
    %dma_wait3A_485 = tpu.memref_slice %arg2[%add3A_345, %dma_wait3A_483, %dma_wait3A_484] : memref<64x256x768xf32, #tpu.memory_space<hbm>> -> memref<1x256x768xf32, #tpu.memory_space<hbm>>
    %dma_wait3A_486 = tpu.memref_squeeze %dma_wait3A_485 : memref<1x256x768xf32, #tpu.memory_space<hbm>> -> memref<256x768xf32, #tpu.memory_space<hbm>>
    %dma_wait3A_487 = arith.constant 0 : i32
    %dma_wait3A_488 = arith.constant 0 : i32
    %dma_wait3A_489 = tpu.memref_slice %dma_wait3A_486[%dma_wait3A_487, %dma_wait3A_488] : memref<256x768xf32, #tpu.memory_space<hbm>> -> memref<256x768xf32, #tpu.memory_space<hbm>>
    tpu.wait_indirect_dma semaphore(%arg17 : memref<!tpu.dma_semaphore, #tpu.memory_space<semaphore_mem>>) src(%dma_wait3A_489 : memref<256x768xf32, #tpu.memory_space<hbm>>) dst(%arg9 : memref<16x768xf32, #tpu.memory_space<vmem>>)
    %mul3A_490 = arith.constant 2 : i32
    %mul3A_491 = arith.muli %add3A, %mul3A_490 : i32
    %add3A_492 = arith.constant 0 : i32
    %add3A_493 = arith.addi %mul3A_491, %add3A_492 : i32
    %dma_start3A_494 = arith.constant 176 : i32
    %dma_start3A_495 = arith.constant 0 : i32
    %dma_start3A_496 = tpu.memref_slice %arg4[%add3A_493, %dma_start3A_494, %dma_start3A_495] : memref<64x256x768xf32, #tpu.memory_space<hbm>> -> memref<1x16x768xf32, #tpu.memory_space<hbm>>
    %dma_start3A_497 = tpu.memref_squeeze %dma_start3A_496 : memref<1x16x768xf32, #tpu.memory_space<hbm>> -> memref<16x768xf32, #tpu.memory_space<hbm>>
    %dma_start3A_498 = arith.constant 176 : i32
    %dma_start3A_499 = arith.constant 0 : i32
    %dma_start3A_500 = tpu.memref_slice %arg4[%add3A_493, %dma_start3A_498, %dma_start3A_499] : memref<64x256x768xf32, #tpu.memory_space<hbm>> -> memref<1x16x768xf32, #tpu.memory_space<hbm>>
    %dma_start3A_501 = tpu.memref_squeeze %dma_start3A_500 : memref<1x16x768xf32, #tpu.memory_space<hbm>> -> memref<16x768xf32, #tpu.memory_space<hbm>>
    tpu.enqueue_dma source(%arg9 : memref<16x768xf32, #tpu.memory_space<vmem>>) target(%dma_start3A_501 : memref<16x768xf32, #tpu.memory_space<hbm>>) target_semaphore(%arg25 : memref<!tpu.dma_semaphore, #tpu.memory_space<semaphore_mem>>)
    %dma_wait3A_502 = arith.constant 112 : i32
    %dma_wait3A_503 = arith.constant 0 : i32
    %dma_wait3A_504 = tpu.memref_slice %arg4[%add3A_325, %dma_wait3A_502, %dma_wait3A_503] : memref<64x256x768xf32, #tpu.memory_space<hbm>> -> memref<1x16x768xf32, #tpu.memory_space<hbm>>
    %dma_wait3A_505 = tpu.memref_squeeze %dma_wait3A_504 : memref<1x16x768xf32, #tpu.memory_space<hbm>> -> memref<16x768xf32, #tpu.memory_space<hbm>>
    %dma_wait3A_506 = arith.constant 112 : i32
    %dma_wait3A_507 = arith.constant 0 : i32
    %dma_wait3A_508 = tpu.memref_slice %arg4[%add3A_325, %dma_wait3A_506, %dma_wait3A_507] : memref<64x256x768xf32, #tpu.memory_space<hbm>> -> memref<1x16x768xf32, #tpu.memory_space<hbm>>
    %dma_wait3A_509 = tpu.memref_squeeze %dma_wait3A_508 : memref<1x16x768xf32, #tpu.memory_space<hbm>> -> memref<16x768xf32, #tpu.memory_space<hbm>>
    tpu.wait_dma2 semaphore(%arg29 : memref<!tpu.dma_semaphore, #tpu.memory_space<semaphore_mem>>) src(%arg13 : memref<16x768xf32, #tpu.memory_space<vmem>>) dst(%dma_wait3A_509 : memref<16x768xf32, #tpu.memory_space<hbm>>)
    %mul3A_510 = arith.constant 2 : i32
    %mul3A_511 = arith.muli %add3A, %mul3A_510 : i32
    %add3A_512 = arith.constant 0 : i32
    %add3A_513 = arith.addi %mul3A_511, %add3A_512 : i32
    %dma_start3A_514 = arith.constant 240 : i32
    %dma_start3A_515 = tpu.memref_slice %arg5[%dma_start3A_514] : memref<256xi32, #tpu.memory_space<vmem>> -> memref<16xi32, #tpu.memory_space<vmem>>
    %dma_start3A_516 = arith.constant 0 : i32
    %dma_start3A_517 = arith.constant 0 : i32
    %dma_start3A_518 = tpu.memref_slice %arg2[%add3A_513, %dma_start3A_516, %dma_start3A_517] : memref<64x256x768xf32, #tpu.memory_space<hbm>> -> memref<1x256x768xf32, #tpu.memory_space<hbm>>
    %dma_start3A_519 = tpu.memref_squeeze %dma_start3A_518 : memref<1x256x768xf32, #tpu.memory_space<hbm>> -> memref<256x768xf32, #tpu.memory_space<hbm>>
    %dma_start3A_520 = arith.constant 0 : i32
    %dma_start3A_521 = arith.constant 0 : i32
    %dma_start3A_522 = tpu.memref_slice %dma_start3A_519[%dma_start3A_520, %dma_start3A_521] : memref<256x768xf32, #tpu.memory_space<hbm>> -> memref<256x768xf32, #tpu.memory_space<hbm>>
    tpu.enqueue_indirect_dma source(%dma_start3A_522 : memref<256x768xf32, #tpu.memory_space<hbm>>) target(%arg13 : memref<16x768xf32, #tpu.memory_space<vmem>>) offsets(%dma_start3A_515 : memref<16xi32, #tpu.memory_space<vmem>>) semaphore(%arg21 : memref<!tpu.dma_semaphore, #tpu.memory_space<semaphore_mem>>)
    %dma_wait3A_523 = arith.constant 192 : i32
    %dma_wait3A_524 = tpu.memref_slice %arg5[%dma_wait3A_523] : memref<256xi32, #tpu.memory_space<vmem>> -> memref<16xi32, #tpu.memory_space<vmem>>
    %dma_wait3A_525 = arith.constant 0 : i32
    %dma_wait3A_526 = arith.constant 0 : i32
    %dma_wait3A_527 = tpu.memref_slice %arg2[%add3A_387, %dma_wait3A_525, %dma_wait3A_526] : memref<64x256x768xf32, #tpu.memory_space<hbm>> -> memref<1x256x768xf32, #tpu.memory_space<hbm>>
    %dma_wait3A_528 = tpu.memref_squeeze %dma_wait3A_527 : memref<1x256x768xf32, #tpu.memory_space<hbm>> -> memref<256x768xf32, #tpu.memory_space<hbm>>
    %dma_wait3A_529 = arith.constant 0 : i32
    %dma_wait3A_530 = arith.constant 0 : i32
    %dma_wait3A_531 = tpu.memref_slice %dma_wait3A_528[%dma_wait3A_529, %dma_wait3A_530] : memref<256x768xf32, #tpu.memory_space<hbm>> -> memref<256x768xf32, #tpu.memory_space<hbm>>
    tpu.wait_indirect_dma semaphore(%arg18 : memref<!tpu.dma_semaphore, #tpu.memory_space<semaphore_mem>>) src(%dma_wait3A_531 : memref<256x768xf32, #tpu.memory_space<hbm>>) dst(%arg10 : memref<16x768xf32, #tpu.memory_space<vmem>>)
    %mul3A_532 = arith.constant 2 : i32
    %mul3A_533 = arith.muli %add3A, %mul3A_532 : i32
    %add3A_534 = arith.constant 0 : i32
    %add3A_535 = arith.addi %mul3A_533, %add3A_534 : i32
    %dma_start3A_536 = arith.constant 192 : i32
    %dma_start3A_537 = arith.constant 0 : i32
    %dma_start3A_538 = tpu.memref_slice %arg4[%add3A_535, %dma_start3A_536, %dma_start3A_537] : memref<64x256x768xf32, #tpu.memory_space<hbm>> -> memref<1x16x768xf32, #tpu.memory_space<hbm>>
    %dma_start3A_539 = tpu.memref_squeeze %dma_start3A_538 : memref<1x16x768xf32, #tpu.memory_space<hbm>> -> memref<16x768xf32, #tpu.memory_space<hbm>>
    %dma_start3A_540 = arith.constant 192 : i32
    %dma_start3A_541 = arith.constant 0 : i32
    %dma_start3A_542 = tpu.memref_slice %arg4[%add3A_535, %dma_start3A_540, %dma_start3A_541] : memref<64x256x768xf32, #tpu.memory_space<hbm>> -> memref<1x16x768xf32, #tpu.memory_space<hbm>>
    %dma_start3A_543 = tpu.memref_squeeze %dma_start3A_542 : memref<1x16x768xf32, #tpu.memory_space<hbm>> -> memref<16x768xf32, #tpu.memory_space<hbm>>
    tpu.enqueue_dma source(%arg10 : memref<16x768xf32, #tpu.memory_space<vmem>>) target(%dma_start3A_543 : memref<16x768xf32, #tpu.memory_space<hbm>>) target_semaphore(%arg26 : memref<!tpu.dma_semaphore, #tpu.memory_space<semaphore_mem>>)
    %dma_wait3A_544 = arith.constant 128 : i32
    %dma_wait3A_545 = arith.constant 0 : i32
    %dma_wait3A_546 = tpu.memref_slice %arg4[%add3A_367, %dma_wait3A_544, %dma_wait3A_545] : memref<64x256x768xf32, #tpu.memory_space<hbm>> -> memref<1x16x768xf32, #tpu.memory_space<hbm>>
    %dma_wait3A_547 = tpu.memref_squeeze %dma_wait3A_546 : memref<1x16x768xf32, #tpu.memory_space<hbm>> -> memref<16x768xf32, #tpu.memory_space<hbm>>
    %dma_wait3A_548 = arith.constant 128 : i32
    %dma_wait3A_549 = arith.constant 0 : i32
    %dma_wait3A_550 = tpu.memref_slice %arg4[%add3A_367, %dma_wait3A_548, %dma_wait3A_549] : memref<64x256x768xf32, #tpu.memory_space<hbm>> -> memref<1x16x768xf32, #tpu.memory_space<hbm>>
    %dma_wait3A_551 = tpu.memref_squeeze %dma_wait3A_550 : memref<1x16x768xf32, #tpu.memory_space<hbm>> -> memref<16x768xf32, #tpu.memory_space<hbm>>
    tpu.wait_dma2 semaphore(%arg22 : memref<!tpu.dma_semaphore, #tpu.memory_space<semaphore_mem>>) src(%arg6 : memref<16x768xf32, #tpu.memory_space<vmem>>) dst(%dma_wait3A_551 : memref<16x768xf32, #tpu.memory_space<hbm>>)
    %mul3A_552 = arith.constant 2 : i32
    %mul3A_553 = arith.muli %add3A, %mul3A_552 : i32
    %add3A_554 = arith.constant 1 : i32
    %add3A_555 = arith.addi %mul3A_553, %add3A_554 : i32
    %dma_start3A_556 = arith.constant 0 : i32
    %dma_start3A_557 = tpu.memref_slice %arg5[%dma_start3A_556] : memref<256xi32, #tpu.memory_space<vmem>> -> memref<16xi32, #tpu.memory_space<vmem>>
    %dma_start3A_558 = arith.constant 0 : i32
    %dma_start3A_559 = arith.constant 0 : i32
    %dma_start3A_560 = tpu.memref_slice %arg2[%add3A_555, %dma_start3A_558, %dma_start3A_559] : memref<64x256x768xf32, #tpu.memory_space<hbm>> -> memref<1x256x768xf32, #tpu.memory_space<hbm>>
    %dma_start3A_561 = tpu.memref_squeeze %dma_start3A_560 : memref<1x256x768xf32, #tpu.memory_space<hbm>> -> memref<256x768xf32, #tpu.memory_space<hbm>>
    %dma_start3A_562 = arith.constant 0 : i32
    %dma_start3A_563 = arith.constant 0 : i32
    %dma_start3A_564 = tpu.memref_slice %dma_start3A_561[%dma_start3A_562, %dma_start3A_563] : memref<256x768xf32, #tpu.memory_space<hbm>> -> memref<256x768xf32, #tpu.memory_space<hbm>>
    tpu.enqueue_indirect_dma source(%dma_start3A_564 : memref<256x768xf32, #tpu.memory_space<hbm>>) target(%arg6 : memref<16x768xf32, #tpu.memory_space<vmem>>) offsets(%dma_start3A_557 : memref<16xi32, #tpu.memory_space<vmem>>) semaphore(%arg14 : memref<!tpu.dma_semaphore, #tpu.memory_space<semaphore_mem>>)
    %dma_wait3A_565 = arith.constant 208 : i32
    %dma_wait3A_566 = tpu.memref_slice %arg5[%dma_wait3A_565] : memref<256xi32, #tpu.memory_space<vmem>> -> memref<16xi32, #tpu.memory_space<vmem>>
    %dma_wait3A_567 = arith.constant 0 : i32
    %dma_wait3A_568 = arith.constant 0 : i32
    %dma_wait3A_569 = tpu.memref_slice %arg2[%add3A_429, %dma_wait3A_567, %dma_wait3A_568] : memref<64x256x768xf32, #tpu.memory_space<hbm>> -> memref<1x256x768xf32, #tpu.memory_space<hbm>>
    %dma_wait3A_570 = tpu.memref_squeeze %dma_wait3A_569 : memref<1x256x768xf32, #tpu.memory_space<hbm>> -> memref<256x768xf32, #tpu.memory_space<hbm>>
    %dma_wait3A_571 = arith.constant 0 : i32
    %dma_wait3A_572 = arith.constant 0 : i32
    %dma_wait3A_573 = tpu.memref_slice %dma_wait3A_570[%dma_wait3A_571, %dma_wait3A_572] : memref<256x768xf32, #tpu.memory_space<hbm>> -> memref<256x768xf32, #tpu.memory_space<hbm>>
    tpu.wait_indirect_dma semaphore(%arg19 : memref<!tpu.dma_semaphore, #tpu.memory_space<semaphore_mem>>) src(%dma_wait3A_573 : memref<256x768xf32, #tpu.memory_space<hbm>>) dst(%arg11 : memref<16x768xf32, #tpu.memory_space<vmem>>)
    %mul3A_574 = arith.constant 2 : i32
    %mul3A_575 = arith.muli %add3A, %mul3A_574 : i32
    %add3A_576 = arith.constant 0 : i32
    %add3A_577 = arith.addi %mul3A_575, %add3A_576 : i32
    %dma_start3A_578 = arith.constant 208 : i32
    %dma_start3A_579 = arith.constant 0 : i32
    %dma_start3A_580 = tpu.memref_slice %arg4[%add3A_577, %dma_start3A_578, %dma_start3A_579] : memref<64x256x768xf32, #tpu.memory_space<hbm>> -> memref<1x16x768xf32, #tpu.memory_space<hbm>>
    %dma_start3A_581 = tpu.memref_squeeze %dma_start3A_580 : memref<1x16x768xf32, #tpu.memory_space<hbm>> -> memref<16x768xf32, #tpu.memory_space<hbm>>
    %dma_start3A_582 = arith.constant 208 : i32
    %dma_start3A_583 = arith.constant 0 : i32
    %dma_start3A_584 = tpu.memref_slice %arg4[%add3A_577, %dma_start3A_582, %dma_start3A_583] : memref<64x256x768xf32, #tpu.memory_space<hbm>> -> memref<1x16x768xf32, #tpu.memory_space<hbm>>
    %dma_start3A_585 = tpu.memref_squeeze %dma_start3A_584 : memref<1x16x768xf32, #tpu.memory_space<hbm>> -> memref<16x768xf32, #tpu.memory_space<hbm>>
    tpu.enqueue_dma source(%arg11 : memref<16x768xf32, #tpu.memory_space<vmem>>) target(%dma_start3A_585 : memref<16x768xf32, #tpu.memory_space<hbm>>) target_semaphore(%arg27 : memref<!tpu.dma_semaphore, #tpu.memory_space<semaphore_mem>>)
    %dma_wait3A_586 = arith.constant 144 : i32
    %dma_wait3A_587 = arith.constant 0 : i32
    %dma_wait3A_588 = tpu.memref_slice %arg4[%add3A_409, %dma_wait3A_586, %dma_wait3A_587] : memref<64x256x768xf32, #tpu.memory_space<hbm>> -> memref<1x16x768xf32, #tpu.memory_space<hbm>>
    %dma_wait3A_589 = tpu.memref_squeeze %dma_wait3A_588 : memref<1x16x768xf32, #tpu.memory_space<hbm>> -> memref<16x768xf32, #tpu.memory_space<hbm>>
    %dma_wait3A_590 = arith.constant 144 : i32
    %dma_wait3A_591 = arith.constant 0 : i32
    %dma_wait3A_592 = tpu.memref_slice %arg4[%add3A_409, %dma_wait3A_590, %dma_wait3A_591] : memref<64x256x768xf32, #tpu.memory_space<hbm>> -> memref<1x16x768xf32, #tpu.memory_space<hbm>>
    %dma_wait3A_593 = tpu.memref_squeeze %dma_wait3A_592 : memref<1x16x768xf32, #tpu.memory_space<hbm>> -> memref<16x768xf32, #tpu.memory_space<hbm>>
    tpu.wait_dma2 semaphore(%arg23 : memref<!tpu.dma_semaphore, #tpu.memory_space<semaphore_mem>>) src(%arg7 : memref<16x768xf32, #tpu.memory_space<vmem>>) dst(%dma_wait3A_593 : memref<16x768xf32, #tpu.memory_space<hbm>>)
    %mul3A_594 = arith.constant 2 : i32
    %mul3A_595 = arith.muli %add3A, %mul3A_594 : i32
    %add3A_596 = arith.constant 1 : i32
    %add3A_597 = arith.addi %mul3A_595, %add3A_596 : i32
    %dma_start3A_598 = arith.constant 16 : i32
    %dma_start3A_599 = tpu.memref_slice %arg5[%dma_start3A_598] : memref<256xi32, #tpu.memory_space<vmem>> -> memref<16xi32, #tpu.memory_space<vmem>>
    %dma_start3A_600 = arith.constant 0 : i32
    %dma_start3A_601 = arith.constant 0 : i32
    %dma_start3A_602 = tpu.memref_slice %arg2[%add3A_597, %dma_start3A_600, %dma_start3A_601] : memref<64x256x768xf32, #tpu.memory_space<hbm>> -> memref<1x256x768xf32, #tpu.memory_space<hbm>>
    %dma_start3A_603 = tpu.memref_squeeze %dma_start3A_602 : memref<1x256x768xf32, #tpu.memory_space<hbm>> -> memref<256x768xf32, #tpu.memory_space<hbm>>
    %dma_start3A_604 = arith.constant 0 : i32
    %dma_start3A_605 = arith.constant 0 : i32
    %dma_start3A_606 = tpu.memref_slice %dma_start3A_603[%dma_start3A_604, %dma_start3A_605] : memref<256x768xf32, #tpu.memory_space<hbm>> -> memref<256x768xf32, #tpu.memory_space<hbm>>
    tpu.enqueue_indirect_dma source(%dma_start3A_606 : memref<256x768xf32, #tpu.memory_space<hbm>>) target(%arg7 : memref<16x768xf32, #tpu.memory_space<vmem>>) offsets(%dma_start3A_599 : memref<16xi32, #tpu.memory_space<vmem>>) semaphore(%arg15 : memref<!tpu.dma_semaphore, #tpu.memory_space<semaphore_mem>>)
    %dma_wait3A_607 = arith.constant 224 : i32
    %dma_wait3A_608 = tpu.memref_slice %arg5[%dma_wait3A_607] : memref<256xi32, #tpu.memory_space<vmem>> -> memref<16xi32, #tpu.memory_space<vmem>>
    %dma_wait3A_609 = arith.constant 0 : i32
    %dma_wait3A_610 = arith.constant 0 : i32
    %dma_wait3A_611 = tpu.memref_slice %arg2[%add3A_471, %dma_wait3A_609, %dma_wait3A_610] : memref<64x256x768xf32, #tpu.memory_space<hbm>> -> memref<1x256x768xf32, #tpu.memory_space<hbm>>
    %dma_wait3A_612 = tpu.memref_squeeze %dma_wait3A_611 : memref<1x256x768xf32, #tpu.memory_space<hbm>> -> memref<256x768xf32, #tpu.memory_space<hbm>>
    %dma_wait3A_613 = arith.constant 0 : i32
    %dma_wait3A_614 = arith.constant 0 : i32
    %dma_wait3A_615 = tpu.memref_slice %dma_wait3A_612[%dma_wait3A_613, %dma_wait3A_614] : memref<256x768xf32, #tpu.memory_space<hbm>> -> memref<256x768xf32, #tpu.memory_space<hbm>>
    tpu.wait_indirect_dma semaphore(%arg20 : memref<!tpu.dma_semaphore, #tpu.memory_space<semaphore_mem>>) src(%dma_wait3A_615 : memref<256x768xf32, #tpu.memory_space<hbm>>) dst(%arg12 : memref<16x768xf32, #tpu.memory_space<vmem>>)
    %mul3A_616 = arith.constant 2 : i32
    %mul3A_617 = arith.muli %add3A, %mul3A_616 : i32
    %add3A_618 = arith.constant 0 : i32
    %add3A_619 = arith.addi %mul3A_617, %add3A_618 : i32
    %dma_start3A_620 = arith.constant 224 : i32
    %dma_start3A_621 = arith.constant 0 : i32
    %dma_start3A_622 = tpu.memref_slice %arg4[%add3A_619, %dma_start3A_620, %dma_start3A_621] : memref<64x256x768xf32, #tpu.memory_space<hbm>> -> memref<1x16x768xf32, #tpu.memory_space<hbm>>
    %dma_start3A_623 = tpu.memref_squeeze %dma_start3A_622 : memref<1x16x768xf32, #tpu.memory_space<hbm>> -> memref<16x768xf32, #tpu.memory_space<hbm>>
    %dma_start3A_624 = arith.constant 224 : i32
    %dma_start3A_625 = arith.constant 0 : i32
    %dma_start3A_626 = tpu.memref_slice %arg4[%add3A_619, %dma_start3A_624, %dma_start3A_625] : memref<64x256x768xf32, #tpu.memory_space<hbm>> -> memref<1x16x768xf32, #tpu.memory_space<hbm>>
    %dma_start3A_627 = tpu.memref_squeeze %dma_start3A_626 : memref<1x16x768xf32, #tpu.memory_space<hbm>> -> memref<16x768xf32, #tpu.memory_space<hbm>>
    tpu.enqueue_dma source(%arg12 : memref<16x768xf32, #tpu.memory_space<vmem>>) target(%dma_start3A_627 : memref<16x768xf32, #tpu.memory_space<hbm>>) target_semaphore(%arg28 : memref<!tpu.dma_semaphore, #tpu.memory_space<semaphore_mem>>)
    %dma_wait3A_628 = arith.constant 160 : i32
    %dma_wait3A_629 = arith.constant 0 : i32
    %dma_wait3A_630 = tpu.memref_slice %arg4[%add3A_451, %dma_wait3A_628, %dma_wait3A_629] : memref<64x256x768xf32, #tpu.memory_space<hbm>> -> memref<1x16x768xf32, #tpu.memory_space<hbm>>
    %dma_wait3A_631 = tpu.memref_squeeze %dma_wait3A_630 : memref<1x16x768xf32, #tpu.memory_space<hbm>> -> memref<16x768xf32, #tpu.memory_space<hbm>>
    %dma_wait3A_632 = arith.constant 160 : i32
    %dma_wait3A_633 = arith.constant 0 : i32
    %dma_wait3A_634 = tpu.memref_slice %arg4[%add3A_451, %dma_wait3A_632, %dma_wait3A_633] : memref<64x256x768xf32, #tpu.memory_space<hbm>> -> memref<1x16x768xf32, #tpu.memory_space<hbm>>
    %dma_wait3A_635 = tpu.memref_squeeze %dma_wait3A_634 : memref<1x16x768xf32, #tpu.memory_space<hbm>> -> memref<16x768xf32, #tpu.memory_space<hbm>>
    tpu.wait_dma2 semaphore(%arg24 : memref<!tpu.dma_semaphore, #tpu.memory_space<semaphore_mem>>) src(%arg8 : memref<16x768xf32, #tpu.memory_space<vmem>>) dst(%dma_wait3A_635 : memref<16x768xf32, #tpu.memory_space<hbm>>)
    %mul3A_636 = arith.constant 2 : i32
    %mul3A_637 = arith.muli %add3A, %mul3A_636 : i32
    %add3A_638 = arith.constant 1 : i32
    %add3A_639 = arith.addi %mul3A_637, %add3A_638 : i32
    %dma_start3A_640 = arith.constant 32 : i32
    %dma_start3A_641 = tpu.memref_slice %arg5[%dma_start3A_640] : memref<256xi32, #tpu.memory_space<vmem>> -> memref<16xi32, #tpu.memory_space<vmem>>
    %dma_start3A_642 = arith.constant 0 : i32
    %dma_start3A_643 = arith.constant 0 : i32
    %dma_start3A_644 = tpu.memref_slice %arg2[%add3A_639, %dma_start3A_642, %dma_start3A_643] : memref<64x256x768xf32, #tpu.memory_space<hbm>> -> memref<1x256x768xf32, #tpu.memory_space<hbm>>
    %dma_start3A_645 = tpu.memref_squeeze %dma_start3A_644 : memref<1x256x768xf32, #tpu.memory_space<hbm>> -> memref<256x768xf32, #tpu.memory_space<hbm>>
    %dma_start3A_646 = arith.constant 0 : i32
    %dma_start3A_647 = arith.constant 0 : i32
    %dma_start3A_648 = tpu.memref_slice %dma_start3A_645[%dma_start3A_646, %dma_start3A_647] : memref<256x768xf32, #tpu.memory_space<hbm>> -> memref<256x768xf32, #tpu.memory_space<hbm>>
    tpu.enqueue_indirect_dma source(%dma_start3A_648 : memref<256x768xf32, #tpu.memory_space<hbm>>) target(%arg8 : memref<16x768xf32, #tpu.memory_space<vmem>>) offsets(%dma_start3A_641 : memref<16xi32, #tpu.memory_space<vmem>>) semaphore(%arg16 : memref<!tpu.dma_semaphore, #tpu.memory_space<semaphore_mem>>)
    %dma_wait3A_649 = arith.constant 240 : i32
    %dma_wait3A_650 = tpu.memref_slice %arg5[%dma_wait3A_649] : memref<256xi32, #tpu.memory_space<vmem>> -> memref<16xi32, #tpu.memory_space<vmem>>
    %dma_wait3A_651 = arith.constant 0 : i32
    %dma_wait3A_652 = arith.constant 0 : i32
    %dma_wait3A_653 = tpu.memref_slice %arg2[%add3A_513, %dma_wait3A_651, %dma_wait3A_652] : memref<64x256x768xf32, #tpu.memory_space<hbm>> -> memref<1x256x768xf32, #tpu.memory_space<hbm>>
    %dma_wait3A_654 = tpu.memref_squeeze %dma_wait3A_653 : memref<1x256x768xf32, #tpu.memory_space<hbm>> -> memref<256x768xf32, #tpu.memory_space<hbm>>
    %dma_wait3A_655 = arith.constant 0 : i32
    %dma_wait3A_656 = arith.constant 0 : i32
    %dma_wait3A_657 = tpu.memref_slice %dma_wait3A_654[%dma_wait3A_655, %dma_wait3A_656] : memref<256x768xf32, #tpu.memory_space<hbm>> -> memref<256x768xf32, #tpu.memory_space<hbm>>
    tpu.wait_indirect_dma semaphore(%arg21 : memref<!tpu.dma_semaphore, #tpu.memory_space<semaphore_mem>>) src(%dma_wait3A_657 : memref<256x768xf32, #tpu.memory_space<hbm>>) dst(%arg13 : memref<16x768xf32, #tpu.memory_space<vmem>>)
    %mul3A_658 = arith.constant 2 : i32
    %mul3A_659 = arith.muli %add3A, %mul3A_658 : i32
    %add3A_660 = arith.constant 0 : i32
    %add3A_661 = arith.addi %mul3A_659, %add3A_660 : i32
    %dma_start3A_662 = arith.constant 240 : i32
    %dma_start3A_663 = arith.constant 0 : i32
    %dma_start3A_664 = tpu.memref_slice %arg4[%add3A_661, %dma_start3A_662, %dma_start3A_663] : memref<64x256x768xf32, #tpu.memory_space<hbm>> -> memref<1x16x768xf32, #tpu.memory_space<hbm>>
    %dma_start3A_665 = tpu.memref_squeeze %dma_start3A_664 : memref<1x16x768xf32, #tpu.memory_space<hbm>> -> memref<16x768xf32, #tpu.memory_space<hbm>>
    %dma_start3A_666 = arith.constant 240 : i32
    %dma_start3A_667 = arith.constant 0 : i32
    %dma_start3A_668 = tpu.memref_slice %arg4[%add3A_661, %dma_start3A_666, %dma_start3A_667] : memref<64x256x768xf32, #tpu.memory_space<hbm>> -> memref<1x16x768xf32, #tpu.memory_space<hbm>>
    %dma_start3A_669 = tpu.memref_squeeze %dma_start3A_668 : memref<1x16x768xf32, #tpu.memory_space<hbm>> -> memref<16x768xf32, #tpu.memory_space<hbm>>
    tpu.enqueue_dma source(%arg13 : memref<16x768xf32, #tpu.memory_space<vmem>>) target(%dma_start3A_669 : memref<16x768xf32, #tpu.memory_space<hbm>>) target_semaphore(%arg29 : memref<!tpu.dma_semaphore, #tpu.memory_space<semaphore_mem>>)
    %dma_wait3A_670 = arith.constant 176 : i32
    %dma_wait3A_671 = arith.constant 0 : i32
    %dma_wait3A_672 = tpu.memref_slice %arg4[%add3A_493, %dma_wait3A_670, %dma_wait3A_671] : memref<64x256x768xf32, #tpu.memory_space<hbm>> -> memref<1x16x768xf32, #tpu.memory_space<hbm>>
    %dma_wait3A_673 = tpu.memref_squeeze %dma_wait3A_672 : memref<1x16x768xf32, #tpu.memory_space<hbm>> -> memref<16x768xf32, #tpu.memory_space<hbm>>
    %dma_wait3A_674 = arith.constant 176 : i32
    %dma_wait3A_675 = arith.constant 0 : i32
    %dma_wait3A_676 = tpu.memref_slice %arg4[%add3A_493, %dma_wait3A_674, %dma_wait3A_675] : memref<64x256x768xf32, #tpu.memory_space<hbm>> -> memref<1x16x768xf32, #tpu.memory_space<hbm>>
    %dma_wait3A_677 = tpu.memref_squeeze %dma_wait3A_676 : memref<1x16x768xf32, #tpu.memory_space<hbm>> -> memref<16x768xf32, #tpu.memory_space<hbm>>
    tpu.wait_dma2 semaphore(%arg25 : memref<!tpu.dma_semaphore, #tpu.memory_space<semaphore_mem>>) src(%arg9 : memref<16x768xf32, #tpu.memory_space<vmem>>) dst(%dma_wait3A_677 : memref<16x768xf32, #tpu.memory_space<hbm>>)
    %mul3A_678 = arith.constant 2 : i32
    %mul3A_679 = arith.muli %add3A, %mul3A_678 : i32
    %add3A_680 = arith.constant 1 : i32
    %add3A_681 = arith.addi %mul3A_679, %add3A_680 : i32
    %dma_start3A_682 = arith.constant 48 : i32
    %dma_start3A_683 = tpu.memref_slice %arg5[%dma_start3A_682] : memref<256xi32, #tpu.memory_space<vmem>> -> memref<16xi32, #tpu.memory_space<vmem>>
    %dma_start3A_684 = arith.constant 0 : i32
    %dma_start3A_685 = arith.constant 0 : i32
    %dma_start3A_686 = tpu.memref_slice %arg2[%add3A_681, %dma_start3A_684, %dma_start3A_685] : memref<64x256x768xf32, #tpu.memory_space<hbm>> -> memref<1x256x768xf32, #tpu.memory_space<hbm>>
    %dma_start3A_687 = tpu.memref_squeeze %dma_start3A_686 : memref<1x256x768xf32, #tpu.memory_space<hbm>> -> memref<256x768xf32, #tpu.memory_space<hbm>>
    %dma_start3A_688 = arith.constant 0 : i32
    %dma_start3A_689 = arith.constant 0 : i32
    %dma_start3A_690 = tpu.memref_slice %dma_start3A_687[%dma_start3A_688, %dma_start3A_689] : memref<256x768xf32, #tpu.memory_space<hbm>> -> memref<256x768xf32, #tpu.memory_space<hbm>>
    tpu.enqueue_indirect_dma source(%dma_start3A_690 : memref<256x768xf32, #tpu.memory_space<hbm>>) target(%arg9 : memref<16x768xf32, #tpu.memory_space<vmem>>) offsets(%dma_start3A_683 : memref<16xi32, #tpu.memory_space<vmem>>) semaphore(%arg17 : memref<!tpu.dma_semaphore, #tpu.memory_space<semaphore_mem>>)
    %dma_wait3A_691 = arith.constant 0 : i32
    %dma_wait3A_692 = tpu.memref_slice %arg5[%dma_wait3A_691] : memref<256xi32, #tpu.memory_space<vmem>> -> memref<16xi32, #tpu.memory_space<vmem>>
    %dma_wait3A_693 = arith.constant 0 : i32
    %dma_wait3A_694 = arith.constant 0 : i32
    %dma_wait3A_695 = tpu.memref_slice %arg2[%add3A_555, %dma_wait3A_693, %dma_wait3A_694] : memref<64x256x768xf32, #tpu.memory_space<hbm>> -> memref<1x256x768xf32, #tpu.memory_space<hbm>>
    %dma_wait3A_696 = tpu.memref_squeeze %dma_wait3A_695 : memref<1x256x768xf32, #tpu.memory_space<hbm>> -> memref<256x768xf32, #tpu.memory_space<hbm>>
    %dma_wait3A_697 = arith.constant 0 : i32
    %dma_wait3A_698 = arith.constant 0 : i32
    %dma_wait3A_699 = tpu.memref_slice %dma_wait3A_696[%dma_wait3A_697, %dma_wait3A_698] : memref<256x768xf32, #tpu.memory_space<hbm>> -> memref<256x768xf32, #tpu.memory_space<hbm>>
    tpu.wait_indirect_dma semaphore(%arg14 : memref<!tpu.dma_semaphore, #tpu.memory_space<semaphore_mem>>) src(%dma_wait3A_699 : memref<256x768xf32, #tpu.memory_space<hbm>>) dst(%arg6 : memref<16x768xf32, #tpu.memory_space<vmem>>)
    %mul3A_700 = arith.constant 2 : i32
    %mul3A_701 = arith.muli %add3A, %mul3A_700 : i32
    %add3A_702 = arith.constant 1 : i32
    %add3A_703 = arith.addi %mul3A_701, %add3A_702 : i32
    %dma_start3A_704 = arith.constant 0 : i32
    %dma_start3A_705 = arith.constant 0 : i32
    %dma_start3A_706 = tpu.memref_slice %arg4[%add3A_703, %dma_start3A_704, %dma_start3A_705] : memref<64x256x768xf32, #tpu.memory_space<hbm>> -> memref<1x16x768xf32, #tpu.memory_space<hbm>>
    %dma_start3A_707 = tpu.memref_squeeze %dma_start3A_706 : memref<1x16x768xf32, #tpu.memory_space<hbm>> -> memref<16x768xf32, #tpu.memory_space<hbm>>
    %dma_start3A_708 = arith.constant 0 : i32
    %dma_start3A_709 = arith.constant 0 : i32
    %dma_start3A_710 = tpu.memref_slice %arg4[%add3A_703, %dma_start3A_708, %dma_start3A_709] : memref<64x256x768xf32, #tpu.memory_space<hbm>> -> memref<1x16x768xf32, #tpu.memory_space<hbm>>
    %dma_start3A_711 = tpu.memref_squeeze %dma_start3A_710 : memref<1x16x768xf32, #tpu.memory_space<hbm>> -> memref<16x768xf32, #tpu.memory_space<hbm>>
    tpu.enqueue_dma source(%arg6 : memref<16x768xf32, #tpu.memory_space<vmem>>) target(%dma_start3A_711 : memref<16x768xf32, #tpu.memory_space<hbm>>) target_semaphore(%arg22 : memref<!tpu.dma_semaphore, #tpu.memory_space<semaphore_mem>>)
    %dma_wait3A_712 = arith.constant 192 : i32
    %dma_wait3A_713 = arith.constant 0 : i32
    %dma_wait3A_714 = tpu.memref_slice %arg4[%add3A_535, %dma_wait3A_712, %dma_wait3A_713] : memref<64x256x768xf32, #tpu.memory_space<hbm>> -> memref<1x16x768xf32, #tpu.memory_space<hbm>>
    %dma_wait3A_715 = tpu.memref_squeeze %dma_wait3A_714 : memref<1x16x768xf32, #tpu.memory_space<hbm>> -> memref<16x768xf32, #tpu.memory_space<hbm>>
    %dma_wait3A_716 = arith.constant 192 : i32
    %dma_wait3A_717 = arith.constant 0 : i32
    %dma_wait3A_718 = tpu.memref_slice %arg4[%add3A_535, %dma_wait3A_716, %dma_wait3A_717] : memref<64x256x768xf32, #tpu.memory_space<hbm>> -> memref<1x16x768xf32, #tpu.memory_space<hbm>>
    %dma_wait3A_719 = tpu.memref_squeeze %dma_wait3A_718 : memref<1x16x768xf32, #tpu.memory_space<hbm>> -> memref<16x768xf32, #tpu.memory_space<hbm>>
    tpu.wait_dma2 semaphore(%arg26 : memref<!tpu.dma_semaphore, #tpu.memory_space<semaphore_mem>>) src(%arg10 : memref<16x768xf32, #tpu.memory_space<vmem>>) dst(%dma_wait3A_719 : memref<16x768xf32, #tpu.memory_space<hbm>>)
    %mul3A_720 = arith.constant 2 : i32
    %mul3A_721 = arith.muli %add3A, %mul3A_720 : i32
    %add3A_722 = arith.constant 1 : i32
    %add3A_723 = arith.addi %mul3A_721, %add3A_722 : i32
    %dma_start3A_724 = arith.constant 64 : i32
    %dma_start3A_725 = tpu.memref_slice %arg5[%dma_start3A_724] : memref<256xi32, #tpu.memory_space<vmem>> -> memref<16xi32, #tpu.memory_space<vmem>>
    %dma_start3A_726 = arith.constant 0 : i32
    %dma_start3A_727 = arith.constant 0 : i32
    %dma_start3A_728 = tpu.memref_slice %arg2[%add3A_723, %dma_start3A_726, %dma_start3A_727] : memref<64x256x768xf32, #tpu.memory_space<hbm>> -> memref<1x256x768xf32, #tpu.memory_space<hbm>>
    %dma_start3A_729 = tpu.memref_squeeze %dma_start3A_728 : memref<1x256x768xf32, #tpu.memory_space<hbm>> -> memref<256x768xf32, #tpu.memory_space<hbm>>
    %dma_start3A_730 = arith.constant 0 : i32
    %dma_start3A_731 = arith.constant 0 : i32
    %dma_start3A_732 = tpu.memref_slice %dma_start3A_729[%dma_start3A_730, %dma_start3A_731] : memref<256x768xf32, #tpu.memory_space<hbm>> -> memref<256x768xf32, #tpu.memory_space<hbm>>
    tpu.enqueue_indirect_dma source(%dma_start3A_732 : memref<256x768xf32, #tpu.memory_space<hbm>>) target(%arg10 : memref<16x768xf32, #tpu.memory_space<vmem>>) offsets(%dma_start3A_725 : memref<16xi32, #tpu.memory_space<vmem>>) semaphore(%arg18 : memref<!tpu.dma_semaphore, #tpu.memory_space<semaphore_mem>>)
    %dma_wait3A_733 = arith.constant 16 : i32
    %dma_wait3A_734 = tpu.memref_slice %arg5[%dma_wait3A_733] : memref<256xi32, #tpu.memory_space<vmem>> -> memref<16xi32, #tpu.memory_space<vmem>>
    %dma_wait3A_735 = arith.constant 0 : i32
    %dma_wait3A_736 = arith.constant 0 : i32
    %dma_wait3A_737 = tpu.memref_slice %arg2[%add3A_597, %dma_wait3A_735, %dma_wait3A_736] : memref<64x256x768xf32, #tpu.memory_space<hbm>> -> memref<1x256x768xf32, #tpu.memory_space<hbm>>
    %dma_wait3A_738 = tpu.memref_squeeze %dma_wait3A_737 : memref<1x256x768xf32, #tpu.memory_space<hbm>> -> memref<256x768xf32, #tpu.memory_space<hbm>>
    %dma_wait3A_739 = arith.constant 0 : i32
    %dma_wait3A_740 = arith.constant 0 : i32
    %dma_wait3A_741 = tpu.memref_slice %dma_wait3A_738[%dma_wait3A_739, %dma_wait3A_740] : memref<256x768xf32, #tpu.memory_space<hbm>> -> memref<256x768xf32, #tpu.memory_space<hbm>>
    tpu.wait_indirect_dma semaphore(%arg15 : memref<!tpu.dma_semaphore, #tpu.memory_space<semaphore_mem>>) src(%dma_wait3A_741 : memref<256x768xf32, #tpu.memory_space<hbm>>) dst(%arg7 : memref<16x768xf32, #tpu.memory_space<vmem>>)
    %mul3A_742 = arith.constant 2 : i32
    %mul3A_743 = arith.muli %add3A, %mul3A_742 : i32
    %add3A_744 = arith.constant 1 : i32
    %add3A_745 = arith.addi %mul3A_743, %add3A_744 : i32
    %dma_start3A_746 = arith.constant 16 : i32
    %dma_start3A_747 = arith.constant 0 : i32
    %dma_start3A_748 = tpu.memref_slice %arg4[%add3A_745, %dma_start3A_746, %dma_start3A_747] : memref<64x256x768xf32, #tpu.memory_space<hbm>> -> memref<1x16x768xf32, #tpu.memory_space<hbm>>
    %dma_start3A_749 = tpu.memref_squeeze %dma_start3A_748 : memref<1x16x768xf32, #tpu.memory_space<hbm>> -> memref<16x768xf32, #tpu.memory_space<hbm>>
    %dma_start3A_750 = arith.constant 16 : i32
    %dma_start3A_751 = arith.constant 0 : i32
    %dma_start3A_752 = tpu.memref_slice %arg4[%add3A_745, %dma_start3A_750, %dma_start3A_751] : memref<64x256x768xf32, #tpu.memory_space<hbm>> -> memref<1x16x768xf32, #tpu.memory_space<hbm>>
    %dma_start3A_753 = tpu.memref_squeeze %dma_start3A_752 : memref<1x16x768xf32, #tpu.memory_space<hbm>> -> memref<16x768xf32, #tpu.memory_space<hbm>>
    tpu.enqueue_dma source(%arg7 : memref<16x768xf32, #tpu.memory_space<vmem>>) target(%dma_start3A_753 : memref<16x768xf32, #tpu.memory_space<hbm>>) target_semaphore(%arg23 : memref<!tpu.dma_semaphore, #tpu.memory_space<semaphore_mem>>)
    %dma_wait3A_754 = arith.constant 208 : i32
    %dma_wait3A_755 = arith.constant 0 : i32
    %dma_wait3A_756 = tpu.memref_slice %arg4[%add3A_577, %dma_wait3A_754, %dma_wait3A_755] : memref<64x256x768xf32, #tpu.memory_space<hbm>> -> memref<1x16x768xf32, #tpu.memory_space<hbm>>
    %dma_wait3A_757 = tpu.memref_squeeze %dma_wait3A_756 : memref<1x16x768xf32, #tpu.memory_space<hbm>> -> memref<16x768xf32, #tpu.memory_space<hbm>>
    %dma_wait3A_758 = arith.constant 208 : i32
    %dma_wait3A_759 = arith.constant 0 : i32
    %dma_wait3A_760 = tpu.memref_slice %arg4[%add3A_577, %dma_wait3A_758, %dma_wait3A_759] : memref<64x256x768xf32, #tpu.memory_space<hbm>> -> memref<1x16x768xf32, #tpu.memory_space<hbm>>
    %dma_wait3A_761 = tpu.memref_squeeze %dma_wait3A_760 : memref<1x16x768xf32, #tpu.memory_space<hbm>> -> memref<16x768xf32, #tpu.memory_space<hbm>>
    tpu.wait_dma2 semaphore(%arg27 : memref<!tpu.dma_semaphore, #tpu.memory_space<semaphore_mem>>) src(%arg11 : memref<16x768xf32, #tpu.memory_space<vmem>>) dst(%dma_wait3A_761 : memref<16x768xf32, #tpu.memory_space<hbm>>)
    %mul3A_762 = arith.constant 2 : i32
    %mul3A_763 = arith.muli %add3A, %mul3A_762 : i32
    %add3A_764 = arith.constant 1 : i32
    %add3A_765 = arith.addi %mul3A_763, %add3A_764 : i32
    %dma_start3A_766 = arith.constant 80 : i32
    %dma_start3A_767 = tpu.memref_slice %arg5[%dma_start3A_766] : memref<256xi32, #tpu.memory_space<vmem>> -> memref<16xi32, #tpu.memory_space<vmem>>
    %dma_start3A_768 = arith.constant 0 : i32
    %dma_start3A_769 = arith.constant 0 : i32
    %dma_start3A_770 = tpu.memref_slice %arg2[%add3A_765, %dma_start3A_768, %dma_start3A_769] : memref<64x256x768xf32, #tpu.memory_space<hbm>> -> memref<1x256x768xf32, #tpu.memory_space<hbm>>
    %dma_start3A_771 = tpu.memref_squeeze %dma_start3A_770 : memref<1x256x768xf32, #tpu.memory_space<hbm>> -> memref<256x768xf32, #tpu.memory_space<hbm>>
    %dma_start3A_772 = arith.constant 0 : i32
    %dma_start3A_773 = arith.constant 0 : i32
    %dma_start3A_774 = tpu.memref_slice %dma_start3A_771[%dma_start3A_772, %dma_start3A_773] : memref<256x768xf32, #tpu.memory_space<hbm>> -> memref<256x768xf32, #tpu.memory_space<hbm>>
    tpu.enqueue_indirect_dma source(%dma_start3A_774 : memref<256x768xf32, #tpu.memory_space<hbm>>) target(%arg11 : memref<16x768xf32, #tpu.memory_space<vmem>>) offsets(%dma_start3A_767 : memref<16xi32, #tpu.memory_space<vmem>>) semaphore(%arg19 : memref<!tpu.dma_semaphore, #tpu.memory_space<semaphore_mem>>)
    %dma_wait3A_775 = arith.constant 32 : i32
    %dma_wait3A_776 = tpu.memref_slice %arg5[%dma_wait3A_775] : memref<256xi32, #tpu.memory_space<vmem>> -> memref<16xi32, #tpu.memory_space<vmem>>
    %dma_wait3A_777 = arith.constant 0 : i32
    %dma_wait3A_778 = arith.constant 0 : i32
    %dma_wait3A_779 = tpu.memref_slice %arg2[%add3A_639, %dma_wait3A_777, %dma_wait3A_778] : memref<64x256x768xf32, #tpu.memory_space<hbm>> -> memref<1x256x768xf32, #tpu.memory_space<hbm>>
    %dma_wait3A_780 = tpu.memref_squeeze %dma_wait3A_779 : memref<1x256x768xf32, #tpu.memory_space<hbm>> -> memref<256x768xf32, #tpu.memory_space<hbm>>
    %dma_wait3A_781 = arith.constant 0 : i32
    %dma_wait3A_782 = arith.constant 0 : i32
    %dma_wait3A_783 = tpu.memref_slice %dma_wait3A_780[%dma_wait3A_781, %dma_wait3A_782] : memref<256x768xf32, #tpu.memory_space<hbm>> -> memref<256x768xf32, #tpu.memory_space<hbm>>
    tpu.wait_indirect_dma semaphore(%arg16 : memref<!tpu.dma_semaphore, #tpu.memory_space<semaphore_mem>>) src(%dma_wait3A_783 : memref<256x768xf32, #tpu.memory_space<hbm>>) dst(%arg8 : memref<16x768xf32, #tpu.memory_space<vmem>>)
    %mul3A_784 = arith.constant 2 : i32
    %mul3A_785 = arith.muli %add3A, %mul3A_784 : i32
    %add3A_786 = arith.constant 1 : i32
    %add3A_787 = arith.addi %mul3A_785, %add3A_786 : i32
    %dma_start3A_788 = arith.constant 32 : i32
    %dma_start3A_789 = arith.constant 0 : i32
    %dma_start3A_790 = tpu.memref_slice %arg4[%add3A_787, %dma_start3A_788, %dma_start3A_789] : memref<64x256x768xf32, #tpu.memory_space<hbm>> -> memref<1x16x768xf32, #tpu.memory_space<hbm>>
    %dma_start3A_791 = tpu.memref_squeeze %dma_start3A_790 : memref<1x16x768xf32, #tpu.memory_space<hbm>> -> memref<16x768xf32, #tpu.memory_space<hbm>>
    %dma_start3A_792 = arith.constant 32 : i32
    %dma_start3A_793 = arith.constant 0 : i32
    %dma_start3A_794 = tpu.memref_slice %arg4[%add3A_787, %dma_start3A_792, %dma_start3A_793] : memref<64x256x768xf32, #tpu.memory_space<hbm>> -> memref<1x16x768xf32, #tpu.memory_space<hbm>>
    %dma_start3A_795 = tpu.memref_squeeze %dma_start3A_794 : memref<1x16x768xf32, #tpu.memory_space<hbm>> -> memref<16x768xf32, #tpu.memory_space<hbm>>
    tpu.enqueue_dma source(%arg8 : memref<16x768xf32, #tpu.memory_space<vmem>>) target(%dma_start3A_795 : memref<16x768xf32, #tpu.memory_space<hbm>>) target_semaphore(%arg24 : memref<!tpu.dma_semaphore, #tpu.memory_space<semaphore_mem>>)
    %dma_wait3A_796 = arith.constant 224 : i32
    %dma_wait3A_797 = arith.constant 0 : i32
    %dma_wait3A_798 = tpu.memref_slice %arg4[%add3A_619, %dma_wait3A_796, %dma_wait3A_797] : memref<64x256x768xf32, #tpu.memory_space<hbm>> -> memref<1x16x768xf32, #tpu.memory_space<hbm>>
    %dma_wait3A_799 = tpu.memref_squeeze %dma_wait3A_798 : memref<1x16x768xf32, #tpu.memory_space<hbm>> -> memref<16x768xf32, #tpu.memory_space<hbm>>
    %dma_wait3A_800 = arith.constant 224 : i32
    %dma_wait3A_801 = arith.constant 0 : i32
    %dma_wait3A_802 = tpu.memref_slice %arg4[%add3A_619, %dma_wait3A_800, %dma_wait3A_801] : memref<64x256x768xf32, #tpu.memory_space<hbm>> -> memref<1x16x768xf32, #tpu.memory_space<hbm>>
    %dma_wait3A_803 = tpu.memref_squeeze %dma_wait3A_802 : memref<1x16x768xf32, #tpu.memory_space<hbm>> -> memref<16x768xf32, #tpu.memory_space<hbm>>
    tpu.wait_dma2 semaphore(%arg28 : memref<!tpu.dma_semaphore, #tpu.memory_space<semaphore_mem>>) src(%arg12 : memref<16x768xf32, #tpu.memory_space<vmem>>) dst(%dma_wait3A_803 : memref<16x768xf32, #tpu.memory_space<hbm>>)
    %mul3A_804 = arith.constant 2 : i32
    %mul3A_805 = arith.muli %add3A, %mul3A_804 : i32
    %add3A_806 = arith.constant 1 : i32
    %add3A_807 = arith.addi %mul3A_805, %add3A_806 : i32
    %dma_start3A_808 = arith.constant 96 : i32
    %dma_start3A_809 = tpu.memref_slice %arg5[%dma_start3A_808] : memref<256xi32, #tpu.memory_space<vmem>> -> memref<16xi32, #tpu.memory_space<vmem>>
    %dma_start3A_810 = arith.constant 0 : i32
    %dma_start3A_811 = arith.constant 0 : i32
    %dma_start3A_812 = tpu.memref_slice %arg2[%add3A_807, %dma_start3A_810, %dma_start3A_811] : memref<64x256x768xf32, #tpu.memory_space<hbm>> -> memref<1x256x768xf32, #tpu.memory_space<hbm>>
    %dma_start3A_813 = tpu.memref_squeeze %dma_start3A_812 : memref<1x256x768xf32, #tpu.memory_space<hbm>> -> memref<256x768xf32, #tpu.memory_space<hbm>>
    %dma_start3A_814 = arith.constant 0 : i32
    %dma_start3A_815 = arith.constant 0 : i32
    %dma_start3A_816 = tpu.memref_slice %dma_start3A_813[%dma_start3A_814, %dma_start3A_815] : memref<256x768xf32, #tpu.memory_space<hbm>> -> memref<256x768xf32, #tpu.memory_space<hbm>>
    tpu.enqueue_indirect_dma source(%dma_start3A_816 : memref<256x768xf32, #tpu.memory_space<hbm>>) target(%arg12 : memref<16x768xf32, #tpu.memory_space<vmem>>) offsets(%dma_start3A_809 : memref<16xi32, #tpu.memory_space<vmem>>) semaphore(%arg20 : memref<!tpu.dma_semaphore, #tpu.memory_space<semaphore_mem>>)
    %dma_wait3A_817 = arith.constant 48 : i32
    %dma_wait3A_818 = tpu.memref_slice %arg5[%dma_wait3A_817] : memref<256xi32, #tpu.memory_space<vmem>> -> memref<16xi32, #tpu.memory_space<vmem>>
    %dma_wait3A_819 = arith.constant 0 : i32
    %dma_wait3A_820 = arith.constant 0 : i32
    %dma_wait3A_821 = tpu.memref_slice %arg2[%add3A_681, %dma_wait3A_819, %dma_wait3A_820] : memref<64x256x768xf32, #tpu.memory_space<hbm>> -> memref<1x256x768xf32, #tpu.memory_space<hbm>>
    %dma_wait3A_822 = tpu.memref_squeeze %dma_wait3A_821 : memref<1x256x768xf32, #tpu.memory_space<hbm>> -> memref<256x768xf32, #tpu.memory_space<hbm>>
    %dma_wait3A_823 = arith.constant 0 : i32
    %dma_wait3A_824 = arith.constant 0 : i32
    %dma_wait3A_825 = tpu.memref_slice %dma_wait3A_822[%dma_wait3A_823, %dma_wait3A_824] : memref<256x768xf32, #tpu.memory_space<hbm>> -> memref<256x768xf32, #tpu.memory_space<hbm>>
    tpu.wait_indirect_dma semaphore(%arg17 : memref<!tpu.dma_semaphore, #tpu.memory_space<semaphore_mem>>) src(%dma_wait3A_825 : memref<256x768xf32, #tpu.memory_space<hbm>>) dst(%arg9 : memref<16x768xf32, #tpu.memory_space<vmem>>)
    %mul3A_826 = arith.constant 2 : i32
    %mul3A_827 = arith.muli %add3A, %mul3A_826 : i32
    %add3A_828 = arith.constant 1 : i32
    %add3A_829 = arith.addi %mul3A_827, %add3A_828 : i32
    %dma_start3A_830 = arith.constant 48 : i32
    %dma_start3A_831 = arith.constant 0 : i32
    %dma_start3A_832 = tpu.memref_slice %arg4[%add3A_829, %dma_start3A_830, %dma_start3A_831] : memref<64x256x768xf32, #tpu.memory_space<hbm>> -> memref<1x16x768xf32, #tpu.memory_space<hbm>>
    %dma_start3A_833 = tpu.memref_squeeze %dma_start3A_832 : memref<1x16x768xf32, #tpu.memory_space<hbm>> -> memref<16x768xf32, #tpu.memory_space<hbm>>
    %dma_start3A_834 = arith.constant 48 : i32
    %dma_start3A_835 = arith.constant 0 : i32
    %dma_start3A_836 = tpu.memref_slice %arg4[%add3A_829, %dma_start3A_834, %dma_start3A_835] : memref<64x256x768xf32, #tpu.memory_space<hbm>> -> memref<1x16x768xf32, #tpu.memory_space<hbm>>
    %dma_start3A_837 = tpu.memref_squeeze %dma_start3A_836 : memref<1x16x768xf32, #tpu.memory_space<hbm>> -> memref<16x768xf32, #tpu.memory_space<hbm>>
    tpu.enqueue_dma source(%arg9 : memref<16x768xf32, #tpu.memory_space<vmem>>) target(%dma_start3A_837 : memref<16x768xf32, #tpu.memory_space<hbm>>) target_semaphore(%arg25 : memref<!tpu.dma_semaphore, #tpu.memory_space<semaphore_mem>>)
    %dma_wait3A_838 = arith.constant 240 : i32
    %dma_wait3A_839 = arith.constant 0 : i32
    %dma_wait3A_840 = tpu.memref_slice %arg4[%add3A_661, %dma_wait3A_838, %dma_wait3A_839] : memref<64x256x768xf32, #tpu.memory_space<hbm>> -> memref<1x16x768xf32, #tpu.memory_space<hbm>>
    %dma_wait3A_841 = tpu.memref_squeeze %dma_wait3A_840 : memref<1x16x768xf32, #tpu.memory_space<hbm>> -> memref<16x768xf32, #tpu.memory_space<hbm>>
    %dma_wait3A_842 = arith.constant 240 : i32
    %dma_wait3A_843 = arith.constant 0 : i32
    %dma_wait3A_844 = tpu.memref_slice %arg4[%add3A_661, %dma_wait3A_842, %dma_wait3A_843] : memref<64x256x768xf32, #tpu.memory_space<hbm>> -> memref<1x16x768xf32, #tpu.memory_space<hbm>>
    %dma_wait3A_845 = tpu.memref_squeeze %dma_wait3A_844 : memref<1x16x768xf32, #tpu.memory_space<hbm>> -> memref<16x768xf32, #tpu.memory_space<hbm>>
    tpu.wait_dma2 semaphore(%arg29 : memref<!tpu.dma_semaphore, #tpu.memory_space<semaphore_mem>>) src(%arg13 : memref<16x768xf32, #tpu.memory_space<vmem>>) dst(%dma_wait3A_845 : memref<16x768xf32, #tpu.memory_space<hbm>>)
    %mul3A_846 = arith.constant 2 : i32
    %mul3A_847 = arith.muli %add3A, %mul3A_846 : i32
    %add3A_848 = arith.constant 1 : i32
    %add3A_849 = arith.addi %mul3A_847, %add3A_848 : i32
    %dma_start3A_850 = arith.constant 112 : i32
    %dma_start3A_851 = tpu.memref_slice %arg5[%dma_start3A_850] : memref<256xi32, #tpu.memory_space<vmem>> -> memref<16xi32, #tpu.memory_space<vmem>>
    %dma_start3A_852 = arith.constant 0 : i32
    %dma_start3A_853 = arith.constant 0 : i32
    %dma_start3A_854 = tpu.memref_slice %arg2[%add3A_849, %dma_start3A_852, %dma_start3A_853] : memref<64x256x768xf32, #tpu.memory_space<hbm>> -> memref<1x256x768xf32, #tpu.memory_space<hbm>>
    %dma_start3A_855 = tpu.memref_squeeze %dma_start3A_854 : memref<1x256x768xf32, #tpu.memory_space<hbm>> -> memref<256x768xf32, #tpu.memory_space<hbm>>
    %dma_start3A_856 = arith.constant 0 : i32
    %dma_start3A_857 = arith.constant 0 : i32
    %dma_start3A_858 = tpu.memref_slice %dma_start3A_855[%dma_start3A_856, %dma_start3A_857] : memref<256x768xf32, #tpu.memory_space<hbm>> -> memref<256x768xf32, #tpu.memory_space<hbm>>
    tpu.enqueue_indirect_dma source(%dma_start3A_858 : memref<256x768xf32, #tpu.memory_space<hbm>>) target(%arg13 : memref<16x768xf32, #tpu.memory_space<vmem>>) offsets(%dma_start3A_851 : memref<16xi32, #tpu.memory_space<vmem>>) semaphore(%arg21 : memref<!tpu.dma_semaphore, #tpu.memory_space<semaphore_mem>>)
    %dma_wait3A_859 = arith.constant 64 : i32
    %dma_wait3A_860 = tpu.memref_slice %arg5[%dma_wait3A_859] : memref<256xi32, #tpu.memory_space<vmem>> -> memref<16xi32, #tpu.memory_space<vmem>>
    %dma_wait3A_861 = arith.constant 0 : i32
    %dma_wait3A_862 = arith.constant 0 : i32
    %dma_wait3A_863 = tpu.memref_slice %arg2[%add3A_723, %dma_wait3A_861, %dma_wait3A_862] : memref<64x256x768xf32, #tpu.memory_space<hbm>> -> memref<1x256x768xf32, #tpu.memory_space<hbm>>
    %dma_wait3A_864 = tpu.memref_squeeze %dma_wait3A_863 : memref<1x256x768xf32, #tpu.memory_space<hbm>> -> memref<256x768xf32, #tpu.memory_space<hbm>>
    %dma_wait3A_865 = arith.constant 0 : i32
    %dma_wait3A_866 = arith.constant 0 : i32
    %dma_wait3A_867 = tpu.memref_slice %dma_wait3A_864[%dma_wait3A_865, %dma_wait3A_866] : memref<256x768xf32, #tpu.memory_space<hbm>> -> memref<256x768xf32, #tpu.memory_space<hbm>>
    tpu.wait_indirect_dma semaphore(%arg18 : memref<!tpu.dma_semaphore, #tpu.memory_space<semaphore_mem>>) src(%dma_wait3A_867 : memref<256x768xf32, #tpu.memory_space<hbm>>) dst(%arg10 : memref<16x768xf32, #tpu.memory_space<vmem>>)
    %mul3A_868 = arith.constant 2 : i32
    %mul3A_869 = arith.muli %add3A, %mul3A_868 : i32
    %add3A_870 = arith.constant 1 : i32
    %add3A_871 = arith.addi %mul3A_869, %add3A_870 : i32
    %dma_start3A_872 = arith.constant 64 : i32
    %dma_start3A_873 = arith.constant 0 : i32
    %dma_start3A_874 = tpu.memref_slice %arg4[%add3A_871, %dma_start3A_872, %dma_start3A_873] : memref<64x256x768xf32, #tpu.memory_space<hbm>> -> memref<1x16x768xf32, #tpu.memory_space<hbm>>
    %dma_start3A_875 = tpu.memref_squeeze %dma_start3A_874 : memref<1x16x768xf32, #tpu.memory_space<hbm>> -> memref<16x768xf32, #tpu.memory_space<hbm>>
    %dma_start3A_876 = arith.constant 64 : i32
    %dma_start3A_877 = arith.constant 0 : i32
    %dma_start3A_878 = tpu.memref_slice %arg4[%add3A_871, %dma_start3A_876, %dma_start3A_877] : memref<64x256x768xf32, #tpu.memory_space<hbm>> -> memref<1x16x768xf32, #tpu.memory_space<hbm>>
    %dma_start3A_879 = tpu.memref_squeeze %dma_start3A_878 : memref<1x16x768xf32, #tpu.memory_space<hbm>> -> memref<16x768xf32, #tpu.memory_space<hbm>>
    tpu.enqueue_dma source(%arg10 : memref<16x768xf32, #tpu.memory_space<vmem>>) target(%dma_start3A_879 : memref<16x768xf32, #tpu.memory_space<hbm>>) target_semaphore(%arg26 : memref<!tpu.dma_semaphore, #tpu.memory_space<semaphore_mem>>)
    %dma_wait3A_880 = arith.constant 0 : i32
    %dma_wait3A_881 = arith.constant 0 : i32
    %dma_wait3A_882 = tpu.memref_slice %arg4[%add3A_703, %dma_wait3A_880, %dma_wait3A_881] : memref<64x256x768xf32, #tpu.memory_space<hbm>> -> memref<1x16x768xf32, #tpu.memory_space<hbm>>
    %dma_wait3A_883 = tpu.memref_squeeze %dma_wait3A_882 : memref<1x16x768xf32, #tpu.memory_space<hbm>> -> memref<16x768xf32, #tpu.memory_space<hbm>>
    %dma_wait3A_884 = arith.constant 0 : i32
    %dma_wait3A_885 = arith.constant 0 : i32
    %dma_wait3A_886 = tpu.memref_slice %arg4[%add3A_703, %dma_wait3A_884, %dma_wait3A_885] : memref<64x256x768xf32, #tpu.memory_space<hbm>> -> memref<1x16x768xf32, #tpu.memory_space<hbm>>
    %dma_wait3A_887 = tpu.memref_squeeze %dma_wait3A_886 : memref<1x16x768xf32, #tpu.memory_space<hbm>> -> memref<16x768xf32, #tpu.memory_space<hbm>>
    tpu.wait_dma2 semaphore(%arg22 : memref<!tpu.dma_semaphore, #tpu.memory_space<semaphore_mem>>) src(%arg6 : memref<16x768xf32, #tpu.memory_space<vmem>>) dst(%dma_wait3A_887 : memref<16x768xf32, #tpu.memory_space<hbm>>)
    %mul3A_888 = arith.constant 2 : i32
    %mul3A_889 = arith.muli %add3A, %mul3A_888 : i32
    %add3A_890 = arith.constant 1 : i32
    %add3A_891 = arith.addi %mul3A_889, %add3A_890 : i32
    %dma_start3A_892 = arith.constant 128 : i32
    %dma_start3A_893 = tpu.memref_slice %arg5[%dma_start3A_892] : memref<256xi32, #tpu.memory_space<vmem>> -> memref<16xi32, #tpu.memory_space<vmem>>
    %dma_start3A_894 = arith.constant 0 : i32
    %dma_start3A_895 = arith.constant 0 : i32
    %dma_start3A_896 = tpu.memref_slice %arg2[%add3A_891, %dma_start3A_894, %dma_start3A_895] : memref<64x256x768xf32, #tpu.memory_space<hbm>> -> memref<1x256x768xf32, #tpu.memory_space<hbm>>
    %dma_start3A_897 = tpu.memref_squeeze %dma_start3A_896 : memref<1x256x768xf32, #tpu.memory_space<hbm>> -> memref<256x768xf32, #tpu.memory_space<hbm>>
    %dma_start3A_898 = arith.constant 0 : i32
    %dma_start3A_899 = arith.constant 0 : i32
    %dma_start3A_900 = tpu.memref_slice %dma_start3A_897[%dma_start3A_898, %dma_start3A_899] : memref<256x768xf32, #tpu.memory_space<hbm>> -> memref<256x768xf32, #tpu.memory_space<hbm>>
    tpu.enqueue_indirect_dma source(%dma_start3A_900 : memref<256x768xf32, #tpu.memory_space<hbm>>) target(%arg6 : memref<16x768xf32, #tpu.memory_space<vmem>>) offsets(%dma_start3A_893 : memref<16xi32, #tpu.memory_space<vmem>>) semaphore(%arg14 : memref<!tpu.dma_semaphore, #tpu.memory_space<semaphore_mem>>)
    %dma_wait3A_901 = arith.constant 80 : i32
    %dma_wait3A_902 = tpu.memref_slice %arg5[%dma_wait3A_901] : memref<256xi32, #tpu.memory_space<vmem>> -> memref<16xi32, #tpu.memory_space<vmem>>
    %dma_wait3A_903 = arith.constant 0 : i32
    %dma_wait3A_904 = arith.constant 0 : i32
    %dma_wait3A_905 = tpu.memref_slice %arg2[%add3A_765, %dma_wait3A_903, %dma_wait3A_904] : memref<64x256x768xf32, #tpu.memory_space<hbm>> -> memref<1x256x768xf32, #tpu.memory_space<hbm>>
    %dma_wait3A_906 = tpu.memref_squeeze %dma_wait3A_905 : memref<1x256x768xf32, #tpu.memory_space<hbm>> -> memref<256x768xf32, #tpu.memory_space<hbm>>
    %dma_wait3A_907 = arith.constant 0 : i32
    %dma_wait3A_908 = arith.constant 0 : i32
    %dma_wait3A_909 = tpu.memref_slice %dma_wait3A_906[%dma_wait3A_907, %dma_wait3A_908] : memref<256x768xf32, #tpu.memory_space<hbm>> -> memref<256x768xf32, #tpu.memory_space<hbm>>
    tpu.wait_indirect_dma semaphore(%arg19 : memref<!tpu.dma_semaphore, #tpu.memory_space<semaphore_mem>>) src(%dma_wait3A_909 : memref<256x768xf32, #tpu.memory_space<hbm>>) dst(%arg11 : memref<16x768xf32, #tpu.memory_space<vmem>>)
    %mul3A_910 = arith.constant 2 : i32
    %mul3A_911 = arith.muli %add3A, %mul3A_910 : i32
    %add3A_912 = arith.constant 1 : i32
    %add3A_913 = arith.addi %mul3A_911, %add3A_912 : i32
    %dma_start3A_914 = arith.constant 80 : i32
    %dma_start3A_915 = arith.constant 0 : i32
    %dma_start3A_916 = tpu.memref_slice %arg4[%add3A_913, %dma_start3A_914, %dma_start3A_915] : memref<64x256x768xf32, #tpu.memory_space<hbm>> -> memref<1x16x768xf32, #tpu.memory_space<hbm>>
    %dma_start3A_917 = tpu.memref_squeeze %dma_start3A_916 : memref<1x16x768xf32, #tpu.memory_space<hbm>> -> memref<16x768xf32, #tpu.memory_space<hbm>>
    %dma_start3A_918 = arith.constant 80 : i32
    %dma_start3A_919 = arith.constant 0 : i32
    %dma_start3A_920 = tpu.memref_slice %arg4[%add3A_913, %dma_start3A_918, %dma_start3A_919] : memref<64x256x768xf32, #tpu.memory_space<hbm>> -> memref<1x16x768xf32, #tpu.memory_space<hbm>>
    %dma_start3A_921 = tpu.memref_squeeze %dma_start3A_920 : memref<1x16x768xf32, #tpu.memory_space<hbm>> -> memref<16x768xf32, #tpu.memory_space<hbm>>
    tpu.enqueue_dma source(%arg11 : memref<16x768xf32, #tpu.memory_space<vmem>>) target(%dma_start3A_921 : memref<16x768xf32, #tpu.memory_space<hbm>>) target_semaphore(%arg27 : memref<!tpu.dma_semaphore, #tpu.memory_space<semaphore_mem>>)
    %dma_wait3A_922 = arith.constant 16 : i32
    %dma_wait3A_923 = arith.constant 0 : i32
    %dma_wait3A_924 = tpu.memref_slice %arg4[%add3A_745, %dma_wait3A_922, %dma_wait3A_923] : memref<64x256x768xf32, #tpu.memory_space<hbm>> -> memref<1x16x768xf32, #tpu.memory_space<hbm>>
    %dma_wait3A_925 = tpu.memref_squeeze %dma_wait3A_924 : memref<1x16x768xf32, #tpu.memory_space<hbm>> -> memref<16x768xf32, #tpu.memory_space<hbm>>
    %dma_wait3A_926 = arith.constant 16 : i32
    %dma_wait3A_927 = arith.constant 0 : i32
    %dma_wait3A_928 = tpu.memref_slice %arg4[%add3A_745, %dma_wait3A_926, %dma_wait3A_927] : memref<64x256x768xf32, #tpu.memory_space<hbm>> -> memref<1x16x768xf32, #tpu.memory_space<hbm>>
    %dma_wait3A_929 = tpu.memref_squeeze %dma_wait3A_928 : memref<1x16x768xf32, #tpu.memory_space<hbm>> -> memref<16x768xf32, #tpu.memory_space<hbm>>
    tpu.wait_dma2 semaphore(%arg23 : memref<!tpu.dma_semaphore, #tpu.memory_space<semaphore_mem>>) src(%arg7 : memref<16x768xf32, #tpu.memory_space<vmem>>) dst(%dma_wait3A_929 : memref<16x768xf32, #tpu.memory_space<hbm>>)
    %mul3A_930 = arith.constant 2 : i32
    %mul3A_931 = arith.muli %add3A, %mul3A_930 : i32
    %add3A_932 = arith.constant 1 : i32
    %add3A_933 = arith.addi %mul3A_931, %add3A_932 : i32
    %dma_start3A_934 = arith.constant 144 : i32
    %dma_start3A_935 = tpu.memref_slice %arg5[%dma_start3A_934] : memref<256xi32, #tpu.memory_space<vmem>> -> memref<16xi32, #tpu.memory_space<vmem>>
    %dma_start3A_936 = arith.constant 0 : i32
    %dma_start3A_937 = arith.constant 0 : i32
    %dma_start3A_938 = tpu.memref_slice %arg2[%add3A_933, %dma_start3A_936, %dma_start3A_937] : memref<64x256x768xf32, #tpu.memory_space<hbm>> -> memref<1x256x768xf32, #tpu.memory_space<hbm>>
    %dma_start3A_939 = tpu.memref_squeeze %dma_start3A_938 : memref<1x256x768xf32, #tpu.memory_space<hbm>> -> memref<256x768xf32, #tpu.memory_space<hbm>>
    %dma_start3A_940 = arith.constant 0 : i32
    %dma_start3A_941 = arith.constant 0 : i32
    %dma_start3A_942 = tpu.memref_slice %dma_start3A_939[%dma_start3A_940, %dma_start3A_941] : memref<256x768xf32, #tpu.memory_space<hbm>> -> memref<256x768xf32, #tpu.memory_space<hbm>>
    tpu.enqueue_indirect_dma source(%dma_start3A_942 : memref<256x768xf32, #tpu.memory_space<hbm>>) target(%arg7 : memref<16x768xf32, #tpu.memory_space<vmem>>) offsets(%dma_start3A_935 : memref<16xi32, #tpu.memory_space<vmem>>) semaphore(%arg15 : memref<!tpu.dma_semaphore, #tpu.memory_space<semaphore_mem>>)
    %dma_wait3A_943 = arith.constant 96 : i32
    %dma_wait3A_944 = tpu.memref_slice %arg5[%dma_wait3A_943] : memref<256xi32, #tpu.memory_space<vmem>> -> memref<16xi32, #tpu.memory_space<vmem>>
    %dma_wait3A_945 = arith.constant 0 : i32
    %dma_wait3A_946 = arith.constant 0 : i32
    %dma_wait3A_947 = tpu.memref_slice %arg2[%add3A_807, %dma_wait3A_945, %dma_wait3A_946] : memref<64x256x768xf32, #tpu.memory_space<hbm>> -> memref<1x256x768xf32, #tpu.memory_space<hbm>>
    %dma_wait3A_948 = tpu.memref_squeeze %dma_wait3A_947 : memref<1x256x768xf32, #tpu.memory_space<hbm>> -> memref<256x768xf32, #tpu.memory_space<hbm>>
    %dma_wait3A_949 = arith.constant 0 : i32
    %dma_wait3A_950 = arith.constant 0 : i32
    %dma_wait3A_951 = tpu.memref_slice %dma_wait3A_948[%dma_wait3A_949, %dma_wait3A_950] : memref<256x768xf32, #tpu.memory_space<hbm>> -> memref<256x768xf32, #tpu.memory_space<hbm>>
    tpu.wait_indirect_dma semaphore(%arg20 : memref<!tpu.dma_semaphore, #tpu.memory_space<semaphore_mem>>) src(%dma_wait3A_951 : memref<256x768xf32, #tpu.memory_space<hbm>>) dst(%arg12 : memref<16x768xf32, #tpu.memory_space<vmem>>)
    %mul3A_952 = arith.constant 2 : i32
    %mul3A_953 = arith.muli %add3A, %mul3A_952 : i32
    %add3A_954 = arith.constant 1 : i32
    %add3A_955 = arith.addi %mul3A_953, %add3A_954 : i32
    %dma_start3A_956 = arith.constant 96 : i32
    %dma_start3A_957 = arith.constant 0 : i32
    %dma_start3A_958 = tpu.memref_slice %arg4[%add3A_955, %dma_start3A_956, %dma_start3A_957] : memref<64x256x768xf32, #tpu.memory_space<hbm>> -> memref<1x16x768xf32, #tpu.memory_space<hbm>>
    %dma_start3A_959 = tpu.memref_squeeze %dma_start3A_958 : memref<1x16x768xf32, #tpu.memory_space<hbm>> -> memref<16x768xf32, #tpu.memory_space<hbm>>
    %dma_start3A_960 = arith.constant 96 : i32
    %dma_start3A_961 = arith.constant 0 : i32
    %dma_start3A_962 = tpu.memref_slice %arg4[%add3A_955, %dma_start3A_960, %dma_start3A_961] : memref<64x256x768xf32, #tpu.memory_space<hbm>> -> memref<1x16x768xf32, #tpu.memory_space<hbm>>
    %dma_start3A_963 = tpu.memref_squeeze %dma_start3A_962 : memref<1x16x768xf32, #tpu.memory_space<hbm>> -> memref<16x768xf32, #tpu.memory_space<hbm>>
    tpu.enqueue_dma source(%arg12 : memref<16x768xf32, #tpu.memory_space<vmem>>) target(%dma_start3A_963 : memref<16x768xf32, #tpu.memory_space<hbm>>) target_semaphore(%arg28 : memref<!tpu.dma_semaphore, #tpu.memory_space<semaphore_mem>>)
    %dma_wait3A_964 = arith.constant 32 : i32
    %dma_wait3A_965 = arith.constant 0 : i32
    %dma_wait3A_966 = tpu.memref_slice %arg4[%add3A_787, %dma_wait3A_964, %dma_wait3A_965] : memref<64x256x768xf32, #tpu.memory_space<hbm>> -> memref<1x16x768xf32, #tpu.memory_space<hbm>>
    %dma_wait3A_967 = tpu.memref_squeeze %dma_wait3A_966 : memref<1x16x768xf32, #tpu.memory_space<hbm>> -> memref<16x768xf32, #tpu.memory_space<hbm>>
    %dma_wait3A_968 = arith.constant 32 : i32
    %dma_wait3A_969 = arith.constant 0 : i32
    %dma_wait3A_970 = tpu.memref_slice %arg4[%add3A_787, %dma_wait3A_968, %dma_wait3A_969] : memref<64x256x768xf32, #tpu.memory_space<hbm>> -> memref<1x16x768xf32, #tpu.memory_space<hbm>>
    %dma_wait3A_971 = tpu.memref_squeeze %dma_wait3A_970 : memref<1x16x768xf32, #tpu.memory_space<hbm>> -> memref<16x768xf32, #tpu.memory_space<hbm>>
    tpu.wait_dma2 semaphore(%arg24 : memref<!tpu.dma_semaphore, #tpu.memory_space<semaphore_mem>>) src(%arg8 : memref<16x768xf32, #tpu.memory_space<vmem>>) dst(%dma_wait3A_971 : memref<16x768xf32, #tpu.memory_space<hbm>>)
    %mul3A_972 = arith.constant 2 : i32
    %mul3A_973 = arith.muli %add3A, %mul3A_972 : i32
    %add3A_974 = arith.constant 1 : i32
    %add3A_975 = arith.addi %mul3A_973, %add3A_974 : i32
    %dma_start3A_976 = arith.constant 160 : i32
    %dma_start3A_977 = tpu.memref_slice %arg5[%dma_start3A_976] : memref<256xi32, #tpu.memory_space<vmem>> -> memref<16xi32, #tpu.memory_space<vmem>>
    %dma_start3A_978 = arith.constant 0 : i32
    %dma_start3A_979 = arith.constant 0 : i32
    %dma_start3A_980 = tpu.memref_slice %arg2[%add3A_975, %dma_start3A_978, %dma_start3A_979] : memref<64x256x768xf32, #tpu.memory_space<hbm>> -> memref<1x256x768xf32, #tpu.memory_space<hbm>>
    %dma_start3A_981 = tpu.memref_squeeze %dma_start3A_980 : memref<1x256x768xf32, #tpu.memory_space<hbm>> -> memref<256x768xf32, #tpu.memory_space<hbm>>
    %dma_start3A_982 = arith.constant 0 : i32
    %dma_start3A_983 = arith.constant 0 : i32
    %dma_start3A_984 = tpu.memref_slice %dma_start3A_981[%dma_start3A_982, %dma_start3A_983] : memref<256x768xf32, #tpu.memory_space<hbm>> -> memref<256x768xf32, #tpu.memory_space<hbm>>
    tpu.enqueue_indirect_dma source(%dma_start3A_984 : memref<256x768xf32, #tpu.memory_space<hbm>>) target(%arg8 : memref<16x768xf32, #tpu.memory_space<vmem>>) offsets(%dma_start3A_977 : memref<16xi32, #tpu.memory_space<vmem>>) semaphore(%arg16 : memref<!tpu.dma_semaphore, #tpu.memory_space<semaphore_mem>>)
    %dma_wait3A_985 = arith.constant 112 : i32
    %dma_wait3A_986 = tpu.memref_slice %arg5[%dma_wait3A_985] : memref<256xi32, #tpu.memory_space<vmem>> -> memref<16xi32, #tpu.memory_space<vmem>>
    %dma_wait3A_987 = arith.constant 0 : i32
    %dma_wait3A_988 = arith.constant 0 : i32
    %dma_wait3A_989 = tpu.memref_slice %arg2[%add3A_849, %dma_wait3A_987, %dma_wait3A_988] : memref<64x256x768xf32, #tpu.memory_space<hbm>> -> memref<1x256x768xf32, #tpu.memory_space<hbm>>
    %dma_wait3A_990 = tpu.memref_squeeze %dma_wait3A_989 : memref<1x256x768xf32, #tpu.memory_space<hbm>> -> memref<256x768xf32, #tpu.memory_space<hbm>>
    %dma_wait3A_991 = arith.constant 0 : i32
    %dma_wait3A_992 = arith.constant 0 : i32
    %dma_wait3A_993 = tpu.memref_slice %dma_wait3A_990[%dma_wait3A_991, %dma_wait3A_992] : memref<256x768xf32, #tpu.memory_space<hbm>> -> memref<256x768xf32, #tpu.memory_space<hbm>>
    tpu.wait_indirect_dma semaphore(%arg21 : memref<!tpu.dma_semaphore, #tpu.memory_space<semaphore_mem>>) src(%dma_wait3A_993 : memref<256x768xf32, #tpu.memory_space<hbm>>) dst(%arg13 : memref<16x768xf32, #tpu.memory_space<vmem>>)
    %mul3A_994 = arith.constant 2 : i32
    %mul3A_995 = arith.muli %add3A, %mul3A_994 : i32
    %add3A_996 = arith.constant 1 : i32
    %add3A_997 = arith.addi %mul3A_995, %add3A_996 : i32
    %dma_start3A_998 = arith.constant 112 : i32
    %dma_start3A_999 = arith.constant 0 : i32
    %dma_start3A_1000 = tpu.memref_slice %arg4[%add3A_997, %dma_start3A_998, %dma_start3A_999] : memref<64x256x768xf32, #tpu.memory_space<hbm>> -> memref<1x16x768xf32, #tpu.memory_space<hbm>>
    %dma_start3A_1001 = tpu.memref_squeeze %dma_start3A_1000 : memref<1x16x768xf32, #tpu.memory_space<hbm>> -> memref<16x768xf32, #tpu.memory_space<hbm>>
    %dma_start3A_1002 = arith.constant 112 : i32
    %dma_start3A_1003 = arith.constant 0 : i32
    %dma_start3A_1004 = tpu.memref_slice %arg4[%add3A_997, %dma_start3A_1002, %dma_start3A_1003] : memref<64x256x768xf32, #tpu.memory_space<hbm>> -> memref<1x16x768xf32, #tpu.memory_space<hbm>>
    %dma_start3A_1005 = tpu.memref_squeeze %dma_start3A_1004 : memref<1x16x768xf32, #tpu.memory_space<hbm>> -> memref<16x768xf32, #tpu.memory_space<hbm>>
    tpu.enqueue_dma source(%arg13 : memref<16x768xf32, #tpu.memory_space<vmem>>) target(%dma_start3A_1005 : memref<16x768xf32, #tpu.memory_space<hbm>>) target_semaphore(%arg29 : memref<!tpu.dma_semaphore, #tpu.memory_space<semaphore_mem>>)
    %dma_wait3A_1006 = arith.constant 48 : i32
    %dma_wait3A_1007 = arith.constant 0 : i32
    %dma_wait3A_1008 = tpu.memref_slice %arg4[%add3A_829, %dma_wait3A_1006, %dma_wait3A_1007] : memref<64x256x768xf32, #tpu.memory_space<hbm>> -> memref<1x16x768xf32, #tpu.memory_space<hbm>>
    %dma_wait3A_1009 = tpu.memref_squeeze %dma_wait3A_1008 : memref<1x16x768xf32, #tpu.memory_space<hbm>> -> memref<16x768xf32, #tpu.memory_space<hbm>>
    %dma_wait3A_1010 = arith.constant 48 : i32
    %dma_wait3A_1011 = arith.constant 0 : i32
    %dma_wait3A_1012 = tpu.memref_slice %arg4[%add3A_829, %dma_wait3A_1010, %dma_wait3A_1011] : memref<64x256x768xf32, #tpu.memory_space<hbm>> -> memref<1x16x768xf32, #tpu.memory_space<hbm>>
    %dma_wait3A_1013 = tpu.memref_squeeze %dma_wait3A_1012 : memref<1x16x768xf32, #tpu.memory_space<hbm>> -> memref<16x768xf32, #tpu.memory_space<hbm>>
    tpu.wait_dma2 semaphore(%arg25 : memref<!tpu.dma_semaphore, #tpu.memory_space<semaphore_mem>>) src(%arg9 : memref<16x768xf32, #tpu.memory_space<vmem>>) dst(%dma_wait3A_1013 : memref<16x768xf32, #tpu.memory_space<hbm>>)
    %mul3A_1014 = arith.constant 2 : i32
    %mul3A_1015 = arith.muli %add3A, %mul3A_1014 : i32
    %add3A_1016 = arith.constant 1 : i32
    %add3A_1017 = arith.addi %mul3A_1015, %add3A_1016 : i32
    %dma_start3A_1018 = arith.constant 176 : i32
    %dma_start3A_1019 = tpu.memref_slice %arg5[%dma_start3A_1018] : memref<256xi32, #tpu.memory_space<vmem>> -> memref<16xi32, #tpu.memory_space<vmem>>
    %dma_start3A_1020 = arith.constant 0 : i32
    %dma_start3A_1021 = arith.constant 0 : i32
    %dma_start3A_1022 = tpu.memref_slice %arg2[%add3A_1017, %dma_start3A_1020, %dma_start3A_1021] : memref<64x256x768xf32, #tpu.memory_space<hbm>> -> memref<1x256x768xf32, #tpu.memory_space<hbm>>
    %dma_start3A_1023 = tpu.memref_squeeze %dma_start3A_1022 : memref<1x256x768xf32, #tpu.memory_space<hbm>> -> memref<256x768xf32, #tpu.memory_space<hbm>>
    %dma_start3A_1024 = arith.constant 0 : i32
    %dma_start3A_1025 = arith.constant 0 : i32
    %dma_start3A_1026 = tpu.memref_slice %dma_start3A_1023[%dma_start3A_1024, %dma_start3A_1025] : memref<256x768xf32, #tpu.memory_space<hbm>> -> memref<256x768xf32, #tpu.memory_space<hbm>>
    tpu.enqueue_indirect_dma source(%dma_start3A_1026 : memref<256x768xf32, #tpu.memory_space<hbm>>) target(%arg9 : memref<16x768xf32, #tpu.memory_space<vmem>>) offsets(%dma_start3A_1019 : memref<16xi32, #tpu.memory_space<vmem>>) semaphore(%arg17 : memref<!tpu.dma_semaphore, #tpu.memory_space<semaphore_mem>>)
    %dma_wait3A_1027 = arith.constant 128 : i32
    %dma_wait3A_1028 = tpu.memref_slice %arg5[%dma_wait3A_1027] : memref<256xi32, #tpu.memory_space<vmem>> -> memref<16xi32, #tpu.memory_space<vmem>>
    %dma_wait3A_1029 = arith.constant 0 : i32
    %dma_wait3A_1030 = arith.constant 0 : i32
    %dma_wait3A_1031 = tpu.memref_slice %arg2[%add3A_891, %dma_wait3A_1029, %dma_wait3A_1030] : memref<64x256x768xf32, #tpu.memory_space<hbm>> -> memref<1x256x768xf32, #tpu.memory_space<hbm>>
    %dma_wait3A_1032 = tpu.memref_squeeze %dma_wait3A_1031 : memref<1x256x768xf32, #tpu.memory_space<hbm>> -> memref<256x768xf32, #tpu.memory_space<hbm>>
    %dma_wait3A_1033 = arith.constant 0 : i32
    %dma_wait3A_1034 = arith.constant 0 : i32
    %dma_wait3A_1035 = tpu.memref_slice %dma_wait3A_1032[%dma_wait3A_1033, %dma_wait3A_1034] : memref<256x768xf32, #tpu.memory_space<hbm>> -> memref<256x768xf32, #tpu.memory_space<hbm>>
    tpu.wait_indirect_dma semaphore(%arg14 : memref<!tpu.dma_semaphore, #tpu.memory_space<semaphore_mem>>) src(%dma_wait3A_1035 : memref<256x768xf32, #tpu.memory_space<hbm>>) dst(%arg6 : memref<16x768xf32, #tpu.memory_space<vmem>>)
    %mul3A_1036 = arith.constant 2 : i32
    %mul3A_1037 = arith.muli %add3A, %mul3A_1036 : i32
    %add3A_1038 = arith.constant 1 : i32
    %add3A_1039 = arith.addi %mul3A_1037, %add3A_1038 : i32
    %dma_start3A_1040 = arith.constant 128 : i32
    %dma_start3A_1041 = arith.constant 0 : i32
    %dma_start3A_1042 = tpu.memref_slice %arg4[%add3A_1039, %dma_start3A_1040, %dma_start3A_1041] : memref<64x256x768xf32, #tpu.memory_space<hbm>> -> memref<1x16x768xf32, #tpu.memory_space<hbm>>
    %dma_start3A_1043 = tpu.memref_squeeze %dma_start3A_1042 : memref<1x16x768xf32, #tpu.memory_space<hbm>> -> memref<16x768xf32, #tpu.memory_space<hbm>>
    %dma_start3A_1044 = arith.constant 128 : i32
    %dma_start3A_1045 = arith.constant 0 : i32
    %dma_start3A_1046 = tpu.memref_slice %arg4[%add3A_1039, %dma_start3A_1044, %dma_start3A_1045] : memref<64x256x768xf32, #tpu.memory_space<hbm>> -> memref<1x16x768xf32, #tpu.memory_space<hbm>>
    %dma_start3A_1047 = tpu.memref_squeeze %dma_start3A_1046 : memref<1x16x768xf32, #tpu.memory_space<hbm>> -> memref<16x768xf32, #tpu.memory_space<hbm>>
    tpu.enqueue_dma source(%arg6 : memref<16x768xf32, #tpu.memory_space<vmem>>) target(%dma_start3A_1047 : memref<16x768xf32, #tpu.memory_space<hbm>>) target_semaphore(%arg22 : memref<!tpu.dma_semaphore, #tpu.memory_space<semaphore_mem>>)
    %dma_wait3A_1048 = arith.constant 64 : i32
    %dma_wait3A_1049 = arith.constant 0 : i32
    %dma_wait3A_1050 = tpu.memref_slice %arg4[%add3A_871, %dma_wait3A_1048, %dma_wait3A_1049] : memref<64x256x768xf32, #tpu.memory_space<hbm>> -> memref<1x16x768xf32, #tpu.memory_space<hbm>>
    %dma_wait3A_1051 = tpu.memref_squeeze %dma_wait3A_1050 : memref<1x16x768xf32, #tpu.memory_space<hbm>> -> memref<16x768xf32, #tpu.memory_space<hbm>>
    %dma_wait3A_1052 = arith.constant 64 : i32
    %dma_wait3A_1053 = arith.constant 0 : i32
    %dma_wait3A_1054 = tpu.memref_slice %arg4[%add3A_871, %dma_wait3A_1052, %dma_wait3A_1053] : memref<64x256x768xf32, #tpu.memory_space<hbm>> -> memref<1x16x768xf32, #tpu.memory_space<hbm>>
    %dma_wait3A_1055 = tpu.memref_squeeze %dma_wait3A_1054 : memref<1x16x768xf32, #tpu.memory_space<hbm>> -> memref<16x768xf32, #tpu.memory_space<hbm>>
    tpu.wait_dma2 semaphore(%arg26 : memref<!tpu.dma_semaphore, #tpu.memory_space<semaphore_mem>>) src(%arg10 : memref<16x768xf32, #tpu.memory_space<vmem>>) dst(%dma_wait3A_1055 : memref<16x768xf32, #tpu.memory_space<hbm>>)
    %mul3A_1056 = arith.constant 2 : i32
    %mul3A_1057 = arith.muli %add3A, %mul3A_1056 : i32
    %add3A_1058 = arith.constant 1 : i32
    %add3A_1059 = arith.addi %mul3A_1057, %add3A_1058 : i32
    %dma_start3A_1060 = arith.constant 192 : i32
    %dma_start3A_1061 = tpu.memref_slice %arg5[%dma_start3A_1060] : memref<256xi32, #tpu.memory_space<vmem>> -> memref<16xi32, #tpu.memory_space<vmem>>
    %dma_start3A_1062 = arith.constant 0 : i32
    %dma_start3A_1063 = arith.constant 0 : i32
    %dma_start3A_1064 = tpu.memref_slice %arg2[%add3A_1059, %dma_start3A_1062, %dma_start3A_1063] : memref<64x256x768xf32, #tpu.memory_space<hbm>> -> memref<1x256x768xf32, #tpu.memory_space<hbm>>
    %dma_start3A_1065 = tpu.memref_squeeze %dma_start3A_1064 : memref<1x256x768xf32, #tpu.memory_space<hbm>> -> memref<256x768xf32, #tpu.memory_space<hbm>>
    %dma_start3A_1066 = arith.constant 0 : i32
    %dma_start3A_1067 = arith.constant 0 : i32
    %dma_start3A_1068 = tpu.memref_slice %dma_start3A_1065[%dma_start3A_1066, %dma_start3A_1067] : memref<256x768xf32, #tpu.memory_space<hbm>> -> memref<256x768xf32, #tpu.memory_space<hbm>>
    tpu.enqueue_indirect_dma source(%dma_start3A_1068 : memref<256x768xf32, #tpu.memory_space<hbm>>) target(%arg10 : memref<16x768xf32, #tpu.memory_space<vmem>>) offsets(%dma_start3A_1061 : memref<16xi32, #tpu.memory_space<vmem>>) semaphore(%arg18 : memref<!tpu.dma_semaphore, #tpu.memory_space<semaphore_mem>>)
    %dma_wait3A_1069 = arith.constant 144 : i32
    %dma_wait3A_1070 = tpu.memref_slice %arg5[%dma_wait3A_1069] : memref<256xi32, #tpu.memory_space<vmem>> -> memref<16xi32, #tpu.memory_space<vmem>>
    %dma_wait3A_1071 = arith.constant 0 : i32
    %dma_wait3A_1072 = arith.constant 0 : i32
    %dma_wait3A_1073 = tpu.memref_slice %arg2[%add3A_933, %dma_wait3A_1071, %dma_wait3A_1072] : memref<64x256x768xf32, #tpu.memory_space<hbm>> -> memref<1x256x768xf32, #tpu.memory_space<hbm>>
    %dma_wait3A_1074 = tpu.memref_squeeze %dma_wait3A_1073 : memref<1x256x768xf32, #tpu.memory_space<hbm>> -> memref<256x768xf32, #tpu.memory_space<hbm>>
    %dma_wait3A_1075 = arith.constant 0 : i32
    %dma_wait3A_1076 = arith.constant 0 : i32
    %dma_wait3A_1077 = tpu.memref_slice %dma_wait3A_1074[%dma_wait3A_1075, %dma_wait3A_1076] : memref<256x768xf32, #tpu.memory_space<hbm>> -> memref<256x768xf32, #tpu.memory_space<hbm>>
    tpu.wait_indirect_dma semaphore(%arg15 : memref<!tpu.dma_semaphore, #tpu.memory_space<semaphore_mem>>) src(%dma_wait3A_1077 : memref<256x768xf32, #tpu.memory_space<hbm>>) dst(%arg7 : memref<16x768xf32, #tpu.memory_space<vmem>>)
    %mul3A_1078 = arith.constant 2 : i32
    %mul3A_1079 = arith.muli %add3A, %mul3A_1078 : i32
    %add3A_1080 = arith.constant 1 : i32
    %add3A_1081 = arith.addi %mul3A_1079, %add3A_1080 : i32
    %dma_start3A_1082 = arith.constant 144 : i32
    %dma_start3A_1083 = arith.constant 0 : i32
    %dma_start3A_1084 = tpu.memref_slice %arg4[%add3A_1081, %dma_start3A_1082, %dma_start3A_1083] : memref<64x256x768xf32, #tpu.memory_space<hbm>> -> memref<1x16x768xf32, #tpu.memory_space<hbm>>
    %dma_start3A_1085 = tpu.memref_squeeze %dma_start3A_1084 : memref<1x16x768xf32, #tpu.memory_space<hbm>> -> memref<16x768xf32, #tpu.memory_space<hbm>>
    %dma_start3A_1086 = arith.constant 144 : i32
    %dma_start3A_1087 = arith.constant 0 : i32
    %dma_start3A_1088 = tpu.memref_slice %arg4[%add3A_1081, %dma_start3A_1086, %dma_start3A_1087] : memref<64x256x768xf32, #tpu.memory_space<hbm>> -> memref<1x16x768xf32, #tpu.memory_space<hbm>>
    %dma_start3A_1089 = tpu.memref_squeeze %dma_start3A_1088 : memref<1x16x768xf32, #tpu.memory_space<hbm>> -> memref<16x768xf32, #tpu.memory_space<hbm>>
    tpu.enqueue_dma source(%arg7 : memref<16x768xf32, #tpu.memory_space<vmem>>) target(%dma_start3A_1089 : memref<16x768xf32, #tpu.memory_space<hbm>>) target_semaphore(%arg23 : memref<!tpu.dma_semaphore, #tpu.memory_space<semaphore_mem>>)
    %dma_wait3A_1090 = arith.constant 80 : i32
    %dma_wait3A_1091 = arith.constant 0 : i32
    %dma_wait3A_1092 = tpu.memref_slice %arg4[%add3A_913, %dma_wait3A_1090, %dma_wait3A_1091] : memref<64x256x768xf32, #tpu.memory_space<hbm>> -> memref<1x16x768xf32, #tpu.memory_space<hbm>>
    %dma_wait3A_1093 = tpu.memref_squeeze %dma_wait3A_1092 : memref<1x16x768xf32, #tpu.memory_space<hbm>> -> memref<16x768xf32, #tpu.memory_space<hbm>>
    %dma_wait3A_1094 = arith.constant 80 : i32
    %dma_wait3A_1095 = arith.constant 0 : i32
    %dma_wait3A_1096 = tpu.memref_slice %arg4[%add3A_913, %dma_wait3A_1094, %dma_wait3A_1095] : memref<64x256x768xf32, #tpu.memory_space<hbm>> -> memref<1x16x768xf32, #tpu.memory_space<hbm>>
    %dma_wait3A_1097 = tpu.memref_squeeze %dma_wait3A_1096 : memref<1x16x768xf32, #tpu.memory_space<hbm>> -> memref<16x768xf32, #tpu.memory_space<hbm>>
    tpu.wait_dma2 semaphore(%arg27 : memref<!tpu.dma_semaphore, #tpu.memory_space<semaphore_mem>>) src(%arg11 : memref<16x768xf32, #tpu.memory_space<vmem>>) dst(%dma_wait3A_1097 : memref<16x768xf32, #tpu.memory_space<hbm>>)
    %mul3A_1098 = arith.constant 2 : i32
    %mul3A_1099 = arith.muli %add3A, %mul3A_1098 : i32
    %add3A_1100 = arith.constant 1 : i32
    %add3A_1101 = arith.addi %mul3A_1099, %add3A_1100 : i32
    %dma_start3A_1102 = arith.constant 208 : i32
    %dma_start3A_1103 = tpu.memref_slice %arg5[%dma_start3A_1102] : memref<256xi32, #tpu.memory_space<vmem>> -> memref<16xi32, #tpu.memory_space<vmem>>
    %dma_start3A_1104 = arith.constant 0 : i32
    %dma_start3A_1105 = arith.constant 0 : i32
    %dma_start3A_1106 = tpu.memref_slice %arg2[%add3A_1101, %dma_start3A_1104, %dma_start3A_1105] : memref<64x256x768xf32, #tpu.memory_space<hbm>> -> memref<1x256x768xf32, #tpu.memory_space<hbm>>
    %dma_start3A_1107 = tpu.memref_squeeze %dma_start3A_1106 : memref<1x256x768xf32, #tpu.memory_space<hbm>> -> memref<256x768xf32, #tpu.memory_space<hbm>>
    %dma_start3A_1108 = arith.constant 0 : i32
    %dma_start3A_1109 = arith.constant 0 : i32
    %dma_start3A_1110 = tpu.memref_slice %dma_start3A_1107[%dma_start3A_1108, %dma_start3A_1109] : memref<256x768xf32, #tpu.memory_space<hbm>> -> memref<256x768xf32, #tpu.memory_space<hbm>>
    tpu.enqueue_indirect_dma source(%dma_start3A_1110 : memref<256x768xf32, #tpu.memory_space<hbm>>) target(%arg11 : memref<16x768xf32, #tpu.memory_space<vmem>>) offsets(%dma_start3A_1103 : memref<16xi32, #tpu.memory_space<vmem>>) semaphore(%arg19 : memref<!tpu.dma_semaphore, #tpu.memory_space<semaphore_mem>>)
    %dma_wait3A_1111 = arith.constant 160 : i32
    %dma_wait3A_1112 = tpu.memref_slice %arg5[%dma_wait3A_1111] : memref<256xi32, #tpu.memory_space<vmem>> -> memref<16xi32, #tpu.memory_space<vmem>>
    %dma_wait3A_1113 = arith.constant 0 : i32
    %dma_wait3A_1114 = arith.constant 0 : i32
    %dma_wait3A_1115 = tpu.memref_slice %arg2[%add3A_975, %dma_wait3A_1113, %dma_wait3A_1114] : memref<64x256x768xf32, #tpu.memory_space<hbm>> -> memref<1x256x768xf32, #tpu.memory_space<hbm>>
    %dma_wait3A_1116 = tpu.memref_squeeze %dma_wait3A_1115 : memref<1x256x768xf32, #tpu.memory_space<hbm>> -> memref<256x768xf32, #tpu.memory_space<hbm>>
    %dma_wait3A_1117 = arith.constant 0 : i32
    %dma_wait3A_1118 = arith.constant 0 : i32
    %dma_wait3A_1119 = tpu.memref_slice %dma_wait3A_1116[%dma_wait3A_1117, %dma_wait3A_1118] : memref<256x768xf32, #tpu.memory_space<hbm>> -> memref<256x768xf32, #tpu.memory_space<hbm>>
    tpu.wait_indirect_dma semaphore(%arg16 : memref<!tpu.dma_semaphore, #tpu.memory_space<semaphore_mem>>) src(%dma_wait3A_1119 : memref<256x768xf32, #tpu.memory_space<hbm>>) dst(%arg8 : memref<16x768xf32, #tpu.memory_space<vmem>>)
    %mul3A_1120 = arith.constant 2 : i32
    %mul3A_1121 = arith.muli %add3A, %mul3A_1120 : i32
    %add3A_1122 = arith.constant 1 : i32
    %add3A_1123 = arith.addi %mul3A_1121, %add3A_1122 : i32
    %dma_start3A_1124 = arith.constant 160 : i32
    %dma_start3A_1125 = arith.constant 0 : i32
    %dma_start3A_1126 = tpu.memref_slice %arg4[%add3A_1123, %dma_start3A_1124, %dma_start3A_1125] : memref<64x256x768xf32, #tpu.memory_space<hbm>> -> memref<1x16x768xf32, #tpu.memory_space<hbm>>
    %dma_start3A_1127 = tpu.memref_squeeze %dma_start3A_1126 : memref<1x16x768xf32, #tpu.memory_space<hbm>> -> memref<16x768xf32, #tpu.memory_space<hbm>>
    %dma_start3A_1128 = arith.constant 160 : i32
    %dma_start3A_1129 = arith.constant 0 : i32
    %dma_start3A_1130 = tpu.memref_slice %arg4[%add3A_1123, %dma_start3A_1128, %dma_start3A_1129] : memref<64x256x768xf32, #tpu.memory_space<hbm>> -> memref<1x16x768xf32, #tpu.memory_space<hbm>>
    %dma_start3A_1131 = tpu.memref_squeeze %dma_start3A_1130 : memref<1x16x768xf32, #tpu.memory_space<hbm>> -> memref<16x768xf32, #tpu.memory_space<hbm>>
    tpu.enqueue_dma source(%arg8 : memref<16x768xf32, #tpu.memory_space<vmem>>) target(%dma_start3A_1131 : memref<16x768xf32, #tpu.memory_space<hbm>>) target_semaphore(%arg24 : memref<!tpu.dma_semaphore, #tpu.memory_space<semaphore_mem>>)
    %dma_wait3A_1132 = arith.constant 96 : i32
    %dma_wait3A_1133 = arith.constant 0 : i32
    %dma_wait3A_1134 = tpu.memref_slice %arg4[%add3A_955, %dma_wait3A_1132, %dma_wait3A_1133] : memref<64x256x768xf32, #tpu.memory_space<hbm>> -> memref<1x16x768xf32, #tpu.memory_space<hbm>>
    %dma_wait3A_1135 = tpu.memref_squeeze %dma_wait3A_1134 : memref<1x16x768xf32, #tpu.memory_space<hbm>> -> memref<16x768xf32, #tpu.memory_space<hbm>>
    %dma_wait3A_1136 = arith.constant 96 : i32
    %dma_wait3A_1137 = arith.constant 0 : i32
    %dma_wait3A_1138 = tpu.memref_slice %arg4[%add3A_955, %dma_wait3A_1136, %dma_wait3A_1137] : memref<64x256x768xf32, #tpu.memory_space<hbm>> -> memref<1x16x768xf32, #tpu.memory_space<hbm>>
    %dma_wait3A_1139 = tpu.memref_squeeze %dma_wait3A_1138 : memref<1x16x768xf32, #tpu.memory_space<hbm>> -> memref<16x768xf32, #tpu.memory_space<hbm>>
    tpu.wait_dma2 semaphore(%arg28 : memref<!tpu.dma_semaphore, #tpu.memory_space<semaphore_mem>>) src(%arg12 : memref<16x768xf32, #tpu.memory_space<vmem>>) dst(%dma_wait3A_1139 : memref<16x768xf32, #tpu.memory_space<hbm>>)
    %mul3A_1140 = arith.constant 2 : i32
    %mul3A_1141 = arith.muli %add3A, %mul3A_1140 : i32
    %add3A_1142 = arith.constant 1 : i32
    %add3A_1143 = arith.addi %mul3A_1141, %add3A_1142 : i32
    %dma_start3A_1144 = arith.constant 224 : i32
    %dma_start3A_1145 = tpu.memref_slice %arg5[%dma_start3A_1144] : memref<256xi32, #tpu.memory_space<vmem>> -> memref<16xi32, #tpu.memory_space<vmem>>
    %dma_start3A_1146 = arith.constant 0 : i32
    %dma_start3A_1147 = arith.constant 0 : i32
    %dma_start3A_1148 = tpu.memref_slice %arg2[%add3A_1143, %dma_start3A_1146, %dma_start3A_1147] : memref<64x256x768xf32, #tpu.memory_space<hbm>> -> memref<1x256x768xf32, #tpu.memory_space<hbm>>
    %dma_start3A_1149 = tpu.memref_squeeze %dma_start3A_1148 : memref<1x256x768xf32, #tpu.memory_space<hbm>> -> memref<256x768xf32, #tpu.memory_space<hbm>>
    %dma_start3A_1150 = arith.constant 0 : i32
    %dma_start3A_1151 = arith.constant 0 : i32
    %dma_start3A_1152 = tpu.memref_slice %dma_start3A_1149[%dma_start3A_1150, %dma_start3A_1151] : memref<256x768xf32, #tpu.memory_space<hbm>> -> memref<256x768xf32, #tpu.memory_space<hbm>>
    tpu.enqueue_indirect_dma source(%dma_start3A_1152 : memref<256x768xf32, #tpu.memory_space<hbm>>) target(%arg12 : memref<16x768xf32, #tpu.memory_space<vmem>>) offsets(%dma_start3A_1145 : memref<16xi32, #tpu.memory_space<vmem>>) semaphore(%arg20 : memref<!tpu.dma_semaphore, #tpu.memory_space<semaphore_mem>>)
    %dma_wait3A_1153 = arith.constant 176 : i32
    %dma_wait3A_1154 = tpu.memref_slice %arg5[%dma_wait3A_1153] : memref<256xi32, #tpu.memory_space<vmem>> -> memref<16xi32, #tpu.memory_space<vmem>>
    %dma_wait3A_1155 = arith.constant 0 : i32
    %dma_wait3A_1156 = arith.constant 0 : i32
    %dma_wait3A_1157 = tpu.memref_slice %arg2[%add3A_1017, %dma_wait3A_1155, %dma_wait3A_1156] : memref<64x256x768xf32, #tpu.memory_space<hbm>> -> memref<1x256x768xf32, #tpu.memory_space<hbm>>
    %dma_wait3A_1158 = tpu.memref_squeeze %dma_wait3A_1157 : memref<1x256x768xf32, #tpu.memory_space<hbm>> -> memref<256x768xf32, #tpu.memory_space<hbm>>
    %dma_wait3A_1159 = arith.constant 0 : i32
    %dma_wait3A_1160 = arith.constant 0 : i32
    %dma_wait3A_1161 = tpu.memref_slice %dma_wait3A_1158[%dma_wait3A_1159, %dma_wait3A_1160] : memref<256x768xf32, #tpu.memory_space<hbm>> -> memref<256x768xf32, #tpu.memory_space<hbm>>
    tpu.wait_indirect_dma semaphore(%arg17 : memref<!tpu.dma_semaphore, #tpu.memory_space<semaphore_mem>>) src(%dma_wait3A_1161 : memref<256x768xf32, #tpu.memory_space<hbm>>) dst(%arg9 : memref<16x768xf32, #tpu.memory_space<vmem>>)
    %mul3A_1162 = arith.constant 2 : i32
    %mul3A_1163 = arith.muli %add3A, %mul3A_1162 : i32
    %add3A_1164 = arith.constant 1 : i32
    %add3A_1165 = arith.addi %mul3A_1163, %add3A_1164 : i32
    %dma_start3A_1166 = arith.constant 176 : i32
    %dma_start3A_1167 = arith.constant 0 : i32
    %dma_start3A_1168 = tpu.memref_slice %arg4[%add3A_1165, %dma_start3A_1166, %dma_start3A_1167] : memref<64x256x768xf32, #tpu.memory_space<hbm>> -> memref<1x16x768xf32, #tpu.memory_space<hbm>>
    %dma_start3A_1169 = tpu.memref_squeeze %dma_start3A_1168 : memref<1x16x768xf32, #tpu.memory_space<hbm>> -> memref<16x768xf32, #tpu.memory_space<hbm>>
    %dma_start3A_1170 = arith.constant 176 : i32
    %dma_start3A_1171 = arith.constant 0 : i32
    %dma_start3A_1172 = tpu.memref_slice %arg4[%add3A_1165, %dma_start3A_1170, %dma_start3A_1171] : memref<64x256x768xf32, #tpu.memory_space<hbm>> -> memref<1x16x768xf32, #tpu.memory_space<hbm>>
    %dma_start3A_1173 = tpu.memref_squeeze %dma_start3A_1172 : memref<1x16x768xf32, #tpu.memory_space<hbm>> -> memref<16x768xf32, #tpu.memory_space<hbm>>
    tpu.enqueue_dma source(%arg9 : memref<16x768xf32, #tpu.memory_space<vmem>>) target(%dma_start3A_1173 : memref<16x768xf32, #tpu.memory_space<hbm>>) target_semaphore(%arg25 : memref<!tpu.dma_semaphore, #tpu.memory_space<semaphore_mem>>)
    %dma_wait3A_1174 = arith.constant 112 : i32
    %dma_wait3A_1175 = arith.constant 0 : i32
    %dma_wait3A_1176 = tpu.memref_slice %arg4[%add3A_997, %dma_wait3A_1174, %dma_wait3A_1175] : memref<64x256x768xf32, #tpu.memory_space<hbm>> -> memref<1x16x768xf32, #tpu.memory_space<hbm>>
    %dma_wait3A_1177 = tpu.memref_squeeze %dma_wait3A_1176 : memref<1x16x768xf32, #tpu.memory_space<hbm>> -> memref<16x768xf32, #tpu.memory_space<hbm>>
    %dma_wait3A_1178 = arith.constant 112 : i32
    %dma_wait3A_1179 = arith.constant 0 : i32
    %dma_wait3A_1180 = tpu.memref_slice %arg4[%add3A_997, %dma_wait3A_1178, %dma_wait3A_1179] : memref<64x256x768xf32, #tpu.memory_space<hbm>> -> memref<1x16x768xf32, #tpu.memory_space<hbm>>
    %dma_wait3A_1181 = tpu.memref_squeeze %dma_wait3A_1180 : memref<1x16x768xf32, #tpu.memory_space<hbm>> -> memref<16x768xf32, #tpu.memory_space<hbm>>
    tpu.wait_dma2 semaphore(%arg29 : memref<!tpu.dma_semaphore, #tpu.memory_space<semaphore_mem>>) src(%arg13 : memref<16x768xf32, #tpu.memory_space<vmem>>) dst(%dma_wait3A_1181 : memref<16x768xf32, #tpu.memory_space<hbm>>)
    %mul3A_1182 = arith.constant 2 : i32
    %mul3A_1183 = arith.muli %add3A, %mul3A_1182 : i32
    %add3A_1184 = arith.constant 1 : i32
    %add3A_1185 = arith.addi %mul3A_1183, %add3A_1184 : i32
    %dma_start3A_1186 = arith.constant 240 : i32
    %dma_start3A_1187 = tpu.memref_slice %arg5[%dma_start3A_1186] : memref<256xi32, #tpu.memory_space<vmem>> -> memref<16xi32, #tpu.memory_space<vmem>>
    %dma_start3A_1188 = arith.constant 0 : i32
    %dma_start3A_1189 = arith.constant 0 : i32
    %dma_start3A_1190 = tpu.memref_slice %arg2[%add3A_1185, %dma_start3A_1188, %dma_start3A_1189] : memref<64x256x768xf32, #tpu.memory_space<hbm>> -> memref<1x256x768xf32, #tpu.memory_space<hbm>>
    %dma_start3A_1191 = tpu.memref_squeeze %dma_start3A_1190 : memref<1x256x768xf32, #tpu.memory_space<hbm>> -> memref<256x768xf32, #tpu.memory_space<hbm>>
    %dma_start3A_1192 = arith.constant 0 : i32
    %dma_start3A_1193 = arith.constant 0 : i32
    %dma_start3A_1194 = tpu.memref_slice %dma_start3A_1191[%dma_start3A_1192, %dma_start3A_1193] : memref<256x768xf32, #tpu.memory_space<hbm>> -> memref<256x768xf32, #tpu.memory_space<hbm>>
    tpu.enqueue_indirect_dma source(%dma_start3A_1194 : memref<256x768xf32, #tpu.memory_space<hbm>>) target(%arg13 : memref<16x768xf32, #tpu.memory_space<vmem>>) offsets(%dma_start3A_1187 : memref<16xi32, #tpu.memory_space<vmem>>) semaphore(%arg21 : memref<!tpu.dma_semaphore, #tpu.memory_space<semaphore_mem>>)
    %dma_wait3A_1195 = arith.constant 192 : i32
    %dma_wait3A_1196 = tpu.memref_slice %arg5[%dma_wait3A_1195] : memref<256xi32, #tpu.memory_space<vmem>> -> memref<16xi32, #tpu.memory_space<vmem>>
    %dma_wait3A_1197 = arith.constant 0 : i32
    %dma_wait3A_1198 = arith.constant 0 : i32
    %dma_wait3A_1199 = tpu.memref_slice %arg2[%add3A_1059, %dma_wait3A_1197, %dma_wait3A_1198] : memref<64x256x768xf32, #tpu.memory_space<hbm>> -> memref<1x256x768xf32, #tpu.memory_space<hbm>>
    %dma_wait3A_1200 = tpu.memref_squeeze %dma_wait3A_1199 : memref<1x256x768xf32, #tpu.memory_space<hbm>> -> memref<256x768xf32, #tpu.memory_space<hbm>>
    %dma_wait3A_1201 = arith.constant 0 : i32
    %dma_wait3A_1202 = arith.constant 0 : i32
    %dma_wait3A_1203 = tpu.memref_slice %dma_wait3A_1200[%dma_wait3A_1201, %dma_wait3A_1202] : memref<256x768xf32, #tpu.memory_space<hbm>> -> memref<256x768xf32, #tpu.memory_space<hbm>>
    tpu.wait_indirect_dma semaphore(%arg18 : memref<!tpu.dma_semaphore, #tpu.memory_space<semaphore_mem>>) src(%dma_wait3A_1203 : memref<256x768xf32, #tpu.memory_space<hbm>>) dst(%arg10 : memref<16x768xf32, #tpu.memory_space<vmem>>)
    %mul3A_1204 = arith.constant 2 : i32
    %mul3A_1205 = arith.muli %add3A, %mul3A_1204 : i32
    %add3A_1206 = arith.constant 1 : i32
    %add3A_1207 = arith.addi %mul3A_1205, %add3A_1206 : i32
    %dma_start3A_1208 = arith.constant 192 : i32
    %dma_start3A_1209 = arith.constant 0 : i32
    %dma_start3A_1210 = tpu.memref_slice %arg4[%add3A_1207, %dma_start3A_1208, %dma_start3A_1209] : memref<64x256x768xf32, #tpu.memory_space<hbm>> -> memref<1x16x768xf32, #tpu.memory_space<hbm>>
    %dma_start3A_1211 = tpu.memref_squeeze %dma_start3A_1210 : memref<1x16x768xf32, #tpu.memory_space<hbm>> -> memref<16x768xf32, #tpu.memory_space<hbm>>
    %dma_start3A_1212 = arith.constant 192 : i32
    %dma_start3A_1213 = arith.constant 0 : i32
    %dma_start3A_1214 = tpu.memref_slice %arg4[%add3A_1207, %dma_start3A_1212, %dma_start3A_1213] : memref<64x256x768xf32, #tpu.memory_space<hbm>> -> memref<1x16x768xf32, #tpu.memory_space<hbm>>
    %dma_start3A_1215 = tpu.memref_squeeze %dma_start3A_1214 : memref<1x16x768xf32, #tpu.memory_space<hbm>> -> memref<16x768xf32, #tpu.memory_space<hbm>>
    tpu.enqueue_dma source(%arg10 : memref<16x768xf32, #tpu.memory_space<vmem>>) target(%dma_start3A_1215 : memref<16x768xf32, #tpu.memory_space<hbm>>) target_semaphore(%arg26 : memref<!tpu.dma_semaphore, #tpu.memory_space<semaphore_mem>>)
    %dma_wait3A_1216 = arith.constant 208 : i32
    %dma_wait3A_1217 = tpu.memref_slice %arg5[%dma_wait3A_1216] : memref<256xi32, #tpu.memory_space<vmem>> -> memref<16xi32, #tpu.memory_space<vmem>>
    %dma_wait3A_1218 = arith.constant 0 : i32
    %dma_wait3A_1219 = arith.constant 0 : i32
    %dma_wait3A_1220 = tpu.memref_slice %arg2[%add3A_1101, %dma_wait3A_1218, %dma_wait3A_1219] : memref<64x256x768xf32, #tpu.memory_space<hbm>> -> memref<1x256x768xf32, #tpu.memory_space<hbm>>
    %dma_wait3A_1221 = tpu.memref_squeeze %dma_wait3A_1220 : memref<1x256x768xf32, #tpu.memory_space<hbm>> -> memref<256x768xf32, #tpu.memory_space<hbm>>
    %dma_wait3A_1222 = arith.constant 0 : i32
    %dma_wait3A_1223 = arith.constant 0 : i32
    %dma_wait3A_1224 = tpu.memref_slice %dma_wait3A_1221[%dma_wait3A_1222, %dma_wait3A_1223] : memref<256x768xf32, #tpu.memory_space<hbm>> -> memref<256x768xf32, #tpu.memory_space<hbm>>
    tpu.wait_indirect_dma semaphore(%arg19 : memref<!tpu.dma_semaphore, #tpu.memory_space<semaphore_mem>>) src(%dma_wait3A_1224 : memref<256x768xf32, #tpu.memory_space<hbm>>) dst(%arg11 : memref<16x768xf32, #tpu.memory_space<vmem>>)
    %mul3A_1225 = arith.constant 2 : i32
    %mul3A_1226 = arith.muli %add3A, %mul3A_1225 : i32
    %add3A_1227 = arith.constant 1 : i32
    %add3A_1228 = arith.addi %mul3A_1226, %add3A_1227 : i32
    %dma_start3A_1229 = arith.constant 208 : i32
    %dma_start3A_1230 = arith.constant 0 : i32
    %dma_start3A_1231 = tpu.memref_slice %arg4[%add3A_1228, %dma_start3A_1229, %dma_start3A_1230] : memref<64x256x768xf32, #tpu.memory_space<hbm>> -> memref<1x16x768xf32, #tpu.memory_space<hbm>>
    %dma_start3A_1232 = tpu.memref_squeeze %dma_start3A_1231 : memref<1x16x768xf32, #tpu.memory_space<hbm>> -> memref<16x768xf32, #tpu.memory_space<hbm>>
    %dma_start3A_1233 = arith.constant 208 : i32
    %dma_start3A_1234 = arith.constant 0 : i32
    %dma_start3A_1235 = tpu.memref_slice %arg4[%add3A_1228, %dma_start3A_1233, %dma_start3A_1234] : memref<64x256x768xf32, #tpu.memory_space<hbm>> -> memref<1x16x768xf32, #tpu.memory_space<hbm>>
    %dma_start3A_1236 = tpu.memref_squeeze %dma_start3A_1235 : memref<1x16x768xf32, #tpu.memory_space<hbm>> -> memref<16x768xf32, #tpu.memory_space<hbm>>
    tpu.enqueue_dma source(%arg11 : memref<16x768xf32, #tpu.memory_space<vmem>>) target(%dma_start3A_1236 : memref<16x768xf32, #tpu.memory_space<hbm>>) target_semaphore(%arg27 : memref<!tpu.dma_semaphore, #tpu.memory_space<semaphore_mem>>)
    %dma_wait3A_1237 = arith.constant 224 : i32
    %dma_wait3A_1238 = tpu.memref_slice %arg5[%dma_wait3A_1237] : memref<256xi32, #tpu.memory_space<vmem>> -> memref<16xi32, #tpu.memory_space<vmem>>
    %dma_wait3A_1239 = arith.constant 0 : i32
    %dma_wait3A_1240 = arith.constant 0 : i32
    %dma_wait3A_1241 = tpu.memref_slice %arg2[%add3A_1143, %dma_wait3A_1239, %dma_wait3A_1240] : memref<64x256x768xf32, #tpu.memory_space<hbm>> -> memref<1x256x768xf32, #tpu.memory_space<hbm>>
    %dma_wait3A_1242 = tpu.memref_squeeze %dma_wait3A_1241 : memref<1x256x768xf32, #tpu.memory_space<hbm>> -> memref<256x768xf32, #tpu.memory_space<hbm>>
    %dma_wait3A_1243 = arith.constant 0 : i32
    %dma_wait3A_1244 = arith.constant 0 : i32
    %dma_wait3A_1245 = tpu.memref_slice %dma_wait3A_1242[%dma_wait3A_1243, %dma_wait3A_1244] : memref<256x768xf32, #tpu.memory_space<hbm>> -> memref<256x768xf32, #tpu.memory_space<hbm>>
    tpu.wait_indirect_dma semaphore(%arg20 : memref<!tpu.dma_semaphore, #tpu.memory_space<semaphore_mem>>) src(%dma_wait3A_1245 : memref<256x768xf32, #tpu.memory_space<hbm>>) dst(%arg12 : memref<16x768xf32, #tpu.memory_space<vmem>>)
    %mul3A_1246 = arith.constant 2 : i32
    %mul3A_1247 = arith.muli %add3A, %mul3A_1246 : i32
    %add3A_1248 = arith.constant 1 : i32
    %add3A_1249 = arith.addi %mul3A_1247, %add3A_1248 : i32
    %dma_start3A_1250 = arith.constant 224 : i32
    %dma_start3A_1251 = arith.constant 0 : i32
    %dma_start3A_1252 = tpu.memref_slice %arg4[%add3A_1249, %dma_start3A_1250, %dma_start3A_1251] : memref<64x256x768xf32, #tpu.memory_space<hbm>> -> memref<1x16x768xf32, #tpu.memory_space<hbm>>
    %dma_start3A_1253 = tpu.memref_squeeze %dma_start3A_1252 : memref<1x16x768xf32, #tpu.memory_space<hbm>> -> memref<16x768xf32, #tpu.memory_space<hbm>>
    %dma_start3A_1254 = arith.constant 224 : i32
    %dma_start3A_1255 = arith.constant 0 : i32
    %dma_start3A_1256 = tpu.memref_slice %arg4[%add3A_1249, %dma_start3A_1254, %dma_start3A_1255] : memref<64x256x768xf32, #tpu.memory_space<hbm>> -> memref<1x16x768xf32, #tpu.memory_space<hbm>>
    %dma_start3A_1257 = tpu.memref_squeeze %dma_start3A_1256 : memref<1x16x768xf32, #tpu.memory_space<hbm>> -> memref<16x768xf32, #tpu.memory_space<hbm>>
    tpu.enqueue_dma source(%arg12 : memref<16x768xf32, #tpu.memory_space<vmem>>) target(%dma_start3A_1257 : memref<16x768xf32, #tpu.memory_space<hbm>>) target_semaphore(%arg28 : memref<!tpu.dma_semaphore, #tpu.memory_space<semaphore_mem>>)
    %dma_wait3A_1258 = arith.constant 240 : i32
    %dma_wait3A_1259 = tpu.memref_slice %arg5[%dma_wait3A_1258] : memref<256xi32, #tpu.memory_space<vmem>> -> memref<16xi32, #tpu.memory_space<vmem>>
    %dma_wait3A_1260 = arith.constant 0 : i32
    %dma_wait3A_1261 = arith.constant 0 : i32
    %dma_wait3A_1262 = tpu.memref_slice %arg2[%add3A_1185, %dma_wait3A_1260, %dma_wait3A_1261] : memref<64x256x768xf32, #tpu.memory_space<hbm>> -> memref<1x256x768xf32, #tpu.memory_space<hbm>>
    %dma_wait3A_1263 = tpu.memref_squeeze %dma_wait3A_1262 : memref<1x256x768xf32, #tpu.memory_space<hbm>> -> memref<256x768xf32, #tpu.memory_space<hbm>>
    %dma_wait3A_1264 = arith.constant 0 : i32
    %dma_wait3A_1265 = arith.constant 0 : i32
    %dma_wait3A_1266 = tpu.memref_slice %dma_wait3A_1263[%dma_wait3A_1264, %dma_wait3A_1265] : memref<256x768xf32, #tpu.memory_space<hbm>> -> memref<256x768xf32, #tpu.memory_space<hbm>>
    tpu.wait_indirect_dma semaphore(%arg21 : memref<!tpu.dma_semaphore, #tpu.memory_space<semaphore_mem>>) src(%dma_wait3A_1266 : memref<256x768xf32, #tpu.memory_space<hbm>>) dst(%arg13 : memref<16x768xf32, #tpu.memory_space<vmem>>)
    %mul3A_1267 = arith.constant 2 : i32
    %mul3A_1268 = arith.muli %add3A, %mul3A_1267 : i32
    %add3A_1269 = arith.constant 1 : i32
    %add3A_1270 = arith.addi %mul3A_1268, %add3A_1269 : i32
    %dma_start3A_1271 = arith.constant 240 : i32
    %dma_start3A_1272 = arith.constant 0 : i32
    %dma_start3A_1273 = tpu.memref_slice %arg4[%add3A_1270, %dma_start3A_1271, %dma_start3A_1272] : memref<64x256x768xf32, #tpu.memory_space<hbm>> -> memref<1x16x768xf32, #tpu.memory_space<hbm>>
    %dma_start3A_1274 = tpu.memref_squeeze %dma_start3A_1273 : memref<1x16x768xf32, #tpu.memory_space<hbm>> -> memref<16x768xf32, #tpu.memory_space<hbm>>
    %dma_start3A_1275 = arith.constant 240 : i32
    %dma_start3A_1276 = arith.constant 0 : i32
    %dma_start3A_1277 = tpu.memref_slice %arg4[%add3A_1270, %dma_start3A_1275, %dma_start3A_1276] : memref<64x256x768xf32, #tpu.memory_space<hbm>> -> memref<1x16x768xf32, #tpu.memory_space<hbm>>
    %dma_start3A_1278 = tpu.memref_squeeze %dma_start3A_1277 : memref<1x16x768xf32, #tpu.memory_space<hbm>> -> memref<16x768xf32, #tpu.memory_space<hbm>>
    tpu.enqueue_dma source(%arg13 : memref<16x768xf32, #tpu.memory_space<vmem>>) target(%dma_start3A_1278 : memref<16x768xf32, #tpu.memory_space<hbm>>) target_semaphore(%arg29 : memref<!tpu.dma_semaphore, #tpu.memory_space<semaphore_mem>>)
    %dma_wait3A_1279 = arith.constant 128 : i32
    %dma_wait3A_1280 = arith.constant 0 : i32
    %dma_wait3A_1281 = tpu.memref_slice %arg4[%add3A_1039, %dma_wait3A_1279, %dma_wait3A_1280] : memref<64x256x768xf32, #tpu.memory_space<hbm>> -> memref<1x16x768xf32, #tpu.memory_space<hbm>>
    %dma_wait3A_1282 = tpu.memref_squeeze %dma_wait3A_1281 : memref<1x16x768xf32, #tpu.memory_space<hbm>> -> memref<16x768xf32, #tpu.memory_space<hbm>>
    %dma_wait3A_1283 = arith.constant 128 : i32
    %dma_wait3A_1284 = arith.constant 0 : i32
    %dma_wait3A_1285 = tpu.memref_slice %arg4[%add3A_1039, %dma_wait3A_1283, %dma_wait3A_1284] : memref<64x256x768xf32, #tpu.memory_space<hbm>> -> memref<1x16x768xf32, #tpu.memory_space<hbm>>
    %dma_wait3A_1286 = tpu.memref_squeeze %dma_wait3A_1285 : memref<1x16x768xf32, #tpu.memory_space<hbm>> -> memref<16x768xf32, #tpu.memory_space<hbm>>
    tpu.wait_dma2 semaphore(%arg22 : memref<!tpu.dma_semaphore, #tpu.memory_space<semaphore_mem>>) src(%arg6 : memref<16x768xf32, #tpu.memory_space<vmem>>) dst(%dma_wait3A_1286 : memref<16x768xf32, #tpu.memory_space<hbm>>)
    %dma_wait3A_1287 = arith.constant 144 : i32
    %dma_wait3A_1288 = arith.constant 0 : i32
    %dma_wait3A_1289 = tpu.memref_slice %arg4[%add3A_1081, %dma_wait3A_1287, %dma_wait3A_1288] : memref<64x256x768xf32, #tpu.memory_space<hbm>> -> memref<1x16x768xf32, #tpu.memory_space<hbm>>
    %dma_wait3A_1290 = tpu.memref_squeeze %dma_wait3A_1289 : memref<1x16x768xf32, #tpu.memory_space<hbm>> -> memref<16x768xf32, #tpu.memory_space<hbm>>
    %dma_wait3A_1291 = arith.constant 144 : i32
    %dma_wait3A_1292 = arith.constant 0 : i32
    %dma_wait3A_1293 = tpu.memref_slice %arg4[%add3A_1081, %dma_wait3A_1291, %dma_wait3A_1292] : memref<64x256x768xf32, #tpu.memory_space<hbm>> -> memref<1x16x768xf32, #tpu.memory_space<hbm>>
    %dma_wait3A_1294 = tpu.memref_squeeze %dma_wait3A_1293 : memref<1x16x768xf32, #tpu.memory_space<hbm>> -> memref<16x768xf32, #tpu.memory_space<hbm>>
    tpu.wait_dma2 semaphore(%arg23 : memref<!tpu.dma_semaphore, #tpu.memory_space<semaphore_mem>>) src(%arg7 : memref<16x768xf32, #tpu.memory_space<vmem>>) dst(%dma_wait3A_1294 : memref<16x768xf32, #tpu.memory_space<hbm>>)
    %dma_wait3A_1295 = arith.constant 160 : i32
    %dma_wait3A_1296 = arith.constant 0 : i32
    %dma_wait3A_1297 = tpu.memref_slice %arg4[%add3A_1123, %dma_wait3A_1295, %dma_wait3A_1296] : memref<64x256x768xf32, #tpu.memory_space<hbm>> -> memref<1x16x768xf32, #tpu.memory_space<hbm>>
    %dma_wait3A_1298 = tpu.memref_squeeze %dma_wait3A_1297 : memref<1x16x768xf32, #tpu.memory_space<hbm>> -> memref<16x768xf32, #tpu.memory_space<hbm>>
    %dma_wait3A_1299 = arith.constant 160 : i32
    %dma_wait3A_1300 = arith.constant 0 : i32
    %dma_wait3A_1301 = tpu.memref_slice %arg4[%add3A_1123, %dma_wait3A_1299, %dma_wait3A_1300] : memref<64x256x768xf32, #tpu.memory_space<hbm>> -> memref<1x16x768xf32, #tpu.memory_space<hbm>>
    %dma_wait3A_1302 = tpu.memref_squeeze %dma_wait3A_1301 : memref<1x16x768xf32, #tpu.memory_space<hbm>> -> memref<16x768xf32, #tpu.memory_space<hbm>>
    tpu.wait_dma2 semaphore(%arg24 : memref<!tpu.dma_semaphore, #tpu.memory_space<semaphore_mem>>) src(%arg8 : memref<16x768xf32, #tpu.memory_space<vmem>>) dst(%dma_wait3A_1302 : memref<16x768xf32, #tpu.memory_space<hbm>>)
    %dma_wait3A_1303 = arith.constant 176 : i32
    %dma_wait3A_1304 = arith.constant 0 : i32
    %dma_wait3A_1305 = tpu.memref_slice %arg4[%add3A_1165, %dma_wait3A_1303, %dma_wait3A_1304] : memref<64x256x768xf32, #tpu.memory_space<hbm>> -> memref<1x16x768xf32, #tpu.memory_space<hbm>>
    %dma_wait3A_1306 = tpu.memref_squeeze %dma_wait3A_1305 : memref<1x16x768xf32, #tpu.memory_space<hbm>> -> memref<16x768xf32, #tpu.memory_space<hbm>>
    %dma_wait3A_1307 = arith.constant 176 : i32
    %dma_wait3A_1308 = arith.constant 0 : i32
    %dma_wait3A_1309 = tpu.memref_slice %arg4[%add3A_1165, %dma_wait3A_1307, %dma_wait3A_1308] : memref<64x256x768xf32, #tpu.memory_space<hbm>> -> memref<1x16x768xf32, #tpu.memory_space<hbm>>
    %dma_wait3A_1310 = tpu.memref_squeeze %dma_wait3A_1309 : memref<1x16x768xf32, #tpu.memory_space<hbm>> -> memref<16x768xf32, #tpu.memory_space<hbm>>
    tpu.wait_dma2 semaphore(%arg25 : memref<!tpu.dma_semaphore, #tpu.memory_space<semaphore_mem>>) src(%arg9 : memref<16x768xf32, #tpu.memory_space<vmem>>) dst(%dma_wait3A_1310 : memref<16x768xf32, #tpu.memory_space<hbm>>)
    %dma_wait3A_1311 = arith.constant 192 : i32
    %dma_wait3A_1312 = arith.constant 0 : i32
    %dma_wait3A_1313 = tpu.memref_slice %arg4[%add3A_1207, %dma_wait3A_1311, %dma_wait3A_1312] : memref<64x256x768xf32, #tpu.memory_space<hbm>> -> memref<1x16x768xf32, #tpu.memory_space<hbm>>
    %dma_wait3A_1314 = tpu.memref_squeeze %dma_wait3A_1313 : memref<1x16x768xf32, #tpu.memory_space<hbm>> -> memref<16x768xf32, #tpu.memory_space<hbm>>
    %dma_wait3A_1315 = arith.constant 192 : i32
    %dma_wait3A_1316 = arith.constant 0 : i32
    %dma_wait3A_1317 = tpu.memref_slice %arg4[%add3A_1207, %dma_wait3A_1315, %dma_wait3A_1316] : memref<64x256x768xf32, #tpu.memory_space<hbm>> -> memref<1x16x768xf32, #tpu.memory_space<hbm>>
    %dma_wait3A_1318 = tpu.memref_squeeze %dma_wait3A_1317 : memref<1x16x768xf32, #tpu.memory_space<hbm>> -> memref<16x768xf32, #tpu.memory_space<hbm>>
    tpu.wait_dma2 semaphore(%arg26 : memref<!tpu.dma_semaphore, #tpu.memory_space<semaphore_mem>>) src(%arg10 : memref<16x768xf32, #tpu.memory_space<vmem>>) dst(%dma_wait3A_1318 : memref<16x768xf32, #tpu.memory_space<hbm>>)
    %dma_wait3A_1319 = arith.constant 208 : i32
    %dma_wait3A_1320 = arith.constant 0 : i32
    %dma_wait3A_1321 = tpu.memref_slice %arg4[%add3A_1228, %dma_wait3A_1319, %dma_wait3A_1320] : memref<64x256x768xf32, #tpu.memory_space<hbm>> -> memref<1x16x768xf32, #tpu.memory_space<hbm>>
    %dma_wait3A_1322 = tpu.memref_squeeze %dma_wait3A_1321 : memref<1x16x768xf32, #tpu.memory_space<hbm>> -> memref<16x768xf32, #tpu.memory_space<hbm>>
    %dma_wait3A_1323 = arith.constant 208 : i32
    %dma_wait3A_1324 = arith.constant 0 : i32
    %dma_wait3A_1325 = tpu.memref_slice %arg4[%add3A_1228, %dma_wait3A_1323, %dma_wait3A_1324] : memref<64x256x768xf32, #tpu.memory_space<hbm>> -> memref<1x16x768xf32, #tpu.memory_space<hbm>>
    %dma_wait3A_1326 = tpu.memref_squeeze %dma_wait3A_1325 : memref<1x16x768xf32, #tpu.memory_space<hbm>> -> memref<16x768xf32, #tpu.memory_space<hbm>>
    tpu.wait_dma2 semaphore(%arg27 : memref<!tpu.dma_semaphore, #tpu.memory_space<semaphore_mem>>) src(%arg11 : memref<16x768xf32, #tpu.memory_space<vmem>>) dst(%dma_wait3A_1326 : memref<16x768xf32, #tpu.memory_space<hbm>>)
    %dma_wait3A_1327 = arith.constant 224 : i32
    %dma_wait3A_1328 = arith.constant 0 : i32
    %dma_wait3A_1329 = tpu.memref_slice %arg4[%add3A_1249, %dma_wait3A_1327, %dma_wait3A_1328] : memref<64x256x768xf32, #tpu.memory_space<hbm>> -> memref<1x16x768xf32, #tpu.memory_space<hbm>>
    %dma_wait3A_1330 = tpu.memref_squeeze %dma_wait3A_1329 : memref<1x16x768xf32, #tpu.memory_space<hbm>> -> memref<16x768xf32, #tpu.memory_space<hbm>>
    %dma_wait3A_1331 = arith.constant 224 : i32
    %dma_wait3A_1332 = arith.constant 0 : i32
    %dma_wait3A_1333 = tpu.memref_slice %arg4[%add3A_1249, %dma_wait3A_1331, %dma_wait3A_1332] : memref<64x256x768xf32, #tpu.memory_space<hbm>> -> memref<1x16x768xf32, #tpu.memory_space<hbm>>
    %dma_wait3A_1334 = tpu.memref_squeeze %dma_wait3A_1333 : memref<1x16x768xf32, #tpu.memory_space<hbm>> -> memref<16x768xf32, #tpu.memory_space<hbm>>
    tpu.wait_dma2 semaphore(%arg28 : memref<!tpu.dma_semaphore, #tpu.memory_space<semaphore_mem>>) src(%arg12 : memref<16x768xf32, #tpu.memory_space<vmem>>) dst(%dma_wait3A_1334 : memref<16x768xf32, #tpu.memory_space<hbm>>)
    %dma_wait3A_1335 = arith.constant 240 : i32
    %dma_wait3A_1336 = arith.constant 0 : i32
    %dma_wait3A_1337 = tpu.memref_slice %arg4[%add3A_1270, %dma_wait3A_1335, %dma_wait3A_1336] : memref<64x256x768xf32, #tpu.memory_space<hbm>> -> memref<1x16x768xf32, #tpu.memory_space<hbm>>
    %dma_wait3A_1338 = tpu.memref_squeeze %dma_wait3A_1337 : memref<1x16x768xf32, #tpu.memory_space<hbm>> -> memref<16x768xf32, #tpu.memory_space<hbm>>
    %dma_wait3A_1339 = arith.constant 240 : i32
    %dma_wait3A_1340 = arith.constant 0 : i32
    %dma_wait3A_1341 = tpu.memref_slice %arg4[%add3A_1270, %dma_wait3A_1339, %dma_wait3A_1340] : memref<64x256x768xf32, #tpu.memory_space<hbm>> -> memref<1x16x768xf32, #tpu.memory_space<hbm>>
    %dma_wait3A_1342 = tpu.memref_squeeze %dma_wait3A_1341 : memref<1x16x768xf32, #tpu.memory_space<hbm>> -> memref<16x768xf32, #tpu.memory_space<hbm>>
    tpu.wait_dma2 semaphore(%arg29 : memref<!tpu.dma_semaphore, #tpu.memory_space<semaphore_mem>>) src(%arg13 : memref<16x768xf32, #tpu.memory_space<vmem>>) dst(%dma_wait3A_1342 : memref<16x768xf32, #tpu.memory_space<hbm>>)
    return
  }
}

</mosaic_0001>

<sc_bundles>
// kernel: _permute.3.cloned.1.call-start
scs
__scs_entry_jumppad:
0x0: {  	(pc) =	sbr.rel $0x88, $3  }
0x1: {  	(tag) =	ssettag $0x0;
	lr =	simm.s32 $0x1  }
0x2: {  	[smem:$0x3F9F] =	sst lr;
	_ =	strace $0xD0000000  }
0x3: {  	_ = 	snop  }
0x4: {  	_ = 	snop  }
0x5: {  	_ = 	snop  }
0x6: {  	_ = 	snop  }
0x7: {  	_ = 	snop  }
__scs_overlays_trampoline_lowered:
0x8: {  	[smem:$0x3FAE] =	sst s0  }
0x9: {  	[smem:$0x3FAF] =	sst s1  }
0xa: {  	[smem:$0x3FB0] =	sst s2  }
0xb: {  	[smem:$0x3FB1] =	sst s3  }
0xc: {  	[smem:$0x3FB2] =	sst s4  }
0xd: {  	[smem:$0x3FB3] =	sst s5  }
0xe: {  	[smem:$0x3FB4] =	sst s6  }
0xf: {  	[smem:$0x3FB5] =	sst s7  }
0x10: {  	[smem:$0x3FB6] =	sst s8  }
0x11: {  	[smem:$0x3FB7] =	sst s9;
	s0 =	simm.s32 @!p0 $0x0  }
0x12: {  	s1 =	sld [smem:$0x3F9D];
	s0 =	simm.s32 @p0 $0x1  }
0x13: {  	[smem:$0x3FB8] =	sst s0;
	s0 =	simm.s32 @!p1 $0x0  }
0x14: {  	s2 =	sld [smem:$0x3F9C];
	s0 =	simm.s32 @p1 $0x1  }
0x15: {  	[smem:$0x3FB9] =	sst s0;
	s0 =	simm.s32 @!p2 $0x0  }
0x16: {  	s3 =	sld [smem:$0x3FDB];
	s0 =	simm.s32 @p2 $0x1  }
0x17: {  	s4 =	simm.s32 $0x1BF5;
	[smem:$0x3FBB] =	sst s0  }
0x18: {  	s0 =	sld [smem:$0x3F9E];
	_ =	swait.ge [sflag:s4], $0x0  }
0x19: {  	s7 =	sld [smem:$0x3F9F]  }
0x1a: {  	s8 =	sadd.s32 $0xFFFFE003, lr  }
0x1b: {  	s9 =	sadd.s32 $0xFFFFFEF7, lr;
	s5 =	simm.s32 $0xFFFFFFFF;
	p2 =	slt.u32 s8, $0xFFFFF086  }
0x1c: {  	p1 =	slt.u32 s9, $0xF7A;
	s5 =	simm.s32 @!p2 $0x0  }
0x1d: {  	s5 =	simm.s32 @p1 $0x1;
	p0 =	seq.s32 s7, s2  }
0x1e: {  	s7 =	smul.u32 @!p0 $0xF7A, s2;
	p2 =	seq.s32 @!p0 s5, $0x0  }
0x1f: {  	s9 =	smul.u32 $0xF7A, s1;
	s8 =	simm.s32 @!p0 $0x1BF5;
	p2 =	por !p2, p0  }
0x20: {  	[sflag:s8] =	ssyncset.s32 @!p0 $0xFFFFF086;
	s6 =	sadd.s32 @!p0 s3, s7;
	s7 =	simm.s32 @!p0 $0x108  }
0x21: {  	s3 =	sadd.s32 s3, s9;
	s6 =	sadd.s32 @!p0 $0x88, s6;
	s7 =	simm.s32 @p2 $0x1082  }
0x22: {  	[simem:s7], [sflag:s8] =	dma.local @!p0 [hbm:s6], $0xF7A  }
0x23: {  	s9 =	sor.u32 $0xD0000000, s2;
	s6 =	simm.s32 $0x108;
	_ =	swait.ge @!p0 [sflag:s8], $0x0  }
0x24: {  	s3 =	sadd.s32 $0x88, s3;
	s6 =	simm.s32 @!p1 $0x1082;
	[sflag:s4] =	ssyncset.s32 $0xFFFFF086  }
0x25: {  	[simem:s6], [sflag:s4] =	dma.local [hbm:s3], $0xF7A  }
0x26: {  	[smem:$0x3F9F] =	sst s1;
	(tag) =	ssettag s2;
	_ =	strace s9  }
0x27: {  	s1 =	sld [smem:$0x3FAF]  }
0x28: {  	s2 =	sld [smem:$0x3FB0]  }
0x29: {  	s4 =	sld [smem:$0x3FB2]  }
0x2a: {  	p0 =	seq.s32 s5, $0x0;
	s5 =	sld [smem:$0x3FB3]  }
0x2b: {  	s6 =	sld [smem:$0x3FB4]  }
0x2c: {  	s7 =	sld [smem:$0x3FB5]  }
0x2d: {  	s3 =	simm.s32 $0x108;
	s8 =	sld [smem:$0x3FB6]  }
0x2e: {  	s3 =	simm.s32 @!p0 $0x1082;
	s9 =	sld [smem:$0x3FB7]  }
0x2f: {  	lr =	sadd.s32 s0, s3;
	s0 =	sld [smem:$0x3FAE]  }
0x30: {  	s3 =	sld [smem:$0x3FB1]  }
0x31: {  	[smem:$0x3FBA] =	sst s10  }
0x32: {  	s10 =	sld [smem:$0x3FB8];
	_ =	sdelay $0x3  }
0x33: {  	p0 =	seq.s32 s10, $0x1;
	s10 =	sld [smem:$0x3FBA];
	_ =	sdelay $0x3  }
0x34: {  	[smem:$0x3FBA] =	sst s10  }
0x35: {  	s10 =	sld [smem:$0x3FB9];
	_ =	sdelay $0x3  }
0x36: {  	p1 =	seq.s32 s10, $0x1;
	s10 =	sld [smem:$0x3FBA];
	_ =	sdelay $0x3  }
0x37: {  	[smem:$0x3FBA] =	sst s10  }
0x38: {  	s10 =	sld [smem:$0x3FBB]  }
0x39: {  	_ = 	snop;
	(pc) =	sbr.ind lr, $3  }
0x3a: {  	_ = 	snop  }
0x3b: {  	_ = 	snop  }
0x3c: {  	p2 =	seq.s32 s10, $0x1;
	s10 =	sld [smem:$0x3FBA]  }
0x3d: {  	_ =	shalt  }
0x3e: {  	_ =	shalt  }
0x3f: {  	_ =	shalt  }
0x40: {  	_ =	shalt  }
0x41: {  	_ =	shalt  }
0x42: {  	_ =	shalt  }
0x43: {  	_ =	shalt  }
0x44: {  	_ =	shalt  }
0x45: {  	_ =	shalt  }
0x46: {  	_ =	shalt  }
0x47: {  	_ =	shalt  }
0x48: {  	_ =	shalt  }
0x49: {  	_ =	shalt  }
0x4a: {  	_ =	shalt  }
0x4b: {  	_ =	shalt  }
0x4c: {  	_ =	shalt  }
0x4d: {  	_ =	shalt  }
0x4e: {  	_ =	shalt  }
0x4f: {  	_ =	shalt  }
0x50: {  	_ =	shalt  }
0x51: {  	_ =	shalt  }
0x52: {  	_ =	shalt  }
0x53: {  	_ =	shalt  }
0x54: {  	_ =	shalt  }
0x55: {  	_ =	shalt  }
0x56: {  	_ =	shalt  }
0x57: {  	_ =	shalt  }
0x58: {  	_ =	shalt  }
0x59: {  	_ =	shalt  }
0x5a: {  	_ =	shalt  }
0x5b: {  	_ =	shalt  }
0x5c: {  	_ =	shalt  }
0x5d: {  	_ =	shalt  }
0x5e: {  	_ =	shalt  }
0x5f: {  	_ =	shalt  }
0x60: {  	_ =	shalt  }
0x61: {  	_ =	shalt  }
0x62: {  	_ =	shalt  }
0x63: {  	_ =	shalt  }
0x64: {  	_ =	shalt  }
0x65: {  	_ =	shalt  }
0x66: {  	_ =	shalt  }
0x67: {  	_ =	shalt  }
0x68: {  	_ =	shalt  }
0x69: {  	_ =	shalt  }
0x6a: {  	_ =	shalt  }
0x6b: {  	_ =	shalt  }
0x6c: {  	_ =	shalt  }
0x6d: {  	_ =	shalt  }
0x6e: {  	_ =	shalt  }
0x6f: {  	_ =	shalt  }
0x70: {  	_ =	shalt  }
0x71: {  	_ =	shalt  }
0x72: {  	_ =	shalt  }
0x73: {  	_ =	shalt  }
0x74: {  	_ =	shalt  }
0x75: {  	_ =	shalt  }
0x76: {  	_ =	shalt  }
0x77: {  	_ =	shalt  }
0x78: {  	_ =	shalt  }
0x79: {  	_ =	shalt  }
0x7a: {  	_ =	shalt  }
0x7b: {  	_ =	shalt  }
0x7c: {  	_ =	shalt  }
0x7d: {  	_ =	shalt  }
0x7e: {  	_ =	shalt  }
0x7f: {  	_ =	shalt  }
0x80: {  	_ =	shalt  }
0x81: {  	_ =	shalt  }
0x82: {  	_ =	shalt  }
0x83: {  	_ =	shalt  }
0x84: {  	_ =	shalt  }
0x85: {  	_ =	shalt  }
0x86: {  	_ =	shalt  }
0x87: {  	_ =	shalt  }
.Lfunc_end0:
.L_simem_size_0:
called_computation_lowered:
.L_overlay_start_0:
0x88: {  	s2 =	sld [smem:$0x3FD9]  }
0x89: {  	s3 =	sld [smem:$0x3FFE];
	_ =	sdelay $0x1  }
0x8a: {  	s1 =	srdreg.scid  }
0x8b: {  	s0 =	sand.u32 $0x1, s1  }
0x8c: {  	s18 =	sshll.u32 s0, $0xA;
	s2 =	sadd.s32 s3, s2  }
0x8d: {  	s2 =	sadd.s32 s2, s18  }
0x8e: {  	[smem:$0x3FC6] =	sst s2  }
0x8f: {  	_ = 	snop  }
0x90: {  	s2 =	sld [smem:$0x3FC9]  }
0x91: {  	s19 =	sld [smem:$0x3FC8]  }
0x92: {  	s4 =	sld [smem:$0x3FD0];
	(tm) =	ssettm $0x1  }
0x93: {  	s5 =	sld [smem:$0x3FFB];
	_ =	sdelay $0x3  }
0x94: {  	_ =	strace s5  }
0x95: {  	s5 =	sld [smem:$0x3FFC];
	_ =	sdelay $0x3  }
0x96: {  	_ =	strace s5  }
0x97: {  	s5 =	sld [smem:$0x3FFD];
	_ =	sdelay $0x3  }
0x98: {  	_ =	strace s5  }
0x99: {  	_ =	strace $0x8FFFFFFF  }
0x9a: {  	s20 =	sld [smem:$0x3FDB];
	_ =	sdelay $0x1  }
0x9b: {  	s6 =	simm.s32 $_scs_section_size  }
0x9c: {  	s7 =	simm.s32 $_size__tile_overlayer_lowered;
	s8 =	simm.s32 $_tile_overlayer_lowered  }
0x9d: {  	s23 =	simm.s32 $0x1BFF;
	s22 =	sshll.u32 s8, $0x1;
	s5 =	sadd.s32 s6, s20  }
0x9e: {  	s9 =	simm.s32 $0x0;
	s21 =	sshll.u32 s7, $0x1;
	s7 =	sadd.s32 s22, s5  }
0x9f: {  	[timem:s9], [sflag:s23] =	dma.local [hbm:s7], s21  }
0xa0: {  	_ =	swait.ge [sflag:s23], s21  }
0xa1: {  	s6 =	ssub.s32 $0x0, s21;
	[sflag:s23] =	ssyncset.done $0x0  }
0xa2: {  	[sflag:s23] =	ssyncadd.s32 s6;
	_ =	sdelay $0x1  }
0xa3: {  	s24 =	simm.s32 $0x1B8B  }
0xa4: {  	_ =	swait.ge [sflag:s24], $0x1  }
0xa5: {  	[sflag:s24] =	ssyncset.done $0x0  }
0xa6: {  	s25 =	simm.s32 $0x1B8E;
	[sflag:s24] =	ssyncadd.s32 $0xFFFFFFFF  }
0xa7: {  	s26 =	simm.s32 $execute0_lowered;
	[smem:$0x3FD2] =	sst s25  }
0xa8: {  	s6 =	sshll.u32 s26, $0x1;
	_ =	strace $0x80000046;
	[dreg:$0x1] =	wrdreg $0xFFFFFFFF  }
0xa9: {  	s28 =	simm.s32 $_size_execute0_lowered;
	s5 =	sadd.s32 s5, s6;
	[dreg:$0x0] =	wrdreg $0x0  }
0xaa: {  	s6 =	sshll.u32 s28, $0x1;
	[dreg:$0x2] =	wrdreg s5  }
0xab: {  	[dreg:$0x3] =	wrdreg s6  }
0xac: {  	[dreg:$0x4] =	wrdreg $0xC0  }
0xad: {  	_ =	task [dreg:s9], $0x5FFFF  }
0xae: {  	[dreg:$0x1] =	wrdreg $0xFFFFFFFF  }
0xaf: {  	[dreg:$0x0] =	wrdreg $0x60  }
0xb0: {  	[dreg:$0x2] =	wrdreg s2  }
0xb1: {  	[dreg:$0x3] =	wrdreg s19  }
0xb2: {  	[dreg:$0x4] =	wrdreg s4  }
0xb3: {  	[dreg:$0x5] =	wrdreg $0x9  }
0xb4: {  	_ =	task.clear_ibuf [dreg:s9], $0x6FFFF;
	_ =	strace $0x90000046  }
0xb5: {  	s29 =	simm.s32 $0x9;
	_ =	strace $0x80000048  }
0xb6: {  	_ =	swait.ge [sflag:s29], $0x1  }
0xb7: {  	[sflag:s29] =	ssyncadd.s32 $0xFFFFFFFF  }
0xb8: {  	_ =	strace $0x90000048  }
0xb9: {  	_ =	sfence  }
0xba: {  	s30 =	sld [smem:$0x0];
	_ =	sdelay $0x2  }
0xbb: {  	s31 =	sshll.u32 s1, $0xD;
	s1 =	sshrl.u32 s1, $0x2  }
0xbc: {  	s3 =	sand.u32 $0x4000, s31;
	s1 =	sadd.s32 s1, s30  }
0xbd: {  	s0 =	sor.u32 s3, s0;
	s1 =	sshll.u32 s1, $0x11  }
0xbe: {  	s0 =	sor.u32 s1, s0  }
0xbf: {  	s0 =	sadd.s32 $0x8F2B, s0  }
0xc0: {  	[sflag:s0] =	ssyncadd.remote.s32 $0x1  }
0xc1: {  	_ =	sfence.sel $0xFFFF  }
0xc2: {  	[dreg:$0x0] =	wrdreg $0xFFFFFFFF;
	(pc) =	sbr.abs _section_cstart, $3  }
0xc3: {  	[dreg:$0x1] =	wrdreg $0xFFFFFFFF  }
0xc4: {  	_ =	task.clear_ibuf [dreg:s9], $0x2FFFF;
	_ =	strace $0x9FFFFFFF  }
0xc5: {  	(tm) =	ssettm $0x7FFFFFFF  }
tec
execute0_lowered:
.L_overlay_start_1:
0x0: {  	(tag) =	ssettag $0x1  }
0x1: {  	s0 =	srdreg.scid  }
0x2: {  	s2 =	stileid.u32;
	s1 =	sand.u32 $0x1, s0  }
0x3: {  	s2 =	sshll.u32 s2, $0x2;
	s3 =	sshll.u32 s1, $0x1  }
0x4: {  	s4 =	rddreg [dreg:$0x1];
	s2 =	sor.u32 s3, s2  }
0x5: {  	s21 =	rddreg [dreg:$0x2];
	s3 =	smul.u32 $0x30000, s2  }
0x6: {  	s0 =	rddreg [dreg:$0x0]  }
0x7: {  	[dreg:$0x4] =	wrdreg s4;
	s2 =	simm.s32 $0x0;
	s3 =	sshrl.u32 s3, $0x3  }
0x8: {  	[smem:$0x7FF] =	sst s2;
	s7 =	sadd.s32 s21, s3  }
0x9: {  	_ =	strace $0x80000047;
	s5 =	sadd.s32 $0x600, s7;
	[smem:$0x7FC] =	sst s7  }
0xa: {  	s22 =	sadd.s32 $0xC00, s7;
	[dreg:$0x5] =	wrdreg s5  }
0xb: {  	s23 =	sadd.s32 $0x1200, s7;
	[dreg:$0x6] =	wrdreg s22  }
0xc: {  	s24 =	sadd.s32 $0x1800, s7;
	[dreg:$0x7] =	wrdreg s23  }
0xd: {  	s25 =	sadd.s32 $0x1E00, s7;
	[dreg:$0x8] =	wrdreg s24  }
0xe: {  	s26 =	sadd.s32 $0x2400, s7;
	[dreg:$0x9] =	wrdreg s25  }
0xf: {  	s28 =	sadd.s32 $0x2A00, s7;
	[dreg:$0xa] =	wrdreg s26  }
0x10: {  	s30 =	sadd.s32 $0x3000, s7;
	[dreg:$0xb] =	wrdreg s28  }
0x11: {  	s6 =	sadd.s32 $0x3600, s7;
	[dreg:$0xc] =	wrdreg s30  }
0x12: {  	s8 =	sadd.s32 $0x3C00, s7;
	[dreg:$0xd] =	wrdreg s6  }
0x13: {  	s9 =	sadd.s32 $0x4200, s7;
	[dreg:$0xe] =	wrdreg s8  }
0x14: {  	s10 =	sadd.s32 $0x4800, s7;
	[dreg:$0xf] =	wrdreg s9  }
0x15: {  	s11 =	sadd.s32 $0x4E00, s7;
	[dreg:$0x10] =	wrdreg s10  }
0x16: {  	s12 =	sadd.s32 $0x5400, s7;
	[dreg:$0x11] =	wrdreg s11  }
0x17: {  	s13 =	sadd.s32 $0x5A00, s7;
	[dreg:$0x12] =	wrdreg s12  }
0x18: {  	s14 =	sadd.s32 $0x6600, s7;
	[dreg:$0x13] =	wrdreg s13  }
0x19: {  	s15 =	sadd.s32 $0x6C00, s7;
	[dreg:$0x15] =	wrdreg s14  }
0x1a: {  	s16 =	sadd.s32 $0x7200, s7;
	[dreg:$0x16] =	wrdreg s15  }
0x1b: {  	s17 =	sadd.s32 $0x7800, s7;
	[dreg:$0x17] =	wrdreg s16  }
0x1c: {  	s18 =	sadd.s32 $0x7E00, s7;
	[dreg:$0x18] =	wrdreg s17  }
0x1d: {  	s19 =	sadd.s32 $0x8400, s7;
	[dreg:$0x19] =	wrdreg s18  }
0x1e: {  	s31 =	simm.s32 $0x3;
	s20 =	sadd.s32 $0x8A00, s7;
	[dreg:$0x1a] =	wrdreg s19  }
0x1f: {  	s29 =	simm.s32 $0xC;
	[dreg:$0x1b] =	wrdreg s20;
	s22 =	sadd.s32 $0x9600, s7  }
0x20: {  	s1 =	ssub.s32 $0x2, s1;
	s23 =	sadd.s32 $0x9C00, s7;
	[dreg:$0x1d] =	wrdreg s22  }
0x21: {  	s6 =	sadd.s32 $0x6000, s3;
	s24 =	sadd.s32 $0xA200, s7;
	[dreg:$0x1e] =	wrdreg s23  }
0x22: {  	s25 =	sadd.s32 $0xA800, s7;
	s26 =	sadd.s32 $0xAE00, s7;
	[dreg:$0x1f] =	wrdreg s24  }
0x23: {  	s28 =	sshrl.u32 s1, $0x1;
	s30 =	sadd.s32 $0xB400, s7;
	[smem:$0x7F9] =	sst s25  }
0x24: {  	s17 =	simm.s32 $0x5;
	s18 =	simm.s32 $0x9;
	[smem:$0x7FA] =	sst s26  }
0x25: {  	s4 =	sadd.s32 s21, s6;
	s21 =	sadd.s32 $0x9000, s7;
	[smem:$0x7FB] =	sst s30  }
0x26: {  	v2 =	vlaneseq.u32;
	s1 =	ssub.s32 s1, s28;
	s7 =	sadd.s32 $0xBA00, s7;
	[dreg:$0x14] =	wrdreg s4  }
0x27: {  	vm0 =	vmmov $0xffff;
	v1 =	vshrl.u32 v2, $0x3;
	s5 =	sadd.s32 s0, s6;
	s22 =	simm.s32 $0x2;
	[dreg:$0x1c] =	wrdreg s21  }
0x28: {  	v0 =	vand.u32 $0x7, v2;
	v2 =	vor.u32 $0x8, v2;
	v1 =	vmul.u32 $0x8, v1;
	s4 =	sadd.s32 s0, s3;
	[smem:$0x7FD] =	sst s7;
	s0 =	smax.u32 s1, $0x1  }
.LBB2_1:
0x29: {  	[smem:$0x7F8] =	sst s0  }
0x2a: {  	s10 =	rddreg [dreg:$0x4];
	s23 =	simm.s32 $0x11  }
0x2b: {  	[tilespmem:s2], [sflag:$0x11] =	stream.linear.gather [hbm4b:s10+s2], $0x100, $0x38;
	[tilespmem:$0x18100] =	vst v63  }
0x2c: {  	_ =	swait.ge [sflag:s23], $0x100  }
0x2d: {  	[sflag:s23] =	ssyncset.done $0x0  }
0x2e: {  	[sflag:s23] =	ssyncadd.s32 $0xFFFFFF00  }
0x2f: {  	v3 =	vld [tilespmem:$0x0];
	_ =	sdelay $0x4  }
0x30: {  	v4 =	vshrl.u32 v3, $0x3  }
0x31: {  	v4 =	vmul.u32 $0x30, v4  }
0x32: {  	v3 =	vand.u32 $0x7, v3  }
0x33: {  	v3 =	vor.u32 v3, v4  }
0x34: {  	v4 =	vperm.xlane v3, v0;
	_ =	sdelay $0x1  }
0x35: {  	v4 =	vadd.s32 v1, v4;
	_ =	sdelay $0x3  }
0x36: {  	s24 =	simm.s32 $0x100;
	v3 =	vperm.xlane v3, v2  }
0x37: {  	[tilespmem:s24], [sflag:$0x1] =	stream.indirect_vreg.gather [hbm4b:s4+s2], $0x80, v4, vm0, $0xb8;
	[tilespmem:$0x18100] =	vst v63  }
0x38: {  	s25 =	simm.s32 $0x900;
	s10 =	sadd.s32 $0x100, s4;
	v3 =	vadd.s32 v1, v3  }
0x39: {  	[tilespmem:s25], [sflag:$0x1] =	stream.indirect_vreg.gather [hbm4b:s10+s2], $0x80, v4, vm0, $0xb8;
	[tilespmem:$0x18100] =	vst v63  }
0x3a: {  	s11 =	sadd.s32 $0x200, s4;
	s26 =	simm.s32 $0x1100  }
0x3b: {  	[tilespmem:s26], [sflag:$0x1] =	stream.indirect_vreg.gather [hbm4b:s11+s2], $0x80, v4, vm0, $0xb8;
	[tilespmem:$0x18100] =	vst v63  }
0x3c: {  	s28 =	simm.s32 $0x1900  }
0x3d: {  	[tilespmem:s28], [sflag:$0x1] =	stream.indirect_vreg.gather [hbm4b:s4+s2], $0x80, v3, vm0, $0xb8;
	[tilespmem:$0x18100] =	vst v63  }
0x3e: {  	s30 =	simm.s32 $0x2100  }
0x3f: {  	[tilespmem:s30], [sflag:$0x1] =	stream.indirect_vreg.gather [hbm4b:s10+s2], $0x80, v3, vm0, $0xb8;
	[tilespmem:$0x18100] =	vst v63  }
0x40: {  	s1 =	simm.s32 $0x2900  }
0x41: {  	[tilespmem:s1], [sflag:$0x1] =	stream.indirect_vreg.gather [hbm4b:s11+s2], $0x80, v3, vm0, $0xb8;
	[tilespmem:$0x18100] =	vst v63  }
0x42: {  	v3 =	vld [tilespmem:$0x10];
	_ =	sdelay $0x4  }
0x43: {  	v33 =	vshrl.u32 v3, $0x3  }
0x44: {  	v4 =	vmul.u32 $0x30, v33  }
0x45: {  	v3 =	vand.u32 $0x7, v3  }
0x46: {  	v3 =	vor.u32 v3, v4  }
0x47: {  	v4 =	vperm.xlane v3, v0;
	_ =	sdelay $0x1  }
0x48: {  	v4 =	vadd.s32 v1, v4;
	_ =	sdelay $0x3  }
0x49: {  	s3 =	simm.s32 $0x3100;
	v3 =	vperm.xlane v3, v2  }
0x4a: {  	[tilespmem:s3], [sflag:$0x2] =	stream.indirect_vreg.gather [hbm4b:s4+s2], $0x80, v4, vm0, $0xb8;
	[tilespmem:$0x18100] =	vst v63  }
0x4b: {  	s6 =	simm.s32 $0x3900;
	v3 =	vadd.s32 v1, v3  }
0x4c: {  	[tilespmem:s6], [sflag:$0x2] =	stream.indirect_vreg.gather [hbm4b:s10+s2], $0x80, v4, vm0, $0xb8;
	[tilespmem:$0x18100] =	vst v63  }
0x4d: {  	s7 =	simm.s32 $0x4100  }
0x4e: {  	[tilespmem:s7], [sflag:$0x2] =	stream.indirect_vreg.gather [hbm4b:s11+s2], $0x80, v4, vm0, $0xb8;
	[tilespmem:$0x18100] =	vst v63  }
0x4f: {  	s9 =	simm.s32 $0x4900  }
0x50: {  	[tilespmem:s9], [sflag:$0x2] =	stream.indirect_vreg.gather [hbm4b:s4+s2], $0x80, v3, vm0, $0xb8;
	[tilespmem:$0x18100] =	vst v63  }
0x51: {  	s12 =	simm.s32 $0x5100  }
0x52: {  	[tilespmem:s12], [sflag:$0x2] =	stream.indirect_vreg.gather [hbm4b:s10+s2], $0x80, v3, vm0, $0xb8;
	[tilespmem:$0x18100] =	vst v63  }
0x53: {  	s13 =	simm.s32 $0x5900  }
0x54: {  	[tilespmem:s13], [sflag:$0x2] =	stream.indirect_vreg.gather [hbm4b:s11+s2], $0x80, v3, vm0, $0xb8;
	[tilespmem:$0x18100] =	vst v63  }
0x55: {  	v3 =	vld [tilespmem:$0x20];
	_ =	sdelay $0x4  }
0x56: {  	v34 =	vshrl.u32 v3, $0x3  }
0x57: {  	v4 =	vmul.u32 $0x30, v34  }
0x58: {  	v3 =	vand.u32 $0x7, v3  }
0x59: {  	v3 =	vor.u32 v3, v4  }
0x5a: {  	v4 =	vperm.xlane v3, v0;
	_ =	sdelay $0x1  }
0x5b: {  	v4 =	vadd.s32 v1, v4;
	_ =	sdelay $0x3  }
0x5c: {  	s14 =	simm.s32 $0x6100;
	v3 =	vperm.xlane v3, v2  }
0x5d: {  	[tilespmem:s14], [sflag:$0x3] =	stream.indirect_vreg.gather [hbm4b:s4+s2], $0x80, v4, vm0, $0xb8;
	[tilespmem:$0x18100] =	vst v63  }
0x5e: {  	s15 =	simm.s32 $0x6900;
	v3 =	vadd.s32 v1, v3  }
0x5f: {  	[tilespmem:s15], [sflag:$0x3] =	stream.indirect_vreg.gather [hbm4b:s10+s2], $0x80, v4, vm0, $0xb8;
	[tilespmem:$0x18100] =	vst v63  }
0x60: {  	s16 =	simm.s32 $0x7100  }
0x61: {  	[tilespmem:s16], [sflag:$0x3] =	stream.indirect_vreg.gather [hbm4b:s11+s2], $0x80, v4, vm0, $0xb8;
	[tilespmem:$0x18100] =	vst v63  }
0x62: {  	s26 =	simm.s32 $0x7900  }
0x63: {  	[tilespmem:s26], [sflag:$0x3] =	stream.indirect_vreg.gather [hbm4b:s4+s2], $0x80, v3, vm0, $0xb8;
	[tilespmem:$0x18100] =	vst v63  }
0x64: {  	s30 =	simm.s32 $0x8100  }
0x65: {  	[tilespmem:s30], [sflag:$0x3] =	stream.indirect_vreg.gather [hbm4b:s10+s2], $0x80, v3, vm0, $0xb8;
	[tilespmem:$0x18100] =	vst v63  }
0x66: {  	s1 =	simm.s32 $0x8900  }
0x67: {  	[tilespmem:s1], [sflag:$0x3] =	stream.indirect_vreg.gather [hbm4b:s11+s2], $0x80, v3, vm0, $0xb8;
	[tilespmem:$0x18100] =	vst v63  }
0x68: {  	v3 =	vld [tilespmem:$0x30];
	_ =	sdelay $0x4  }
0x69: {  	v35 =	vshrl.u32 v3, $0x3  }
0x6a: {  	v4 =	vmul.u32 $0x30, v35  }
0x6b: {  	v3 =	vand.u32 $0x7, v3  }
0x6c: {  	v3 =	vor.u32 v3, v4  }
0x6d: {  	v4 =	vperm.xlane v3, v0;
	_ =	sdelay $0x1  }
0x6e: {  	v4 =	vadd.s32 v1, v4;
	_ =	sdelay $0x3  }
0x6f: {  	s3 =	simm.s32 $0x9100;
	v3 =	vperm.xlane v3, v2  }
0x70: {  	[tilespmem:s3], [sflag:$0x4] =	stream.indirect_vreg.gather [hbm4b:s4+s2], $0x80, v4, vm0, $0xb8;
	[tilespmem:$0x18100] =	vst v63  }
0x71: {  	s1 =	simm.s32 $0x9900;
	v3 =	vadd.s32 v1, v3  }
0x72: {  	[tilespmem:s1], [sflag:$0x4] =	stream.indirect_vreg.gather [hbm4b:s10+s2], $0x80, v4, vm0, $0xb8;
	[tilespmem:$0x18100] =	vst v63  }
0x73: {  	s9 =	simm.s32 $0xA100  }
0x74: {  	[tilespmem:s9], [sflag:$0x4] =	stream.indirect_vreg.gather [hbm4b:s11+s2], $0x80, v4, vm0, $0xb8;
	[tilespmem:$0x18100] =	vst v63  }
0x75: {  	s12 =	simm.s32 $0xA900  }
0x76: {  	[tilespmem:s12], [sflag:$0x4] =	stream.indirect_vreg.gather [hbm4b:s4+s2], $0x80, v3, vm0, $0xb8;
	[tilespmem:$0x18100] =	vst v63  }
0x77: {  	s13 =	simm.s32 $0xB100  }
0x78: {  	[tilespmem:s13], [sflag:$0x4] =	stream.indirect_vreg.gather [hbm4b:s10+s2], $0x80, v3, vm0, $0xb8;
	[tilespmem:$0x18100] =	vst v63  }
0x79: {  	s14 =	simm.s32 $0xB900;
	s1 =	simm.s32 $0x1  }
0x7a: {  	[tilespmem:s14], [sflag:$0x4] =	stream.indirect_vreg.gather [hbm4b:s11+s2], $0x80, v3, vm0, $0xb8;
	[tilespmem:$0x18100] =	vst v63  }
0x7b: {  	_ =	swait.ge [sflag:s1], $0x3000  }
0x7c: {  	s12 =	sld [smem:$0x7FC]  }
0x7d: {  	[sflag:s1] =	ssyncset.done $0x0  }
0x7e: {  	s8 =	simm.s32 $0x100;
	[sflag:s1] =	ssyncadd.s32 $0xFFFFD000  }
0x7f: {  	[hbm4b:s12+s2] =	stream.linear.scatter [tilespmem:s8], [sflag:$0x9], $0x3000, $0x38;
	[tilespmem:$0x18100] =	vst v63  }
0x80: {  	v3 =	vld [tilespmem:$0x40];
	_ =	sdelay $0x4  }
0x81: {  	v36 =	vshrl.u32 v3, $0x3  }
0x82: {  	v4 =	vmul.u32 $0x30, v36  }
0x83: {  	v3 =	vand.u32 $0x7, v3  }
0x84: {  	v3 =	vor.u32 v3, v4  }
0x85: {  	v4 =	vperm.xlane v3, v0;
	_ =	sdelay $0x1  }
0x86: {  	v4 =	vadd.s32 v1, v4;
	_ =	sdelay $0x3  }
0x87: {  	s16 =	simm.s32 $0xC100;
	v3 =	vperm.xlane v3, v2  }
0x88: {  	[tilespmem:s16], [sflag:$0x5] =	stream.indirect_vreg.gather [hbm4b:s4+s2], $0x80, v4, vm0, $0xb8;
	[tilespmem:$0x18100] =	vst v63  }
0x89: {  	s26 =	simm.s32 $0xC900;
	v3 =	vadd.s32 v1, v3  }
0x8a: {  	[tilespmem:s26], [sflag:$0x5] =	stream.indirect_vreg.gather [hbm4b:s10+s2], $0x80, v4, vm0, $0xb8;
	[tilespmem:$0x18100] =	vst v63  }
0x8b: {  	s0 =	simm.s32 $0xD100  }
0x8c: {  	[tilespmem:s0], [sflag:$0x5] =	stream.indirect_vreg.gather [hbm4b:s11+s2], $0x80, v4, vm0, $0xb8;
	[tilespmem:$0x18100] =	vst v63  }
0x8d: {  	s3 =	simm.s32 $0xD900  }
0x8e: {  	[tilespmem:s3], [sflag:$0x5] =	stream.indirect_vreg.gather [hbm4b:s4+s2], $0x80, v3, vm0, $0xb8;
	[tilespmem:$0x18100] =	vst v63  }
0x8f: {  	s13 =	simm.s32 $0xE100  }
0x90: {  	[tilespmem:s13], [sflag:$0x5] =	stream.indirect_vreg.gather [hbm4b:s10+s2], $0x80, v3, vm0, $0xb8;
	[tilespmem:$0x18100] =	vst v63  }
0x91: {  	s14 =	simm.s32 $0xE900  }
0x92: {  	[tilespmem:s14], [sflag:$0x5] =	stream.indirect_vreg.gather [hbm4b:s11+s2], $0x80, v3, vm0, $0xb8;
	[tilespmem:$0x18100] =	vst v63  }
0x93: {  	_ =	swait.ge [sflag:s22], $0x3000  }
0x94: {  	[sflag:s22] =	ssyncset.done $0x0  }
0x95: {  	s23 =	simm.s32 $0x3100;
	s16 =	rddreg [dreg:$0x5];
	[sflag:s22] =	ssyncadd.s32 $0xFFFFD000  }
0x96: {  	[hbm4b:s16+s2] =	stream.linear.scatter [tilespmem:s23], [sflag:$0xA], $0x3000, $0x38;
	[tilespmem:$0x18100] =	vst v63  }
0x97: {  	v3 =	vld [tilespmem:$0x50];
	_ =	sdelay $0x4  }
0x98: {  	v37 =	vshrl.u32 v3, $0x3  }
0x99: {  	v4 =	vmul.u32 $0x30, v37  }
0x9a: {  	v3 =	vand.u32 $0x7, v3  }
0x9b: {  	v3 =	vor.u32 v3, v4  }
0x9c: {  	v4 =	vperm.xlane v3, v0;
	_ =	sdelay $0x1  }
0x9d: {  	v4 =	vadd.s32 v1, v4;
	_ =	sdelay $0x3  }
0x9e: {  	s26 =	simm.s32 $0xF100;
	v3 =	vperm.xlane v3, v2  }
0x9f: {  	[tilespmem:s26], [sflag:$0x6] =	stream.indirect_vreg.gather [hbm4b:s4+s2], $0x80, v4, vm0, $0xb8;
	[tilespmem:$0x18100] =	vst v63  }
0xa0: {  	s3 =	simm.s32 $0xF900;
	v3 =	vadd.s32 v1, v3  }
0xa1: {  	[tilespmem:s3], [sflag:$0x6] =	stream.indirect_vreg.gather [hbm4b:s10+s2], $0x80, v4, vm0, $0xb8;
	[tilespmem:$0x18100] =	vst v63  }
0xa2: {  	s13 =	simm.s32 $0x10100  }
0xa3: {  	[tilespmem:s13], [sflag:$0x6] =	stream.indirect_vreg.gather [hbm4b:s11+s2], $0x80, v4, vm0, $0xb8;
	[tilespmem:$0x18100] =	vst v63  }
0xa4: {  	s14 =	simm.s32 $0x10900  }
0xa5: {  	[tilespmem:s14], [sflag:$0x6] =	stream.indirect_vreg.gather [hbm4b:s4+s2], $0x80, v3, vm0, $0xb8;
	[tilespmem:$0x18100] =	vst v63  }
0xa6: {  	s16 =	simm.s32 $0x11100  }
0xa7: {  	[tilespmem:s16], [sflag:$0x6] =	stream.indirect_vreg.gather [hbm4b:s10+s2], $0x80, v3, vm0, $0xb8;
	[tilespmem:$0x18100] =	vst v63  }
0xa8: {  	s26 =	simm.s32 $0x11900  }
0xa9: {  	[tilespmem:s26], [sflag:$0x6] =	stream.indirect_vreg.gather [hbm4b:s11+s2], $0x80, v3, vm0, $0xb8;
	[tilespmem:$0x18100] =	vst v63  }
0xaa: {  	_ =	swait.ge [sflag:s31], $0x3000  }
0xab: {  	[sflag:s31] =	ssyncset.done $0x0  }
0xac: {  	s7 =	simm.s32 $0x6100;
	s0 =	rddreg [dreg:$0x6];
	[sflag:s31] =	ssyncadd.s32 $0xFFFFD000  }
0xad: {  	[hbm4b:s0+s2] =	stream.linear.scatter [tilespmem:s7], [sflag:$0xB], $0x3000, $0x38;
	[tilespmem:$0x18100] =	vst v63  }
0xae: {  	v3 =	vld [tilespmem:$0x60];
	_ =	sdelay $0x4  }
0xaf: {  	v38 =	vshrl.u32 v3, $0x3  }
0xb0: {  	v4 =	vmul.u32 $0x30, v38  }
0xb1: {  	v3 =	vand.u32 $0x7, v3  }
0xb2: {  	v3 =	vor.u32 v3, v4  }
0xb3: {  	v4 =	vperm.xlane v3, v0;
	_ =	sdelay $0x1  }
0xb4: {  	v4 =	vadd.s32 v1, v4;
	_ =	sdelay $0x3  }
0xb5: {  	s3 =	simm.s32 $0x12100;
	v3 =	vperm.xlane v3, v2  }
0xb6: {  	[tilespmem:s3], [sflag:$0x7] =	stream.indirect_vreg.gather [hbm4b:s4+s2], $0x80, v4, vm0, $0xb8;
	[tilespmem:$0x18100] =	vst v63  }
0xb7: {  	s7 =	simm.s32 $0x12900;
	v3 =	vadd.s32 v1, v3  }
0xb8: {  	[tilespmem:s7], [sflag:$0x7] =	stream.indirect_vreg.gather [hbm4b:s10+s2], $0x80, v4, vm0, $0xb8;
	[tilespmem:$0x18100] =	vst v63  }
0xb9: {  	s14 =	simm.s32 $0x13100  }
0xba: {  	[tilespmem:s14], [sflag:$0x7] =	stream.indirect_vreg.gather [hbm4b:s11+s2], $0x80, v4, vm0, $0xb8;
	[tilespmem:$0x18100] =	vst v63  }
0xbb: {  	s16 =	simm.s32 $0x13900  }
0xbc: {  	[tilespmem:s16], [sflag:$0x7] =	stream.indirect_vreg.gather [hbm4b:s4+s2], $0x80, v3, vm0, $0xb8;
	[tilespmem:$0x18100] =	vst v63  }
0xbd: {  	s0 =	simm.s32 $0x14100  }
0xbe: {  	[tilespmem:s0], [sflag:$0x7] =	stream.indirect_vreg.gather [hbm4b:s10+s2], $0x80, v3, vm0, $0xb8;
	[tilespmem:$0x18100] =	vst v63  }
0xbf: {  	s7 =	simm.s32 $0x14900;
	s0 =	simm.s32 $0x4  }
0xc0: {  	[tilespmem:s7], [sflag:$0x7] =	stream.indirect_vreg.gather [hbm4b:s11+s2], $0x80, v3, vm0, $0xb8;
	[tilespmem:$0x18100] =	vst v63  }
0xc1: {  	_ =	swait.ge [sflag:s0], $0x3000  }
0xc2: {  	[sflag:s0] =	ssyncset.done $0x0  }
0xc3: {  	s15 =	simm.s32 $0x9100;
	s14 =	rddreg [dreg:$0x7];
	[sflag:s0] =	ssyncadd.s32 $0xFFFFD000  }
0xc4: {  	[hbm4b:s14+s2] =	stream.linear.scatter [tilespmem:s15], [sflag:$0xC], $0x3000, $0x38;
	[tilespmem:$0x18100] =	vst v63  }
0xc5: {  	v3 =	vld [tilespmem:$0x70];
	_ =	sdelay $0x4  }
0xc6: {  	v39 =	vshrl.u32 v3, $0x3  }
0xc7: {  	v4 =	vmul.u32 $0x30, v39  }
0xc8: {  	v3 =	vand.u32 $0x7, v3  }
0xc9: {  	v3 =	vor.u32 v3, v4  }
0xca: {  	v4 =	vperm.xlane v3, v0;
	_ =	sdelay $0x1  }
0xcb: {  	v4 =	vadd.s32 v1, v4;
	_ =	sdelay $0x3  }
0xcc: {  	s16 =	simm.s32 $0x15100;
	v3 =	vperm.xlane v3, v2  }
0xcd: {  	[tilespmem:s16], [sflag:$0x8] =	stream.indirect_vreg.gather [hbm4b:s4+s2], $0x80, v4, vm0, $0xb8;
	[tilespmem:$0x18100] =	vst v63  }
0xce: {  	s14 =	simm.s32 $0x15900;
	v3 =	vadd.s32 v1, v3  }
0xcf: {  	[tilespmem:s14], [sflag:$0x8] =	stream.indirect_vreg.gather [hbm4b:s10+s2], $0x80, v4, vm0, $0xb8;
	[tilespmem:$0x18100] =	vst v63  }
0xd0: {  	s15 =	simm.s32 $0x16100  }
0xd1: {  	[tilespmem:s15], [sflag:$0x8] =	stream.indirect_vreg.gather [hbm4b:s11+s2], $0x80, v4, vm0, $0xb8;
	[tilespmem:$0x18100] =	vst v63  }
0xd2: {  	s14 =	simm.s32 $0x16900  }
0xd3: {  	[tilespmem:s14], [sflag:$0x8] =	stream.indirect_vreg.gather [hbm4b:s4+s2], $0x80, v3, vm0, $0xb8;
	[tilespmem:$0x18100] =	vst v63  }
0xd4: {  	s15 =	simm.s32 $0x17100  }
0xd5: {  	[tilespmem:s15], [sflag:$0x8] =	stream.indirect_vreg.gather [hbm4b:s10+s2], $0x80, v3, vm0, $0xb8;
	[tilespmem:$0x18100] =	vst v63  }
0xd6: {  	s14 =	simm.s32 $0x17900  }
0xd7: {  	[tilespmem:s14], [sflag:$0x8] =	stream.indirect_vreg.gather [hbm4b:s11+s2], $0x80, v3, vm0, $0xb8;
	[tilespmem:$0x18100] =	vst v63  }
0xd8: {  	_ =	swait.ge [sflag:s17], $0x3000  }
0xd9: {  	[sflag:s17] =	ssyncset.done $0x0  }
0xda: {  	s8 =	simm.s32 $0xC100;
	s15 =	rddreg [dreg:$0x8];
	[sflag:s17] =	ssyncadd.s32 $0xFFFFD000  }
0xdb: {  	[hbm4b:s15+s2] =	stream.linear.scatter [tilespmem:s8], [sflag:$0xD], $0x3000, $0x38;
	[tilespmem:$0x18100] =	vst v63  }
0xdc: {  	_ =	swait.ge [sflag:s18], $0x3000  }
0xdd: {  	[sflag:s18] =	ssyncset.done $0x0  }
0xde: {  	[sflag:s18] =	ssyncadd.s32 $0xFFFFD000  }
0xdf: {  	v3 =	vld [tilespmem:$0x80];
	_ =	sdelay $0x4  }
0xe0: {  	v40 =	vshrl.u32 v3, $0x3  }
0xe1: {  	v4 =	vmul.u32 $0x30, v40  }
0xe2: {  	v3 =	vand.u32 $0x7, v3  }
0xe3: {  	v3 =	vor.u32 v3, v4  }
0xe4: {  	v4 =	vperm.xlane v3, v0;
	_ =	sdelay $0x1  }
0xe5: {  	v4 =	vadd.s32 v1, v4;
	_ =	sdelay $0x3  }
0xe6: {  	s14 =	simm.s32 $0x100;
	v3 =	vperm.xlane v3, v2  }
0xe7: {  	[tilespmem:s14], [sflag:$0x1] =	stream.indirect_vreg.gather [hbm4b:s4+s2], $0x80, v4, vm0, $0xb8;
	[tilespmem:$0x18100] =	vst v63  }
0xe8: {  	s19 =	simm.s32 $0x900;
	v3 =	vadd.s32 v1, v3  }
0xe9: {  	[tilespmem:s19], [sflag:$0x1] =	stream.indirect_vreg.gather [hbm4b:s10+s2], $0x80, v4, vm0, $0xb8;
	[tilespmem:$0x18100] =	vst v63  }
0xea: {  	s21 =	simm.s32 $0x1100  }
0xeb: {  	[tilespmem:s21], [sflag:$0x1] =	stream.indirect_vreg.gather [hbm4b:s11+s2], $0x80, v4, vm0, $0xb8;
	[tilespmem:$0x18100] =	vst v63  }
0xec: {  	s24 =	simm.s32 $0x1900  }
0xed: {  	[tilespmem:s24], [sflag:$0x1] =	stream.indirect_vreg.gather [hbm4b:s4+s2], $0x80, v3, vm0, $0xb8;
	[tilespmem:$0x18100] =	vst v63  }
0xee: {  	s25 =	simm.s32 $0x2100  }
0xef: {  	[tilespmem:s25], [sflag:$0x1] =	stream.indirect_vreg.gather [hbm4b:s10+s2], $0x80, v3, vm0, $0xb8;
	[tilespmem:$0x18100] =	vst v63  }
0xf0: {  	s20 =	simm.s32 $0x2900;
	s19 =	simm.s32 $0x6  }
0xf1: {  	[tilespmem:s20], [sflag:$0x1] =	stream.indirect_vreg.gather [hbm4b:s11+s2], $0x80, v3, vm0, $0xb8;
	[tilespmem:$0x18100] =	vst v63  }
0xf2: {  	_ =	swait.ge [sflag:s19], $0x3000  }
0xf3: {  	s23 =	simm.s32 $0xF100;
	[sflag:s19] =	ssyncset.done $0x0  }
0xf4: {  	s21 =	simm.s32 $0xA;
	s8 =	rddreg [dreg:$0x9];
	[sflag:s19] =	ssyncadd.s32 $0xFFFFD000  }
0xf5: {  	[hbm4b:s8+s2] =	stream.linear.scatter [tilespmem:s23], [sflag:$0xE], $0x3000, $0x38;
	[tilespmem:$0x18100] =	vst v63  }
0xf6: {  	_ =	swait.ge [sflag:s21], $0x3000  }
0xf7: {  	[sflag:s21] =	ssyncset.done $0x0  }
0xf8: {  	[sflag:s21] =	ssyncadd.s32 $0xFFFFD000  }
0xf9: {  	v3 =	vld [tilespmem:$0x90];
	_ =	sdelay $0x4  }
0xfa: {  	v41 =	vshrl.u32 v3, $0x3  }
0xfb: {  	v4 =	vmul.u32 $0x30, v41  }
0xfc: {  	v3 =	vand.u32 $0x7, v3  }
0xfd: {  	v3 =	vor.u32 v3, v4  }
0xfe: {  	v4 =	vperm.xlane v3, v0;
	_ =	sdelay $0x1  }
0xff: {  	v4 =	vadd.s32 v1, v4;
	_ =	sdelay $0x3  }
0x100: {  	s23 =	simm.s32 $0x3100;
	v3 =	vperm.xlane v3, v2  }
0x101: {  	[tilespmem:s23], [sflag:$0x2] =	stream.indirect_vreg.gather [hbm4b:s4+s2], $0x80, v4, vm0, $0xb8;
	[tilespmem:$0x18100] =	vst v63  }
0x102: {  	s12 =	simm.s32 $0x3900;
	v3 =	vadd.s32 v1, v3  }
0x103: {  	[tilespmem:s12], [sflag:$0x2] =	stream.indirect_vreg.gather [hbm4b:s10+s2], $0x80, v4, vm0, $0xb8;
	[tilespmem:$0x18100] =	vst v63  }
0x104: {  	s24 =	simm.s32 $0x4100  }
0x105: {  	[tilespmem:s24], [sflag:$0x2] =	stream.indirect_vreg.gather [hbm4b:s11+s2], $0x80, v4, vm0, $0xb8;
	[tilespmem:$0x18100] =	vst v63  }
0x106: {  	s25 =	simm.s32 $0x4900  }
0x107: {  	[tilespmem:s25], [sflag:$0x2] =	stream.indirect_vreg.gather [hbm4b:s4+s2], $0x80, v3, vm0, $0xb8;
	[tilespmem:$0x18100] =	vst v63  }
0x108: {  	s12 =	simm.s32 $0x5100  }
0x109: {  	[tilespmem:s12], [sflag:$0x2] =	stream.indirect_vreg.gather [hbm4b:s10+s2], $0x80, v3, vm0, $0xb8;
	[tilespmem:$0x18100] =	vst v63  }
0x10a: {  	s24 =	simm.s32 $0x5900  }
0x10b: {  	[tilespmem:s24], [sflag:$0x2] =	stream.indirect_vreg.gather [hbm4b:s11+s2], $0x80, v3, vm0, $0xb8;
	[tilespmem:$0x18100] =	vst v63  }
0x10c: {  	s24 =	simm.s32 $0x7  }
0x10d: {  	_ =	swait.ge [sflag:s24], $0x3000  }
0x10e: {  	[sflag:s24] =	ssyncset.done $0x0  }
0x10f: {  	s13 =	simm.s32 $0x12100;
	s25 =	rddreg [dreg:$0xa];
	[sflag:s24] =	ssyncadd.s32 $0xFFFFD000  }
0x110: {  	[hbm4b:s25+s2] =	stream.linear.scatter [tilespmem:s13], [sflag:$0xF], $0x3000, $0x38;
	[tilespmem:$0x18100] =	vst v63  }
0x111: {  	s25 =	simm.s32 $0xB  }
0x112: {  	_ =	swait.ge [sflag:s25], $0x3000  }
0x113: {  	[sflag:s25] =	ssyncset.done $0x0  }
0x114: {  	[sflag:s25] =	ssyncadd.s32 $0xFFFFD000  }
0x115: {  	v3 =	vld [tilespmem:$0xA0];
	_ =	sdelay $0x4  }
0x116: {  	v42 =	vshrl.u32 v3, $0x3  }
0x117: {  	v4 =	vmul.u32 $0x30, v42  }
0x118: {  	v3 =	vand.u32 $0x7, v3  }
0x119: {  	v3 =	vor.u32 v3, v4  }
0x11a: {  	v4 =	vperm.xlane v3, v0;
	_ =	sdelay $0x1  }
0x11b: {  	v4 =	vadd.s32 v1, v4;
	_ =	sdelay $0x3  }
0x11c: {  	s26 =	simm.s32 $0x6100;
	v3 =	vperm.xlane v3, v2  }
0x11d: {  	[tilespmem:s26], [sflag:$0x3] =	stream.indirect_vreg.gather [hbm4b:s4+s2], $0x80, v4, vm0, $0xb8;
	[tilespmem:$0x18100] =	vst v63  }
0x11e: {  	s6 =	simm.s32 $0x6900;
	v3 =	vadd.s32 v1, v3  }
0x11f: {  	[tilespmem:s6], [sflag:$0x3] =	stream.indirect_vreg.gather [hbm4b:s10+s2], $0x80, v4, vm0, $0xb8;
	[tilespmem:$0x18100] =	vst v63  }
0x120: {  	s28 =	simm.s32 $0x7100  }
0x121: {  	[tilespmem:s28], [sflag:$0x3] =	stream.indirect_vreg.gather [hbm4b:s11+s2], $0x80, v4, vm0, $0xb8;
	[tilespmem:$0x18100] =	vst v63  }
0x122: {  	s26 =	simm.s32 $0x7900  }
0x123: {  	[tilespmem:s26], [sflag:$0x3] =	stream.indirect_vreg.gather [hbm4b:s4+s2], $0x80, v3, vm0, $0xb8;
	[tilespmem:$0x18100] =	vst v63  }
0x124: {  	s28 =	simm.s32 $0x8100  }
0x125: {  	[tilespmem:s28], [sflag:$0x3] =	stream.indirect_vreg.gather [hbm4b:s10+s2], $0x80, v3, vm0, $0xb8;
	[tilespmem:$0x18100] =	vst v63  }
0x126: {  	s6 =	simm.s32 $0x8900;
	s28 =	simm.s32 $0x8  }
0x127: {  	[tilespmem:s6], [sflag:$0x3] =	stream.indirect_vreg.gather [hbm4b:s11+s2], $0x80, v3, vm0, $0xb8;
	[tilespmem:$0x18100] =	vst v63  }
0x128: {  	_ =	swait.ge [sflag:s28], $0x3000  }
0x129: {  	[sflag:s28] =	ssyncset.done $0x0  }
0x12a: {  	s16 =	simm.s32 $0x15100;
	s8 =	rddreg [dreg:$0xb];
	[sflag:s28] =	ssyncadd.s32 $0xFFFFD000  }
0x12b: {  	[hbm4b:s8+s2] =	stream.linear.scatter [tilespmem:s16], [sflag:$0x10], $0x3000, $0x38;
	[tilespmem:$0x18100] =	vst v63  }
0x12c: {  	_ =	swait.ge [sflag:s29], $0x3000  }
0x12d: {  	[sflag:s29] =	ssyncset.done $0x0  }
0x12e: {  	[sflag:s29] =	ssyncadd.s32 $0xFFFFD000  }
0x12f: {  	v3 =	vld [tilespmem:$0xB0];
	_ =	sdelay $0x4  }
0x130: {  	v43 =	vshrl.u32 v3, $0x3  }
0x131: {  	v4 =	vmul.u32 $0x30, v43  }
0x132: {  	v3 =	vand.u32 $0x7, v3  }
0x133: {  	v3 =	vor.u32 v3, v4  }
0x134: {  	v4 =	vperm.xlane v3, v0;
	_ =	sdelay $0x1  }
0x135: {  	v4 =	vadd.s32 v1, v4;
	_ =	sdelay $0x3  }
0x136: {  	s7 =	simm.s32 $0x9100;
	v3 =	vperm.xlane v3, v2  }
0x137: {  	[tilespmem:s7], [sflag:$0x4] =	stream.indirect_vreg.gather [hbm4b:s4+s2], $0x80, v4, vm0, $0xb8;
	[tilespmem:$0x18100] =	vst v63  }
0x138: {  	s26 =	simm.s32 $0x9900;
	v3 =	vadd.s32 v1, v3  }
0x139: {  	[tilespmem:s26], [sflag:$0x4] =	stream.indirect_vreg.gather [hbm4b:s10+s2], $0x80, v4, vm0, $0xb8;
	[tilespmem:$0x18100] =	vst v63  }
0x13a: {  	s9 =	simm.s32 $0xA100  }
0x13b: {  	[tilespmem:s9], [sflag:$0x4] =	stream.indirect_vreg.gather [hbm4b:s11+s2], $0x80, v4, vm0, $0xb8;
	[tilespmem:$0x18100] =	vst v63  }
0x13c: {  	s30 =	simm.s32 $0xA900  }
0x13d: {  	[tilespmem:s30], [sflag:$0x4] =	stream.indirect_vreg.gather [hbm4b:s4+s2], $0x80, v3, vm0, $0xb8;
	[tilespmem:$0x18100] =	vst v63  }
0x13e: {  	s30 =	simm.s32 $0xB100  }
0x13f: {  	[tilespmem:s30], [sflag:$0x4] =	stream.indirect_vreg.gather [hbm4b:s10+s2], $0x80, v3, vm0, $0xb8;
	[tilespmem:$0x18100] =	vst v63  }
0x140: {  	s6 =	simm.s32 $0xB900  }
0x141: {  	[tilespmem:s6], [sflag:$0x4] =	stream.indirect_vreg.gather [hbm4b:s11+s2], $0x80, v3, vm0, $0xb8;
	[tilespmem:$0x18100] =	vst v63  }
0x142: {  	_ =	swait.ge [sflag:s1], $0x3000  }
0x143: {  	[sflag:s1] =	ssyncset.done $0x0  }
0x144: {  	s30 =	simm.s32 $0xD;
	s9 =	rddreg [dreg:$0xc];
	[sflag:s1] =	ssyncadd.s32 $0xFFFFD000  }
0x145: {  	[hbm4b:s9+s2] =	stream.linear.scatter [tilespmem:s14], [sflag:$0x9], $0x3000, $0x38;
	[tilespmem:$0x18100] =	vst v63  }
0x146: {  	_ =	swait.ge [sflag:s30], $0x3000  }
0x147: {  	[sflag:s30] =	ssyncset.done $0x0  }
0x148: {  	[sflag:s30] =	ssyncadd.s32 $0xFFFFD000  }
0x149: {  	v3 =	vld [tilespmem:$0xC0];
	_ =	sdelay $0x4  }
0x14a: {  	v44 =	vshrl.u32 v3, $0x3  }
0x14b: {  	v4 =	vmul.u32 $0x30, v44  }
0x14c: {  	v3 =	vand.u32 $0x7, v3  }
0x14d: {  	v3 =	vor.u32 v3, v4  }
0x14e: {  	v4 =	vperm.xlane v3, v0;
	_ =	sdelay $0x1  }
0x14f: {  	v4 =	vadd.s32 v1, v4;
	_ =	sdelay $0x3  }
0x150: {  	s15 =	simm.s32 $0xC100;
	v3 =	vperm.xlane v3, v2  }
0x151: {  	[tilespmem:s15], [sflag:$0x5] =	stream.indirect_vreg.gather [hbm4b:s4+s2], $0x80, v4, vm0, $0xb8;
	[tilespmem:$0x18100] =	vst v63  }
0x152: {  	s12 =	simm.s32 $0xC900;
	v3 =	vadd.s32 v1, v3  }
0x153: {  	[tilespmem:s12], [sflag:$0x5] =	stream.indirect_vreg.gather [hbm4b:s10+s2], $0x80, v4, vm0, $0xb8;
	[tilespmem:$0x18100] =	vst v63  }
0x154: {  	s15 =	simm.s32 $0xD100  }
0x155: {  	[tilespmem:s15], [sflag:$0x5] =	stream.indirect_vreg.gather [hbm4b:s11+s2], $0x80, v4, vm0, $0xb8;
	[tilespmem:$0x18100] =	vst v63  }
0x156: {  	s26 =	simm.s32 $0xD900  }
0x157: {  	[tilespmem:s26], [sflag:$0x5] =	stream.indirect_vreg.gather [hbm4b:s4+s2], $0x80, v3, vm0, $0xb8;
	[tilespmem:$0x18100] =	vst v63  }
0x158: {  	s7 =	simm.s32 $0xE100  }
0x159: {  	[tilespmem:s7], [sflag:$0x5] =	stream.indirect_vreg.gather [hbm4b:s10+s2], $0x80, v3, vm0, $0xb8;
	[tilespmem:$0x18100] =	vst v63  }
0x15a: {  	s12 =	simm.s32 $0xE900  }
0x15b: {  	[tilespmem:s12], [sflag:$0x5] =	stream.indirect_vreg.gather [hbm4b:s11+s2], $0x80, v3, vm0, $0xb8;
	[tilespmem:$0x18100] =	vst v63  }
0x15c: {  	_ =	swait.ge [sflag:s22], $0x3000  }
0x15d: {  	[sflag:s22] =	ssyncset.done $0x0  }
0x15e: {  	s15 =	rddreg [dreg:$0xd];
	[sflag:s22] =	ssyncadd.s32 $0xFFFFD000  }
0x15f: {  	[hbm4b:s15+s2] =	stream.linear.scatter [tilespmem:s23], [sflag:$0xA], $0x3000, $0x38;
	[tilespmem:$0x18100] =	vst v63  }
0x160: {  	s23 =	simm.s32 $0xE  }
0x161: {  	_ =	swait.ge [sflag:s23], $0x3000  }
0x162: {  	[sflag:s23] =	ssyncset.done $0x0  }
0x163: {  	[sflag:s23] =	ssyncadd.s32 $0xFFFFD000  }
0x164: {  	v3 =	vld [tilespmem:$0xD0];
	_ =	sdelay $0x4  }
0x165: {  	v45 =	vshrl.u32 v3, $0x3  }
0x166: {  	v4 =	vmul.u32 $0x30, v45  }
0x167: {  	v3 =	vand.u32 $0x7, v3  }
0x168: {  	v3 =	vor.u32 v3, v4  }
0x169: {  	v4 =	vperm.xlane v3, v0;
	_ =	sdelay $0x1  }
0x16a: {  	v4 =	vadd.s32 v1, v4;
	_ =	sdelay $0x3  }
0x16b: {  	s20 =	simm.s32 $0xF100;
	v3 =	vperm.xlane v3, v2  }
0x16c: {  	[tilespmem:s20], [sflag:$0x6] =	stream.indirect_vreg.gather [hbm4b:s4+s2], $0x80, v4, vm0, $0xb8;
	[tilespmem:$0x18100] =	vst v63  }
0x16d: {  	s26 =	simm.s32 $0xF900;
	v3 =	vadd.s32 v1, v3  }
0x16e: {  	[tilespmem:s26], [sflag:$0x6] =	stream.indirect_vreg.gather [hbm4b:s10+s2], $0x80, v4, vm0, $0xb8;
	[tilespmem:$0x18100] =	vst v63  }
0x16f: {  	s12 =	simm.s32 $0x10100  }
0x170: {  	[tilespmem:s12], [sflag:$0x6] =	stream.indirect_vreg.gather [hbm4b:s11+s2], $0x80, v4, vm0, $0xb8;
	[tilespmem:$0x18100] =	vst v63  }
0x171: {  	s20 =	simm.s32 $0x10900  }
0x172: {  	[tilespmem:s20], [sflag:$0x6] =	stream.indirect_vreg.gather [hbm4b:s4+s2], $0x80, v3, vm0, $0xb8;
	[tilespmem:$0x18100] =	vst v63  }
0x173: {  	s26 =	simm.s32 $0x11100  }
0x174: {  	[tilespmem:s26], [sflag:$0x6] =	stream.indirect_vreg.gather [hbm4b:s10+s2], $0x80, v3, vm0, $0xb8;
	[tilespmem:$0x18100] =	vst v63  }
0x175: {  	s12 =	simm.s32 $0x11900  }
0x176: {  	[tilespmem:s12], [sflag:$0x6] =	stream.indirect_vreg.gather [hbm4b:s11+s2], $0x80, v3, vm0, $0xb8;
	[tilespmem:$0x18100] =	vst v63  }
0x177: {  	_ =	swait.ge [sflag:s31], $0x3000  }
0x178: {  	[sflag:s31] =	ssyncset.done $0x0  }
0x179: {  	s13 =	simm.s32 $0x6100;
	s20 =	rddreg [dreg:$0xe];
	[sflag:s31] =	ssyncadd.s32 $0xFFFFD000  }
0x17a: {  	[hbm4b:s20+s2] =	stream.linear.scatter [tilespmem:s13], [sflag:$0xB], $0x3000, $0x38;
	[tilespmem:$0x18100] =	vst v63  }
0x17b: {  	s20 =	simm.s32 $0xF  }
0x17c: {  	_ =	swait.ge [sflag:s20], $0x3000  }
0x17d: {  	[sflag:s20] =	ssyncset.done $0x0  }
0x17e: {  	[sflag:s20] =	ssyncadd.s32 $0xFFFFD000  }
0x17f: {  	v3 =	vld [tilespmem:$0xE0];
	_ =	sdelay $0x4  }
0x180: {  	v46 =	vshrl.u32 v3, $0x3  }
0x181: {  	v4 =	vmul.u32 $0x30, v46  }
0x182: {  	v3 =	vand.u32 $0x7, v3  }
0x183: {  	v3 =	vor.u32 v3, v4  }
0x184: {  	v4 =	vperm.xlane v3, v0;
	_ =	sdelay $0x1  }
0x185: {  	v4 =	vadd.s32 v1, v4;
	_ =	sdelay $0x3  }
0x186: {  	s13 =	simm.s32 $0x12100;
	v3 =	vperm.xlane v3, v2  }
0x187: {  	[tilespmem:s13], [sflag:$0x7] =	stream.indirect_vreg.gather [hbm4b:s4+s2], $0x80, v4, vm0, $0xb8;
	[tilespmem:$0x18100] =	vst v63  }
0x188: {  	s3 =	simm.s32 $0x12900;
	v3 =	vadd.s32 v1, v3  }
0x189: {  	[tilespmem:s3], [sflag:$0x7] =	stream.indirect_vreg.gather [hbm4b:s10+s2], $0x80, v4, vm0, $0xb8;
	[tilespmem:$0x18100] =	vst v63  }
0x18a: {  	s26 =	simm.s32 $0x13100  }
0x18b: {  	[tilespmem:s26], [sflag:$0x7] =	stream.indirect_vreg.gather [hbm4b:s11+s2], $0x80, v4, vm0, $0xb8;
	[tilespmem:$0x18100] =	vst v63  }
0x18c: {  	s6 =	simm.s32 $0x13900  }
0x18d: {  	[tilespmem:s6], [sflag:$0x7] =	stream.indirect_vreg.gather [hbm4b:s4+s2], $0x80, v3, vm0, $0xb8;
	[tilespmem:$0x18100] =	vst v63  }
0x18e: {  	s12 =	simm.s32 $0x14100  }
0x18f: {  	[tilespmem:s12], [sflag:$0x7] =	stream.indirect_vreg.gather [hbm4b:s10+s2], $0x80, v3, vm0, $0xb8;
	[tilespmem:$0x18100] =	vst v63  }
0x190: {  	s26 =	simm.s32 $0x14900  }
0x191: {  	[tilespmem:s26], [sflag:$0x7] =	stream.indirect_vreg.gather [hbm4b:s11+s2], $0x80, v3, vm0, $0xb8;
	[tilespmem:$0x18100] =	vst v63  }
0x192: {  	_ =	swait.ge [sflag:s0], $0x3000  }
0x193: {  	[sflag:s0] =	ssyncset.done $0x0  }
0x194: {  	s16 =	simm.s32 $0x9100;
	s6 =	rddreg [dreg:$0xf];
	[sflag:s0] =	ssyncadd.s32 $0xFFFFD000  }
0x195: {  	[hbm4b:s6+s2] =	stream.linear.scatter [tilespmem:s16], [sflag:$0xC], $0x3000, $0x38;
	[tilespmem:$0x18100] =	vst v63  }
0x196: {  	s6 =	simm.s32 $0x10  }
0x197: {  	_ =	swait.ge [sflag:s6], $0x3000  }
0x198: {  	[sflag:s6] =	ssyncset.done $0x0  }
0x199: {  	[sflag:s6] =	ssyncadd.s32 $0xFFFFD000  }
0x19a: {  	v3 =	vld [tilespmem:$0xF0];
	_ =	sdelay $0x4  }
0x19b: {  	v47 =	vshrl.u32 v3, $0x3  }
0x19c: {  	v4 =	vmul.u32 $0x30, v47  }
0x19d: {  	v3 =	vand.u32 $0x7, v3  }
0x19e: {  	v3 =	vor.u32 v3, v4  }
0x19f: {  	v4 =	vperm.xlane v3, v0;
	_ =	sdelay $0x1  }
0x1a0: {  	v4 =	vadd.s32 v1, v4;
	_ =	sdelay $0x3  }
0x1a1: {  	s8 =	simm.s32 $0x15100;
	v3 =	vperm.xlane v3, v2  }
0x1a2: {  	[tilespmem:s8], [sflag:$0x8] =	stream.indirect_vreg.gather [hbm4b:s4+s2], $0x80, v4, vm0, $0xb8;
	[tilespmem:$0x18100] =	vst v63  }
0x1a3: {  	s26 =	simm.s32 $0x15900;
	v3 =	vadd.s32 v1, v3  }
0x1a4: {  	[tilespmem:s26], [sflag:$0x8] =	stream.indirect_vreg.gather [hbm4b:s10+s2], $0x80, v4, vm0, $0xb8;
	[tilespmem:$0x18100] =	vst v63  }
0x1a5: {  	s12 =	simm.s32 $0x16100  }
0x1a6: {  	[tilespmem:s12], [sflag:$0x8] =	stream.indirect_vreg.gather [hbm4b:s11+s2], $0x80, v4, vm0, $0xb8;
	[tilespmem:$0x18100] =	vst v63  }
0x1a7: {  	s16 =	simm.s32 $0x16900  }
0x1a8: {  	[tilespmem:s16], [sflag:$0x8] =	stream.indirect_vreg.gather [hbm4b:s4+s2], $0x80, v3, vm0, $0xb8;
	[tilespmem:$0x18100] =	vst v63  }
0x1a9: {  	s26 =	simm.s32 $0x17100  }
0x1aa: {  	[tilespmem:s26], [sflag:$0x8] =	stream.indirect_vreg.gather [hbm4b:s10+s2], $0x80, v3, vm0, $0xb8;
	[tilespmem:$0x18100] =	vst v63  }
0x1ab: {  	s12 =	simm.s32 $0x17900  }
0x1ac: {  	[tilespmem:s12], [sflag:$0x8] =	stream.indirect_vreg.gather [hbm4b:s11+s2], $0x80, v3, vm0, $0xb8;
	[tilespmem:$0x18100] =	vst v63  }
0x1ad: {  	_ =	swait.ge [sflag:s17], $0x3000  }
0x1ae: {  	[sflag:s17] =	ssyncset.done $0x0  }
0x1af: {  	s14 =	simm.s32 $0xC100;
	s16 =	rddreg [dreg:$0x10];
	[sflag:s17] =	ssyncadd.s32 $0xFFFFD000  }
0x1b0: {  	[hbm4b:s16+s2] =	stream.linear.scatter [tilespmem:s14], [sflag:$0xD], $0x3000, $0x38;
	[tilespmem:$0x18100] =	vst v63  }
0x1b1: {  	_ =	swait.ge [sflag:s18], $0x3000  }
0x1b2: {  	[sflag:s18] =	ssyncset.done $0x0  }
0x1b3: {  	[sflag:s18] =	ssyncadd.s32 $0xFFFFD000  }
0x1b4: {  	v3 =	vld [tilespmem:$0x0];
	_ =	sdelay $0x4  }
0x1b5: {  	v48 =	vshrl.u32 v3, $0x3  }
0x1b6: {  	v4 =	vmul.u32 $0x30, v48  }
0x1b7: {  	v3 =	vand.u32 $0x7, v3  }
0x1b8: {  	v3 =	vor.u32 v3, v4  }
0x1b9: {  	v4 =	vperm.xlane v3, v0;
	_ =	sdelay $0x1  }
0x1ba: {  	v4 =	vadd.s32 v1, v4;
	_ =	sdelay $0x3  }
0x1bb: {  	s9 =	simm.s32 $0x100;
	v3 =	vperm.xlane v3, v2  }
0x1bc: {  	[tilespmem:s9], [sflag:$0x1] =	stream.indirect_vreg.gather [hbm4b:s5+s2], $0x80, v4, vm0, $0xb8;
	[tilespmem:$0x18100] =	vst v63  }
0x1bd: {  	s10 =	sadd.s32 $0x100, s5;
	s26 =	simm.s32 $0x900;
	v3 =	vadd.s32 v1, v3  }
0x1be: {  	[tilespmem:s26], [sflag:$0x1] =	stream.indirect_vreg.gather [hbm4b:s10+s2], $0x80, v4, vm0, $0xb8;
	[tilespmem:$0x18100] =	vst v63  }
0x1bf: {  	s11 =	sadd.s32 $0x200, s5;
	s9 =	simm.s32 $0x1100  }
0x1c0: {  	[tilespmem:s9], [sflag:$0x1] =	stream.indirect_vreg.gather [hbm4b:s11+s2], $0x80, v4, vm0, $0xb8;
	[tilespmem:$0x18100] =	vst v63  }
0x1c1: {  	s26 =	simm.s32 $0x1900  }
0x1c2: {  	[tilespmem:s26], [sflag:$0x1] =	stream.indirect_vreg.gather [hbm4b:s5+s2], $0x80, v3, vm0, $0xb8;
	[tilespmem:$0x18100] =	vst v63  }
0x1c3: {  	s12 =	simm.s32 $0x2100  }
0x1c4: {  	[tilespmem:s12], [sflag:$0x1] =	stream.indirect_vreg.gather [hbm4b:s10+s2], $0x80, v3, vm0, $0xb8;
	[tilespmem:$0x18100] =	vst v63  }
0x1c5: {  	s14 =	simm.s32 $0x2900  }
0x1c6: {  	[tilespmem:s14], [sflag:$0x1] =	stream.indirect_vreg.gather [hbm4b:s11+s2], $0x80, v3, vm0, $0xb8;
	[tilespmem:$0x18100] =	vst v63  }
0x1c7: {  	_ =	swait.ge [sflag:s19], $0x3000  }
0x1c8: {  	[sflag:s19] =	ssyncset.done $0x0  }
0x1c9: {  	s15 =	simm.s32 $0xF100;
	s16 =	rddreg [dreg:$0x11];
	[sflag:s19] =	ssyncadd.s32 $0xFFFFD000  }
0x1ca: {  	[hbm4b:s16+s2] =	stream.linear.scatter [tilespmem:s15], [sflag:$0xE], $0x3000, $0x38;
	[tilespmem:$0x18100] =	vst v63  }
0x1cb: {  	_ =	swait.ge [sflag:s21], $0x3000  }
0x1cc: {  	[sflag:s21] =	ssyncset.done $0x0  }
0x1cd: {  	[sflag:s21] =	ssyncadd.s32 $0xFFFFD000  }
0x1ce: {  	v3 =	vld [tilespmem:$0x10];
	_ =	sdelay $0x4  }
0x1cf: {  	v49 =	vshrl.u32 v3, $0x3  }
0x1d0: {  	v4 =	vmul.u32 $0x30, v49  }
0x1d1: {  	v3 =	vand.u32 $0x7, v3  }
0x1d2: {  	v3 =	vor.u32 v3, v4  }
0x1d3: {  	v4 =	vperm.xlane v3, v0;
	_ =	sdelay $0x1  }
0x1d4: {  	v4 =	vadd.s32 v1, v4;
	_ =	sdelay $0x3  }
0x1d5: {  	s7 =	simm.s32 $0x3100;
	v3 =	vperm.xlane v3, v2  }
0x1d6: {  	[tilespmem:s7], [sflag:$0x2] =	stream.indirect_vreg.gather [hbm4b:s5+s2], $0x80, v4, vm0, $0xb8;
	[tilespmem:$0x18100] =	vst v63  }
0x1d7: {  	v3 =	vadd.s32 v1, v3;
	s7 =	simm.s32 $0x3900  }
0x1d8: {  	[tilespmem:s7], [sflag:$0x2] =	stream.indirect_vreg.gather [hbm4b:s10+s2], $0x80, v4, vm0, $0xb8;
	[tilespmem:$0x18100] =	vst v63  }
0x1d9: {  	s9 =	simm.s32 $0x4100  }
0x1da: {  	[tilespmem:s9], [sflag:$0x2] =	stream.indirect_vreg.gather [hbm4b:s11+s2], $0x80, v4, vm0, $0xb8;
	[tilespmem:$0x18100] =	vst v63  }
0x1db: {  	s14 =	simm.s32 $0x4900  }
0x1dc: {  	[tilespmem:s14], [sflag:$0x2] =	stream.indirect_vreg.gather [hbm4b:s5+s2], $0x80, v3, vm0, $0xb8;
	[tilespmem:$0x18100] =	vst v63  }
0x1dd: {  	s15 =	simm.s32 $0x5100  }
0x1de: {  	[tilespmem:s15], [sflag:$0x2] =	stream.indirect_vreg.gather [hbm4b:s10+s2], $0x80, v3, vm0, $0xb8;
	[tilespmem:$0x18100] =	vst v63  }
0x1df: {  	s7 =	simm.s32 $0x5900  }
0x1e0: {  	[tilespmem:s7], [sflag:$0x2] =	stream.indirect_vreg.gather [hbm4b:s11+s2], $0x80, v3, vm0, $0xb8;
	[tilespmem:$0x18100] =	vst v63  }
0x1e1: {  	_ =	swait.ge [sflag:s24], $0x3000  }
0x1e2: {  	[sflag:s24] =	ssyncset.done $0x0  }
0x1e3: {  	s9 =	rddreg [dreg:$0x12];
	[sflag:s24] =	ssyncadd.s32 $0xFFFFD000  }
0x1e4: {  	[hbm4b:s9+s2] =	stream.linear.scatter [tilespmem:s13], [sflag:$0xF], $0x3000, $0x38;
	[tilespmem:$0x18100] =	vst v63  }
0x1e5: {  	_ =	swait.ge [sflag:s25], $0x3000  }
0x1e6: {  	[sflag:s25] =	ssyncset.done $0x0  }
0x1e7: {  	[sflag:s25] =	ssyncadd.s32 $0xFFFFD000  }
0x1e8: {  	v3 =	vld [tilespmem:$0x20];
	_ =	sdelay $0x4  }
0x1e9: {  	v50 =	vshrl.u32 v3, $0x3  }
0x1ea: {  	v4 =	vmul.u32 $0x30, v50  }
0x1eb: {  	v3 =	vand.u32 $0x7, v3  }
0x1ec: {  	v3 =	vor.u32 v3, v4  }
0x1ed: {  	v4 =	vperm.xlane v3, v0;
	_ =	sdelay $0x1  }
0x1ee: {  	v4 =	vadd.s32 v1, v4;
	_ =	sdelay $0x3  }
0x1ef: {  	s14 =	simm.s32 $0x6100;
	v3 =	vperm.xlane v3, v2  }
0x1f0: {  	[tilespmem:s14], [sflag:$0x3] =	stream.indirect_vreg.gather [hbm4b:s5+s2], $0x80, v4, vm0, $0xb8;
	[tilespmem:$0x18100] =	vst v63  }
0x1f1: {  	s13 =	simm.s32 $0x6900;
	v3 =	vadd.s32 v1, v3  }
0x1f2: {  	[tilespmem:s13], [sflag:$0x3] =	stream.indirect_vreg.gather [hbm4b:s10+s2], $0x80, v4, vm0, $0xb8;
	[tilespmem:$0x18100] =	vst v63  }
0x1f3: {  	s15 =	simm.s32 $0x7100  }
0x1f4: {  	[tilespmem:s15], [sflag:$0x3] =	stream.indirect_vreg.gather [hbm4b:s11+s2], $0x80, v4, vm0, $0xb8;
	[tilespmem:$0x18100] =	vst v63  }
0x1f5: {  	s7 =	simm.s32 $0x7900  }
0x1f6: {  	[tilespmem:s7], [sflag:$0x3] =	stream.indirect_vreg.gather [hbm4b:s5+s2], $0x80, v3, vm0, $0xb8;
	[tilespmem:$0x18100] =	vst v63  }
0x1f7: {  	s9 =	simm.s32 $0x8100  }
0x1f8: {  	[tilespmem:s9], [sflag:$0x3] =	stream.indirect_vreg.gather [hbm4b:s10+s2], $0x80, v3, vm0, $0xb8;
	[tilespmem:$0x18100] =	vst v63  }
0x1f9: {  	s13 =	simm.s32 $0x8900  }
0x1fa: {  	[tilespmem:s13], [sflag:$0x3] =	stream.indirect_vreg.gather [hbm4b:s11+s2], $0x80, v3, vm0, $0xb8;
	[tilespmem:$0x18100] =	vst v63  }
0x1fb: {  	_ =	swait.ge [sflag:s28], $0x3000  }
0x1fc: {  	[sflag:s28] =	ssyncset.done $0x0  }
0x1fd: {  	s3 =	simm.s32 $0x15100;
	s15 =	rddreg [dreg:$0x13];
	[sflag:s28] =	ssyncadd.s32 $0xFFFFD000  }
0x1fe: {  	[hbm4b:s15+s2] =	stream.linear.scatter [tilespmem:s3], [sflag:$0x10], $0x3000, $0x38;
	[tilespmem:$0x18100] =	vst v63  }
0x1ff: {  	_ =	swait.ge [sflag:s29], $0x3000  }
0x200: {  	[sflag:s29] =	ssyncset.done $0x0  }
0x201: {  	[sflag:s29] =	ssyncadd.s32 $0xFFFFD000  }
0x202: {  	v3 =	vld [tilespmem:$0x30];
	_ =	sdelay $0x4  }
0x203: {  	v51 =	vshrl.u32 v3, $0x3  }
0x204: {  	v4 =	vmul.u32 $0x30, v51  }
0x205: {  	v3 =	vand.u32 $0x7, v3  }
0x206: {  	v3 =	vor.u32 v3, v4  }
0x207: {  	v4 =	vperm.xlane v3, v0;
	_ =	sdelay $0x1  }
0x208: {  	v4 =	vadd.s32 v1, v4;
	_ =	sdelay $0x3  }
0x209: {  	s13 =	simm.s32 $0x9100;
	v3 =	vperm.xlane v3, v2  }
0x20a: {  	[tilespmem:s13], [sflag:$0x4] =	stream.indirect_vreg.gather [hbm4b:s5+s2], $0x80, v4, vm0, $0xb8;
	[tilespmem:$0x18100] =	vst v63  }
0x20b: {  	s3 =	simm.s32 $0x9900;
	v3 =	vadd.s32 v1, v3  }
0x20c: {  	[tilespmem:s3], [sflag:$0x4] =	stream.indirect_vreg.gather [hbm4b:s10+s2], $0x80, v4, vm0, $0xb8;
	[tilespmem:$0x18100] =	vst v63  }
0x20d: {  	s7 =	simm.s32 $0xA100  }
0x20e: {  	[tilespmem:s7], [sflag:$0x4] =	stream.indirect_vreg.gather [hbm4b:s11+s2], $0x80, v4, vm0, $0xb8;
	[tilespmem:$0x18100] =	vst v63  }
0x20f: {  	s9 =	simm.s32 $0xA900  }
0x210: {  	[tilespmem:s9], [sflag:$0x4] =	stream.indirect_vreg.gather [hbm4b:s5+s2], $0x80, v3, vm0, $0xb8;
	[tilespmem:$0x18100] =	vst v63  }
0x211: {  	s12 =	simm.s32 $0xB100  }
0x212: {  	[tilespmem:s12], [sflag:$0x4] =	stream.indirect_vreg.gather [hbm4b:s10+s2], $0x80, v3, vm0, $0xb8;
	[tilespmem:$0x18100] =	vst v63  }
0x213: {  	s3 =	simm.s32 $0xB900  }
0x214: {  	[tilespmem:s3], [sflag:$0x4] =	stream.indirect_vreg.gather [hbm4b:s11+s2], $0x80, v3, vm0, $0xb8;
	[tilespmem:$0x18100] =	vst v63  }
0x215: {  	_ =	swait.ge [sflag:s1], $0x3000  }
0x216: {  	[sflag:s1] =	ssyncset.done $0x0  }
0x217: {  	s9 =	simm.s32 $0x100;
	s7 =	rddreg [dreg:$0x14];
	[sflag:s1] =	ssyncadd.s32 $0xFFFFD000  }
0x218: {  	[hbm4b:s7+s2] =	stream.linear.scatter [tilespmem:s9], [sflag:$0x9], $0x3000, $0x38;
	[tilespmem:$0x18100] =	vst v63  }
0x219: {  	_ =	swait.ge [sflag:s30], $0x3000  }
0x21a: {  	[sflag:s30] =	ssyncset.done $0x0  }
0x21b: {  	[sflag:s30] =	ssyncadd.s32 $0xFFFFD000  }
0x21c: {  	v3 =	vld [tilespmem:$0x40];
	_ =	sdelay $0x4  }
0x21d: {  	v52 =	vshrl.u32 v3, $0x3  }
0x21e: {  	v4 =	vmul.u32 $0x30, v52  }
0x21f: {  	v3 =	vand.u32 $0x7, v3  }
0x220: {  	v3 =	vor.u32 v3, v4  }
0x221: {  	v4 =	vperm.xlane v3, v0;
	_ =	sdelay $0x1  }
0x222: {  	v4 =	vadd.s32 v1, v4;
	_ =	sdelay $0x3  }
0x223: {  	s7 =	simm.s32 $0xC100;
	v3 =	vperm.xlane v3, v2  }
0x224: {  	[tilespmem:s7], [sflag:$0x5] =	stream.indirect_vreg.gather [hbm4b:s5+s2], $0x80, v4, vm0, $0xb8;
	[tilespmem:$0x18100] =	vst v63  }
0x225: {  	s3 =	simm.s32 $0xC900;
	v3 =	vadd.s32 v1, v3  }
0x226: {  	[tilespmem:s3], [sflag:$0x5] =	stream.indirect_vreg.gather [hbm4b:s10+s2], $0x80, v4, vm0, $0xb8;
	[tilespmem:$0x18100] =	vst v63  }
0x227: {  	s3 =	simm.s32 $0xD100  }
0x228: {  	[tilespmem:s3], [sflag:$0x5] =	stream.indirect_vreg.gather [hbm4b:s11+s2], $0x80, v4, vm0, $0xb8;
	[tilespmem:$0x18100] =	vst v63  }
0x229: {  	s3 =	simm.s32 $0xD900  }
0x22a: {  	[tilespmem:s3], [sflag:$0x5] =	stream.indirect_vreg.gather [hbm4b:s5+s2], $0x80, v3, vm0, $0xb8;
	[tilespmem:$0x18100] =	vst v63  }
0x22b: {  	s3 =	simm.s32 $0xE100  }
0x22c: {  	[tilespmem:s3], [sflag:$0x5] =	stream.indirect_vreg.gather [hbm4b:s10+s2], $0x80, v3, vm0, $0xb8;
	[tilespmem:$0x18100] =	vst v63  }
0x22d: {  	s3 =	simm.s32 $0xE900  }
0x22e: {  	[tilespmem:s3], [sflag:$0x5] =	stream.indirect_vreg.gather [hbm4b:s11+s2], $0x80, v3, vm0, $0xb8;
	[tilespmem:$0x18100] =	vst v63  }
0x22f: {  	_ =	swait.ge [sflag:s22], $0x3000  }
0x230: {  	[sflag:s22] =	ssyncset.done $0x0  }
0x231: {  	s16 =	simm.s32 $0x3100;
	s3 =	rddreg [dreg:$0x15];
	[sflag:s22] =	ssyncadd.s32 $0xFFFFD000  }
0x232: {  	[hbm4b:s3+s2] =	stream.linear.scatter [tilespmem:s16], [sflag:$0xA], $0x3000, $0x38;
	[tilespmem:$0x18100] =	vst v63  }
0x233: {  	_ =	swait.ge [sflag:s23], $0x3000  }
0x234: {  	[sflag:s23] =	ssyncset.done $0x0  }
0x235: {  	[sflag:s23] =	ssyncadd.s32 $0xFFFFD000  }
0x236: {  	v3 =	vld [tilespmem:$0x50];
	_ =	sdelay $0x4  }
0x237: {  	v53 =	vshrl.u32 v3, $0x3  }
0x238: {  	v4 =	vmul.u32 $0x30, v53  }
0x239: {  	v3 =	vand.u32 $0x7, v3  }
0x23a: {  	v3 =	vor.u32 v3, v4  }
0x23b: {  	v4 =	vperm.xlane v3, v0;
	_ =	sdelay $0x1  }
0x23c: {  	v4 =	vadd.s32 v1, v4;
	_ =	sdelay $0x3  }
0x23d: {  	s8 =	simm.s32 $0xF100;
	v3 =	vperm.xlane v3, v2  }
0x23e: {  	[tilespmem:s8], [sflag:$0x6] =	stream.indirect_vreg.gather [hbm4b:s5+s2], $0x80, v4, vm0, $0xb8;
	[tilespmem:$0x18100] =	vst v63  }
0x23f: {  	v3 =	vadd.s32 v1, v3;
	s8 =	simm.s32 $0xF900  }
0x240: {  	[tilespmem:s8], [sflag:$0x6] =	stream.indirect_vreg.gather [hbm4b:s10+s2], $0x80, v4, vm0, $0xb8;
	[tilespmem:$0x18100] =	vst v63  }
0x241: {  	s3 =	simm.s32 $0x10100  }
0x242: {  	[tilespmem:s3], [sflag:$0x6] =	stream.indirect_vreg.gather [hbm4b:s11+s2], $0x80, v4, vm0, $0xb8;
	[tilespmem:$0x18100] =	vst v63  }
0x243: {  	s8 =	simm.s32 $0x10900  }
0x244: {  	[tilespmem:s8], [sflag:$0x6] =	stream.indirect_vreg.gather [hbm4b:s5+s2], $0x80, v3, vm0, $0xb8;
	[tilespmem:$0x18100] =	vst v63  }
0x245: {  	s3 =	simm.s32 $0x11100  }
0x246: {  	[tilespmem:s3], [sflag:$0x6] =	stream.indirect_vreg.gather [hbm4b:s10+s2], $0x80, v3, vm0, $0xb8;
	[tilespmem:$0x18100] =	vst v63  }
0x247: {  	s8 =	simm.s32 $0x11900  }
0x248: {  	[tilespmem:s8], [sflag:$0x6] =	stream.indirect_vreg.gather [hbm4b:s11+s2], $0x80, v3, vm0, $0xb8;
	[tilespmem:$0x18100] =	vst v63  }
0x249: {  	_ =	swait.ge [sflag:s31], $0x3000  }
0x24a: {  	[sflag:s31] =	ssyncset.done $0x0  }
0x24b: {  	s3 =	rddreg [dreg:$0x16];
	[sflag:s31] =	ssyncadd.s32 $0xFFFFD000  }
0x24c: {  	[hbm4b:s3+s2] =	stream.linear.scatter [tilespmem:s14], [sflag:$0xB], $0x3000, $0x38;
	[tilespmem:$0x18100] =	vst v63  }
0x24d: {  	_ =	swait.ge [sflag:s20], $0x3000  }
0x24e: {  	[sflag:s20] =	ssyncset.done $0x0  }
0x24f: {  	[sflag:s20] =	ssyncadd.s32 $0xFFFFD000  }
0x250: {  	v3 =	vld [tilespmem:$0x60];
	_ =	sdelay $0x4  }
0x251: {  	v54 =	vshrl.u32 v3, $0x3  }
0x252: {  	v4 =	vmul.u32 $0x30, v54  }
0x253: {  	v3 =	vand.u32 $0x7, v3  }
0x254: {  	v3 =	vor.u32 v3, v4  }
0x255: {  	v4 =	vperm.xlane v3, v0;
	_ =	sdelay $0x1  }
0x256: {  	v4 =	vadd.s32 v1, v4;
	_ =	sdelay $0x3  }
0x257: {  	s3 =	simm.s32 $0x12100;
	v3 =	vperm.xlane v3, v2  }
0x258: {  	[tilespmem:s3], [sflag:$0x7] =	stream.indirect_vreg.gather [hbm4b:s5+s2], $0x80, v4, vm0, $0xb8;
	[tilespmem:$0x18100] =	vst v63  }
0x259: {  	s8 =	simm.s32 $0x12900;
	v3 =	vadd.s32 v1, v3  }
0x25a: {  	[tilespmem:s8], [sflag:$0x7] =	stream.indirect_vreg.gather [hbm4b:s10+s2], $0x80, v4, vm0, $0xb8;
	[tilespmem:$0x18100] =	vst v63  }
0x25b: {  	s8 =	simm.s32 $0x13100  }
0x25c: {  	[tilespmem:s8], [sflag:$0x7] =	stream.indirect_vreg.gather [hbm4b:s11+s2], $0x80, v4, vm0, $0xb8;
	[tilespmem:$0x18100] =	vst v63  }
0x25d: {  	s8 =	simm.s32 $0x13900  }
0x25e: {  	[tilespmem:s8], [sflag:$0x7] =	stream.indirect_vreg.gather [hbm4b:s5+s2], $0x80, v3, vm0, $0xb8;
	[tilespmem:$0x18100] =	vst v63  }
0x25f: {  	s8 =	simm.s32 $0x14100  }
0x260: {  	[tilespmem:s8], [sflag:$0x7] =	stream.indirect_vreg.gather [hbm4b:s10+s2], $0x80, v3, vm0, $0xb8;
	[tilespmem:$0x18100] =	vst v63  }
0x261: {  	s8 =	simm.s32 $0x14900  }
0x262: {  	[tilespmem:s8], [sflag:$0x7] =	stream.indirect_vreg.gather [hbm4b:s11+s2], $0x80, v3, vm0, $0xb8;
	[tilespmem:$0x18100] =	vst v63  }
0x263: {  	_ =	swait.ge [sflag:s0], $0x3000  }
0x264: {  	[sflag:s0] =	ssyncset.done $0x0  }
0x265: {  	s8 =	rddreg [dreg:$0x17];
	[sflag:s0] =	ssyncadd.s32 $0xFFFFD000  }
0x266: {  	[hbm4b:s8+s2] =	stream.linear.scatter [tilespmem:s13], [sflag:$0xC], $0x3000, $0x38;
	[tilespmem:$0x18100] =	vst v63  }
0x267: {  	_ =	swait.ge [sflag:s6], $0x3000  }
0x268: {  	[sflag:s6] =	ssyncset.done $0x0  }
0x269: {  	[sflag:s6] =	ssyncadd.s32 $0xFFFFD000  }
0x26a: {  	v3 =	vld [tilespmem:$0x70];
	_ =	sdelay $0x4  }
0x26b: {  	v55 =	vshrl.u32 v3, $0x3  }
0x26c: {  	v4 =	vmul.u32 $0x30, v55  }
0x26d: {  	v3 =	vand.u32 $0x7, v3  }
0x26e: {  	v3 =	vor.u32 v3, v4  }
0x26f: {  	v4 =	vperm.xlane v3, v0;
	_ =	sdelay $0x1  }
0x270: {  	v4 =	vadd.s32 v1, v4;
	_ =	sdelay $0x3  }
0x271: {  	s15 =	simm.s32 $0x15100;
	v3 =	vperm.xlane v3, v2  }
0x272: {  	[tilespmem:s15], [sflag:$0x8] =	stream.indirect_vreg.gather [hbm4b:s5+s2], $0x80, v4, vm0, $0xb8;
	[tilespmem:$0x18100] =	vst v63  }
0x273: {  	s8 =	simm.s32 $0x15900;
	v3 =	vadd.s32 v1, v3  }
0x274: {  	[tilespmem:s8], [sflag:$0x8] =	stream.indirect_vreg.gather [hbm4b:s10+s2], $0x80, v4, vm0, $0xb8;
	[tilespmem:$0x18100] =	vst v63  }
0x275: {  	s8 =	simm.s32 $0x16100  }
0x276: {  	[tilespmem:s8], [sflag:$0x8] =	stream.indirect_vreg.gather [hbm4b:s11+s2], $0x80, v4, vm0, $0xb8;
	[tilespmem:$0x18100] =	vst v63  }
0x277: {  	s8 =	simm.s32 $0x16900  }
0x278: {  	[tilespmem:s8], [sflag:$0x8] =	stream.indirect_vreg.gather [hbm4b:s5+s2], $0x80, v3, vm0, $0xb8;
	[tilespmem:$0x18100] =	vst v63  }
0x279: {  	s8 =	simm.s32 $0x17100  }
0x27a: {  	[tilespmem:s8], [sflag:$0x8] =	stream.indirect_vreg.gather [hbm4b:s10+s2], $0x80, v3, vm0, $0xb8;
	[tilespmem:$0x18100] =	vst v63  }
0x27b: {  	s8 =	simm.s32 $0x17900  }
0x27c: {  	[tilespmem:s8], [sflag:$0x8] =	stream.indirect_vreg.gather [hbm4b:s11+s2], $0x80, v3, vm0, $0xb8;
	[tilespmem:$0x18100] =	vst v63  }
0x27d: {  	_ =	swait.ge [sflag:s17], $0x3000  }
0x27e: {  	[sflag:s17] =	ssyncset.done $0x0  }
0x27f: {  	s8 =	rddreg [dreg:$0x18];
	[sflag:s17] =	ssyncadd.s32 $0xFFFFD000  }
0x280: {  	[hbm4b:s8+s2] =	stream.linear.scatter [tilespmem:s7], [sflag:$0xD], $0x3000, $0x38;
	[tilespmem:$0x18100] =	vst v63  }
0x281: {  	_ =	swait.ge [sflag:s18], $0x3000  }
0x282: {  	[sflag:s18] =	ssyncset.done $0x0  }
0x283: {  	[sflag:s18] =	ssyncadd.s32 $0xFFFFD000  }
0x284: {  	v3 =	vld [tilespmem:$0x80];
	_ =	sdelay $0x4  }
0x285: {  	v56 =	vshrl.u32 v3, $0x3  }
0x286: {  	v4 =	vmul.u32 $0x30, v56  }
0x287: {  	v3 =	vand.u32 $0x7, v3  }
0x288: {  	v3 =	vor.u32 v3, v4  }
0x289: {  	v4 =	vperm.xlane v3, v0;
	_ =	sdelay $0x1  }
0x28a: {  	v4 =	vadd.s32 v1, v4;
	_ =	sdelay $0x3  }
0x28b: {  	v3 =	vperm.xlane v3, v2  }
0x28c: {  	[tilespmem:s9], [sflag:$0x1] =	stream.indirect_vreg.gather [hbm4b:s5+s2], $0x80, v4, vm0, $0xb8;
	[tilespmem:$0x18100] =	vst v63  }
0x28d: {  	s8 =	simm.s32 $0x900;
	v3 =	vadd.s32 v1, v3  }
0x28e: {  	[tilespmem:s8], [sflag:$0x1] =	stream.indirect_vreg.gather [hbm4b:s10+s2], $0x80, v4, vm0, $0xb8;
	[tilespmem:$0x18100] =	vst v63  }
0x28f: {  	s12 =	simm.s32 $0x1100  }
0x290: {  	[tilespmem:s12], [sflag:$0x1] =	stream.indirect_vreg.gather [hbm4b:s11+s2], $0x80, v4, vm0, $0xb8;
	[tilespmem:$0x18100] =	vst v63  }
0x291: {  	_ = 	snop  }
0x292: {  	[tilespmem:s26], [sflag:$0x1] =	stream.indirect_vreg.gather [hbm4b:s5+s2], $0x80, v3, vm0, $0xb8;
	[tilespmem:$0x18100] =	vst v63  }
0x293: {  	s26 =	simm.s32 $0x2100  }
0x294: {  	[tilespmem:s26], [sflag:$0x1] =	stream.indirect_vreg.gather [hbm4b:s10+s2], $0x80, v3, vm0, $0xb8;
	[tilespmem:$0x18100] =	vst v63  }
0x295: {  	s12 =	simm.s32 $0x2900  }
0x296: {  	[tilespmem:s12], [sflag:$0x1] =	stream.indirect_vreg.gather [hbm4b:s11+s2], $0x80, v3, vm0, $0xb8;
	[tilespmem:$0x18100] =	vst v63  }
0x297: {  	_ =	swait.ge [sflag:s19], $0x3000  }
0x298: {  	[sflag:s19] =	ssyncset.done $0x0  }
0x299: {  	s8 =	simm.s32 $0xF100;
	s26 =	rddreg [dreg:$0x19];
	[sflag:s19] =	ssyncadd.s32 $0xFFFFD000  }
0x29a: {  	[hbm4b:s26+s2] =	stream.linear.scatter [tilespmem:s8], [sflag:$0xE], $0x3000, $0x38;
	[tilespmem:$0x18100] =	vst v63  }
0x29b: {  	_ =	swait.ge [sflag:s21], $0x3000  }
0x29c: {  	[sflag:s21] =	ssyncset.done $0x0  }
0x29d: {  	[sflag:s21] =	ssyncadd.s32 $0xFFFFD000  }
0x29e: {  	v3 =	vld [tilespmem:$0x90];
	_ =	sdelay $0x4  }
0x29f: {  	v57 =	vshrl.u32 v3, $0x3  }
0x2a0: {  	v4 =	vmul.u32 $0x30, v57  }
0x2a1: {  	v3 =	vand.u32 $0x7, v3  }
0x2a2: {  	v3 =	vor.u32 v3, v4  }
0x2a3: {  	v4 =	vperm.xlane v3, v0;
	_ =	sdelay $0x1  }
0x2a4: {  	v4 =	vadd.s32 v1, v4;
	_ =	sdelay $0x3  }
0x2a5: {  	s16 =	simm.s32 $0x3100;
	v3 =	vperm.xlane v3, v2  }
0x2a6: {  	[tilespmem:s16], [sflag:$0x2] =	stream.indirect_vreg.gather [hbm4b:s5+s2], $0x80, v4, vm0, $0xb8;
	[tilespmem:$0x18100] =	vst v63  }
0x2a7: {  	s26 =	simm.s32 $0x3900;
	v3 =	vadd.s32 v1, v3  }
0x2a8: {  	[tilespmem:s26], [sflag:$0x2] =	stream.indirect_vreg.gather [hbm4b:s10+s2], $0x80, v4, vm0, $0xb8;
	[tilespmem:$0x18100] =	vst v63  }
0x2a9: {  	s26 =	simm.s32 $0x4100  }
0x2aa: {  	[tilespmem:s26], [sflag:$0x2] =	stream.indirect_vreg.gather [hbm4b:s11+s2], $0x80, v4, vm0, $0xb8;
	[tilespmem:$0x18100] =	vst v63  }
0x2ab: {  	s26 =	simm.s32 $0x4900  }
0x2ac: {  	[tilespmem:s26], [sflag:$0x2] =	stream.indirect_vreg.gather [hbm4b:s5+s2], $0x80, v3, vm0, $0xb8;
	[tilespmem:$0x18100] =	vst v63  }
0x2ad: {  	s26 =	simm.s32 $0x5100  }
0x2ae: {  	[tilespmem:s26], [sflag:$0x2] =	stream.indirect_vreg.gather [hbm4b:s10+s2], $0x80, v3, vm0, $0xb8;
	[tilespmem:$0x18100] =	vst v63  }
0x2af: {  	s26 =	simm.s32 $0x5900  }
0x2b0: {  	[tilespmem:s26], [sflag:$0x2] =	stream.indirect_vreg.gather [hbm4b:s11+s2], $0x80, v3, vm0, $0xb8;
	[tilespmem:$0x18100] =	vst v63  }
0x2b1: {  	_ =	swait.ge [sflag:s24], $0x3000  }
0x2b2: {  	[sflag:s24] =	ssyncset.done $0x0  }
0x2b3: {  	s26 =	rddreg [dreg:$0x1a];
	[sflag:s24] =	ssyncadd.s32 $0xFFFFD000  }
0x2b4: {  	[hbm4b:s26+s2] =	stream.linear.scatter [tilespmem:s3], [sflag:$0xF], $0x3000, $0x38;
	[tilespmem:$0x18100] =	vst v63  }
0x2b5: {  	_ =	swait.ge [sflag:s25], $0x3000  }
0x2b6: {  	[sflag:s25] =	ssyncset.done $0x0  }
0x2b7: {  	[sflag:s25] =	ssyncadd.s32 $0xFFFFD000  }
0x2b8: {  	v3 =	vld [tilespmem:$0xA0];
	_ =	sdelay $0x4  }
0x2b9: {  	v58 =	vshrl.u32 v3, $0x3  }
0x2ba: {  	v4 =	vmul.u32 $0x30, v58  }
0x2bb: {  	v3 =	vand.u32 $0x7, v3  }
0x2bc: {  	v3 =	vor.u32 v3, v4  }
0x2bd: {  	v4 =	vperm.xlane v3, v0;
	_ =	sdelay $0x1  }
0x2be: {  	v4 =	vadd.s32 v1, v4;
	_ =	sdelay $0x3  }
0x2bf: {  	s14 =	simm.s32 $0x6100;
	v3 =	vperm.xlane v3, v2  }
0x2c0: {  	[tilespmem:s14], [sflag:$0x3] =	stream.indirect_vreg.gather [hbm4b:s5+s2], $0x80, v4, vm0, $0xb8;
	[tilespmem:$0x18100] =	vst v63  }
0x2c1: {  	s12 =	simm.s32 $0x6900;
	v3 =	vadd.s32 v1, v3  }
0x2c2: {  	[tilespmem:s12], [sflag:$0x3] =	stream.indirect_vreg.gather [hbm4b:s10+s2], $0x80, v4, vm0, $0xb8;
	[tilespmem:$0x18100] =	vst v63  }
0x2c3: {  	s12 =	simm.s32 $0x7100  }
0x2c4: {  	[tilespmem:s12], [sflag:$0x3] =	stream.indirect_vreg.gather [hbm4b:s11+s2], $0x80, v4, vm0, $0xb8;
	[tilespmem:$0x18100] =	vst v63  }
0x2c5: {  	s12 =	simm.s32 $0x7900  }
0x2c6: {  	[tilespmem:s12], [sflag:$0x3] =	stream.indirect_vreg.gather [hbm4b:s5+s2], $0x80, v3, vm0, $0xb8;
	[tilespmem:$0x18100] =	vst v63  }
0x2c7: {  	s12 =	simm.s32 $0x8100  }
0x2c8: {  	[tilespmem:s12], [sflag:$0x3] =	stream.indirect_vreg.gather [hbm4b:s10+s2], $0x80, v3, vm0, $0xb8;
	[tilespmem:$0x18100] =	vst v63  }
0x2c9: {  	s12 =	simm.s32 $0x8900  }
0x2ca: {  	[tilespmem:s12], [sflag:$0x3] =	stream.indirect_vreg.gather [hbm4b:s11+s2], $0x80, v3, vm0, $0xb8;
	[tilespmem:$0x18100] =	vst v63  }
0x2cb: {  	_ =	swait.ge [sflag:s28], $0x3000  }
0x2cc: {  	[sflag:s28] =	ssyncset.done $0x0  }
0x2cd: {  	s3 =	rddreg [dreg:$0x1b];
	[sflag:s28] =	ssyncadd.s32 $0xFFFFD000  }
0x2ce: {  	[hbm4b:s3+s2] =	stream.linear.scatter [tilespmem:s15], [sflag:$0x10], $0x3000, $0x38;
	[tilespmem:$0x18100] =	vst v63  }
0x2cf: {  	_ =	swait.ge [sflag:s29], $0x3000  }
0x2d0: {  	[sflag:s29] =	ssyncset.done $0x0  }
0x2d1: {  	[sflag:s29] =	ssyncadd.s32 $0xFFFFD000  }
0x2d2: {  	v3 =	vld [tilespmem:$0xB0];
	_ =	sdelay $0x4  }
0x2d3: {  	v59 =	vshrl.u32 v3, $0x3  }
0x2d4: {  	v4 =	vmul.u32 $0x30, v59  }
0x2d5: {  	v3 =	vand.u32 $0x7, v3  }
0x2d6: {  	v3 =	vor.u32 v3, v4  }
0x2d7: {  	v4 =	vperm.xlane v3, v0;
	_ =	sdelay $0x1  }
0x2d8: {  	v4 =	vadd.s32 v1, v4;
	_ =	sdelay $0x3  }
0x2d9: {  	s13 =	simm.s32 $0x9100;
	v3 =	vperm.xlane v3, v2  }
0x2da: {  	[tilespmem:s13], [sflag:$0x4] =	stream.indirect_vreg.gather [hbm4b:s5+s2], $0x80, v4, vm0, $0xb8;
	[tilespmem:$0x18100] =	vst v63  }
0x2db: {  	s15 =	simm.s32 $0x9900;
	v3 =	vadd.s32 v1, v3  }
0x2dc: {  	[tilespmem:s15], [sflag:$0x4] =	stream.indirect_vreg.gather [hbm4b:s10+s2], $0x80, v4, vm0, $0xb8;
	[tilespmem:$0x18100] =	vst v63  }
0x2dd: {  	s12 =	simm.s32 $0xA100  }
0x2de: {  	[tilespmem:s12], [sflag:$0x4] =	stream.indirect_vreg.gather [hbm4b:s11+s2], $0x80, v4, vm0, $0xb8;
	[tilespmem:$0x18100] =	vst v63  }
0x2df: {  	s15 =	simm.s32 $0xA900  }
0x2e0: {  	[tilespmem:s15], [sflag:$0x4] =	stream.indirect_vreg.gather [hbm4b:s5+s2], $0x80, v3, vm0, $0xb8;
	[tilespmem:$0x18100] =	vst v63  }
0x2e1: {  	s12 =	simm.s32 $0xB100  }
0x2e2: {  	[tilespmem:s12], [sflag:$0x4] =	stream.indirect_vreg.gather [hbm4b:s10+s2], $0x80, v3, vm0, $0xb8;
	[tilespmem:$0x18100] =	vst v63  }
0x2e3: {  	s15 =	simm.s32 $0xB900  }
0x2e4: {  	[tilespmem:s15], [sflag:$0x4] =	stream.indirect_vreg.gather [hbm4b:s11+s2], $0x80, v3, vm0, $0xb8;
	[tilespmem:$0x18100] =	vst v63  }
0x2e5: {  	_ =	swait.ge [sflag:s1], $0x3000  }
0x2e6: {  	[sflag:s1] =	ssyncset.done $0x0  }
0x2e7: {  	s9 =	simm.s32 $0x100;
	s3 =	rddreg [dreg:$0x1c];
	[sflag:s1] =	ssyncadd.s32 $0xFFFFD000  }
0x2e8: {  	[hbm4b:s3+s2] =	stream.linear.scatter [tilespmem:s9], [sflag:$0x9], $0x3000, $0x38;
	[tilespmem:$0x18100] =	vst v63  }
0x2e9: {  	_ =	swait.ge [sflag:s30], $0x3000  }
0x2ea: {  	[sflag:s30] =	ssyncset.done $0x0  }
0x2eb: {  	[sflag:s30] =	ssyncadd.s32 $0xFFFFD000  }
0x2ec: {  	v3 =	vld [tilespmem:$0xC0];
	_ =	sdelay $0x4  }
0x2ed: {  	v60 =	vshrl.u32 v3, $0x3  }
0x2ee: {  	v4 =	vmul.u32 $0x30, v60  }
0x2ef: {  	v3 =	vand.u32 $0x7, v3  }
0x2f0: {  	v3 =	vor.u32 v3, v4  }
0x2f1: {  	v4 =	vperm.xlane v3, v0;
	_ =	sdelay $0x1  }
0x2f2: {  	v4 =	vadd.s32 v1, v4;
	_ =	sdelay $0x3  }
0x2f3: {  	s7 =	simm.s32 $0xC100;
	v3 =	vperm.xlane v3, v2  }
0x2f4: {  	[tilespmem:s7], [sflag:$0x5] =	stream.indirect_vreg.gather [hbm4b:s5+s2], $0x80, v4, vm0, $0xb8;
	[tilespmem:$0x18100] =	vst v63  }
0x2f5: {  	s15 =	simm.s32 $0xC900;
	v3 =	vadd.s32 v1, v3  }
0x2f6: {  	[tilespmem:s15], [sflag:$0x5] =	stream.indirect_vreg.gather [hbm4b:s10+s2], $0x80, v4, vm0, $0xb8;
	[tilespmem:$0x18100] =	vst v63  }
0x2f7: {  	s3 =	simm.s32 $0xD100  }
0x2f8: {  	[tilespmem:s3], [sflag:$0x5] =	stream.indirect_vreg.gather [hbm4b:s11+s2], $0x80, v4, vm0, $0xb8;
	[tilespmem:$0x18100] =	vst v63  }
0x2f9: {  	s9 =	simm.s32 $0xD900  }
0x2fa: {  	[tilespmem:s9], [sflag:$0x5] =	stream.indirect_vreg.gather [hbm4b:s5+s2], $0x80, v3, vm0, $0xb8;
	[tilespmem:$0x18100] =	vst v63  }
0x2fb: {  	s12 =	simm.s32 $0xE100  }
0x2fc: {  	[tilespmem:s12], [sflag:$0x5] =	stream.indirect_vreg.gather [hbm4b:s10+s2], $0x80, v3, vm0, $0xb8;
	[tilespmem:$0x18100] =	vst v63  }
0x2fd: {  	s15 =	simm.s32 $0xE900  }
0x2fe: {  	[tilespmem:s15], [sflag:$0x5] =	stream.indirect_vreg.gather [hbm4b:s11+s2], $0x80, v3, vm0, $0xb8;
	[tilespmem:$0x18100] =	vst v63  }
0x2ff: {  	_ =	swait.ge [sflag:s22], $0x3000  }
0x300: {  	[sflag:s22] =	ssyncset.done $0x0  }
0x301: {  	s3 =	rddreg [dreg:$0x1d];
	[sflag:s22] =	ssyncadd.s32 $0xFFFFD000  }
0x302: {  	[hbm4b:s3+s2] =	stream.linear.scatter [tilespmem:s16], [sflag:$0xA], $0x3000, $0x38;
	[tilespmem:$0x18100] =	vst v63  }
0x303: {  	_ =	swait.ge [sflag:s23], $0x3000  }
0x304: {  	[sflag:s23] =	ssyncset.done $0x0  }
0x305: {  	[sflag:s23] =	ssyncadd.s32 $0xFFFFD000  }
0x306: {  	v3 =	vld [tilespmem:$0xD0];
	_ =	sdelay $0x4  }
0x307: {  	v61 =	vshrl.u32 v3, $0x3  }
0x308: {  	v4 =	vmul.u32 $0x30, v61  }
0x309: {  	v3 =	vand.u32 $0x7, v3  }
0x30a: {  	v3 =	vor.u32 v3, v4  }
0x30b: {  	v4 =	vperm.xlane v3, v0;
	_ =	sdelay $0x1  }
0x30c: {  	v4 =	vadd.s32 v1, v4;
	_ =	sdelay $0x3  }
0x30d: {  	v3 =	vperm.xlane v3, v2  }
0x30e: {  	[tilespmem:s8], [sflag:$0x6] =	stream.indirect_vreg.gather [hbm4b:s5+s2], $0x80, v4, vm0, $0xb8;
	[tilespmem:$0x18100] =	vst v63  }
0x30f: {  	v3 =	vadd.s32 v1, v3;
	s8 =	simm.s32 $0xF900  }
0x310: {  	[tilespmem:s8], [sflag:$0x6] =	stream.indirect_vreg.gather [hbm4b:s10+s2], $0x80, v4, vm0, $0xb8;
	[tilespmem:$0x18100] =	vst v63  }
0x311: {  	s9 =	simm.s32 $0x10100  }
0x312: {  	[tilespmem:s9], [sflag:$0x6] =	stream.indirect_vreg.gather [hbm4b:s11+s2], $0x80, v4, vm0, $0xb8;
	[tilespmem:$0x18100] =	vst v63  }
0x313: {  	s12 =	simm.s32 $0x10900  }
0x314: {  	[tilespmem:s12], [sflag:$0x6] =	stream.indirect_vreg.gather [hbm4b:s5+s2], $0x80, v3, vm0, $0xb8;
	[tilespmem:$0x18100] =	vst v63  }
0x315: {  	s15 =	simm.s32 $0x11100  }
0x316: {  	[tilespmem:s15], [sflag:$0x6] =	stream.indirect_vreg.gather [hbm4b:s10+s2], $0x80, v3, vm0, $0xb8;
	[tilespmem:$0x18100] =	vst v63  }
0x317: {  	s16 =	simm.s32 $0x11900  }
0x318: {  	[tilespmem:s16], [sflag:$0x6] =	stream.indirect_vreg.gather [hbm4b:s11+s2], $0x80, v3, vm0, $0xb8;
	[tilespmem:$0x18100] =	vst v63  }
0x319: {  	_ =	swait.ge [sflag:s31], $0x3000  }
0x31a: {  	[sflag:s31] =	ssyncset.done $0x0  }
0x31b: {  	s8 =	rddreg [dreg:$0x1e];
	[sflag:s31] =	ssyncadd.s32 $0xFFFFD000  }
0x31c: {  	[hbm4b:s8+s2] =	stream.linear.scatter [tilespmem:s14], [sflag:$0xB], $0x3000, $0x38;
	[tilespmem:$0x18100] =	vst v63  }
0x31d: {  	_ =	swait.ge [sflag:s20], $0x3000  }
0x31e: {  	[sflag:s20] =	ssyncset.done $0x0  }
0x31f: {  	[sflag:s20] =	ssyncadd.s32 $0xFFFFD000  }
0x320: {  	v3 =	vld [tilespmem:$0xE0];
	_ =	sdelay $0x4  }
0x321: {  	v62 =	vshrl.u32 v3, $0x3  }
0x322: {  	v4 =	vmul.u32 $0x30, v62  }
0x323: {  	v3 =	vand.u32 $0x7, v3  }
0x324: {  	v3 =	vor.u32 v3, v4  }
0x325: {  	v4 =	vperm.xlane v3, v0;
	_ =	sdelay $0x1  }
0x326: {  	v4 =	vadd.s32 v1, v4;
	_ =	sdelay $0x3  }
0x327: {  	s26 =	simm.s32 $0x12100;
	v3 =	vperm.xlane v3, v2  }
0x328: {  	[tilespmem:s26], [sflag:$0x7] =	stream.indirect_vreg.gather [hbm4b:s5+s2], $0x80, v4, vm0, $0xb8;
	[tilespmem:$0x18100] =	vst v63  }
0x329: {  	s9 =	simm.s32 $0x12900;
	v3 =	vadd.s32 v1, v3  }
0x32a: {  	[tilespmem:s9], [sflag:$0x7] =	stream.indirect_vreg.gather [hbm4b:s10+s2], $0x80, v4, vm0, $0xb8;
	[tilespmem:$0x18100] =	vst v63  }
0x32b: {  	s12 =	simm.s32 $0x13100  }
0x32c: {  	[tilespmem:s12], [sflag:$0x7] =	stream.indirect_vreg.gather [hbm4b:s11+s2], $0x80, v4, vm0, $0xb8;
	[tilespmem:$0x18100] =	vst v63  }
0x32d: {  	s14 =	simm.s32 $0x13900  }
0x32e: {  	[tilespmem:s14], [sflag:$0x7] =	stream.indirect_vreg.gather [hbm4b:s5+s2], $0x80, v3, vm0, $0xb8;
	[tilespmem:$0x18100] =	vst v63  }
0x32f: {  	s15 =	simm.s32 $0x14100  }
0x330: {  	[tilespmem:s15], [sflag:$0x7] =	stream.indirect_vreg.gather [hbm4b:s10+s2], $0x80, v3, vm0, $0xb8;
	[tilespmem:$0x18100] =	vst v63  }
0x331: {  	s16 =	simm.s32 $0x14900  }
0x332: {  	[tilespmem:s16], [sflag:$0x7] =	stream.indirect_vreg.gather [hbm4b:s11+s2], $0x80, v3, vm0, $0xb8;
	[tilespmem:$0x18100] =	vst v63  }
0x333: {  	_ =	swait.ge [sflag:s0], $0x3000  }
0x334: {  	[sflag:s0] =	ssyncset.done $0x0  }
0x335: {  	s3 =	rddreg [dreg:$0x1f];
	[sflag:s0] =	ssyncadd.s32 $0xFFFFD000  }
0x336: {  	[hbm4b:s3+s2] =	stream.linear.scatter [tilespmem:s13], [sflag:$0xC], $0x3000, $0x38;
	[tilespmem:$0x18100] =	vst v63  }
0x337: {  	_ =	swait.ge [sflag:s6], $0x3000  }
0x338: {  	[sflag:s6] =	ssyncset.done $0x0  }
0x339: {  	[sflag:s6] =	ssyncadd.s32 $0xFFFFD000  }
0x33a: {  	v3 =	vld [tilespmem:$0xF0];
	_ =	sdelay $0x4  }
0x33b: {  	v63 =	vshrl.u32 v3, $0x3  }
0x33c: {  	v4 =	vmul.u32 $0x30, v63  }
0x33d: {  	v3 =	vand.u32 $0x7, v3  }
0x33e: {  	v3 =	vor.u32 v3, v4  }
0x33f: {  	v4 =	vperm.xlane v3, v0;
	_ =	sdelay $0x1  }
0x340: {  	v4 =	vadd.s32 v1, v4;
	_ =	sdelay $0x3  }
0x341: {  	s0 =	simm.s32 $0x15100;
	v3 =	vperm.xlane v3, v2  }
0x342: {  	[tilespmem:s0], [sflag:$0x8] =	stream.indirect_vreg.gather [hbm4b:s5+s2], $0x80, v4, vm0, $0xb8;
	[tilespmem:$0x18100] =	vst v63  }
0x343: {  	s8 =	simm.s32 $0x15900;
	v3 =	vadd.s32 v1, v3  }
0x344: {  	[tilespmem:s8], [sflag:$0x8] =	stream.indirect_vreg.gather [hbm4b:s10+s2], $0x80, v4, vm0, $0xb8;
	[tilespmem:$0x18100] =	vst v63  }
0x345: {  	s9 =	simm.s32 $0x16100  }
0x346: {  	[tilespmem:s9], [sflag:$0x8] =	stream.indirect_vreg.gather [hbm4b:s11+s2], $0x80, v4, vm0, $0xb8;
	[tilespmem:$0x18100] =	vst v63  }
0x347: {  	s12 =	simm.s32 $0x16900  }
0x348: {  	[tilespmem:s12], [sflag:$0x8] =	stream.indirect_vreg.gather [hbm4b:s5+s2], $0x80, v3, vm0, $0xb8;
	[tilespmem:$0x18100] =	vst v63  }
0x349: {  	s13 =	simm.s32 $0x17100  }
0x34a: {  	[tilespmem:s13], [sflag:$0x8] =	stream.indirect_vreg.gather [hbm4b:s10+s2], $0x80, v3, vm0, $0xb8;
	[tilespmem:$0x18100] =	vst v63  }
0x34b: {  	s14 =	simm.s32 $0x17900  }
0x34c: {  	[tilespmem:s14], [sflag:$0x8] =	stream.indirect_vreg.gather [hbm4b:s11+s2], $0x80, v3, vm0, $0xb8;
	[tilespmem:$0x18100] =	vst v63  }
0x34d: {  	_ =	swait.ge [sflag:s17], $0x3000  }
0x34e: {  	s15 =	sld [smem:$0x7F9]  }
0x34f: {  	[sflag:s17] =	ssyncset.done $0x0  }
0x350: {  	[sflag:s17] =	ssyncadd.s32 $0xFFFFD000  }
0x351: {  	[hbm4b:s15+s2] =	stream.linear.scatter [tilespmem:s7], [sflag:$0xD], $0x3000, $0x38;
	[tilespmem:$0x18100] =	vst v63  }
0x352: {  	_ =	swait.ge [sflag:s19], $0x3000  }
0x353: {  	s16 =	sld [smem:$0x7FA]  }
0x354: {  	[sflag:s19] =	ssyncset.done $0x0  }
0x355: {  	s1 =	simm.s32 $0xF100;
	[sflag:s19] =	ssyncadd.s32 $0xFFFFD000  }
0x356: {  	[hbm4b:s16+s2] =	stream.linear.scatter [tilespmem:s1], [sflag:$0xE], $0x3000, $0x38;
	[tilespmem:$0x18100] =	vst v63  }
0x357: {  	_ =	swait.ge [sflag:s24], $0x3000  }
0x358: {  	s19 =	sld [smem:$0x7FB]  }
0x359: {  	[sflag:s24] =	ssyncset.done $0x0  }
0x35a: {  	[sflag:s24] =	ssyncadd.s32 $0xFFFFD000  }
0x35b: {  	[hbm4b:s19+s2] =	stream.linear.scatter [tilespmem:s26], [sflag:$0xF], $0x3000, $0x38;
	[tilespmem:$0x18100] =	vst v63  }
0x35c: {  	_ =	swait.ge [sflag:s28], $0x3000  }
0x35d: {  	s26 =	sld [smem:$0x7FD]  }
0x35e: {  	[sflag:s28] =	ssyncset.done $0x0  }
0x35f: {  	[sflag:s28] =	ssyncadd.s32 $0xFFFFD000  }
0x360: {  	[hbm4b:s26+s2] =	stream.linear.scatter [tilespmem:s0], [sflag:$0x10], $0x3000, $0x38;
	[tilespmem:$0x18100] =	vst v63  }
0x361: {  	s28 =	sld [smem:$0x7F8];
	_ =	swait.ge [sflag:s18], $0x3000  }
0x362: {  	[sflag:s18] =	ssyncset.done $0x0  }
0x363: {  	[sflag:s18] =	ssyncadd.s32 $0xFFFFD000  }
0x364: {  	_ =	swait.ge [sflag:s21], $0x3000  }
0x365: {  	[sflag:s21] =	ssyncset.done $0x0  }
0x366: {  	[sflag:s21] =	ssyncadd.s32 $0xFFFFD000  }
0x367: {  	_ =	swait.ge [sflag:s25], $0x3000  }
0x368: {  	[sflag:s25] =	ssyncset.done $0x0  }
0x369: {  	[sflag:s25] =	ssyncadd.s32 $0xFFFFD000  }
0x36a: {  	_ =	swait.ge [sflag:s29], $0x3000  }
0x36b: {  	[sflag:s29] =	ssyncset.done $0x0  }
0x36c: {  	[sflag:s29] =	ssyncadd.s32 $0xFFFFD000  }
0x36d: {  	_ =	swait.ge [sflag:s30], $0x3000  }
0x36e: {  	[sflag:s30] =	ssyncset.done $0x0  }
0x36f: {  	[sflag:s30] =	ssyncadd.s32 $0xFFFFD000  }
0x370: {  	_ =	swait.ge [sflag:s23], $0x3000  }
0x371: {  	[sflag:s23] =	ssyncset.done $0x0  }
0x372: {  	[sflag:s23] =	ssyncadd.s32 $0xFFFFD000  }
0x373: {  	p0 =	sne.s32 s28, $0x1;
	_ =	swait.ge [sflag:s20], $0x3000  }
.Ltmp0:
0x374: {  	[sflag:s20] =	ssyncset.done $0x0;
	(pc) =	sbr.rel @p0 .LBB2_1-.Ltmp0, $4  }
0x375: {  	[sflag:s20] =	ssyncadd.s32 $0xFFFFD000  }
0x376: {  	_ =	swait.ge [sflag:s6], $0x3000  }
0x377: {  	[sflag:s6] =	ssyncset.done $0x0  }
0x378: {  	s0 =	sadd.s32 $0xFFFFFFFF, s28;
	[sflag:s6] =	ssyncadd.s32 $0xFFFFD000  }
0x379: {  	_ =	sfence.sel $0x180000  }
0x37a: {  	[bflag:$0x0] =	sbarrier.arrive $0xFFFF  }
0x37b: {  	_ =	strace $0x90000047  }
0x37c: {  	s0 =	stileid.u32;
	[bflag:$0x2] =	sbarrier.arrive $0xFFFF  }
0x37d: {  	p0 =	sne.s32 s0, $0x0;
	s0 =	rddreg [dreg:$0x3]  }
0x37e: {  	s0 =	sadd.s32 @!p0 $0x100000, s0  }
0x37f: {  	[sflag:s0] =	ssyncadd.tile.s32 @!p0 $0x1;
	_ =	shalt  }
.Lfunc_end2:
_tile_overlayer_lowered:
.L_overlay_start_2:
0x380: {  	(tag) =	ssettag $0x2  }
0x381: {  	s0 =	rddreg [dreg:$0x0];
	s2 =	stileid.u32  }
0x382: {  	s1 =	rddreg [dreg:$0x1];
	p0 =	sne.s32 s2, $0x0  }
0x383: {  	s3 =	rddreg [dreg:$0x2];
	[bflag:$0x3] =	sbarrier.arrive $0xFFFF;
	s2 =	simm.s32 @!p0 $0x1C11  }
0x384: {  	[timem:s3], [sflag:s2] =	dma.local @!p0 [hbm:s0], s1  }
0x385: {  	s0 =	simm.s32 @!p0 $0x11  }
0x386: {  	_ =	swait.ge @!p0 [sflag:s0], s1  }
0x387: {  	s1 =	ssub.s32 @!p0 $0x0, s1;
	[sflag:s0] =	ssyncset.done @!p0 $0x0  }
0x388: {  	[sflag:s0] =	ssyncadd.s32 @!p0 s1  }
0x389: {  	[bflag:$0x3] =	sbarrier.arrive $0xFFFF  }
0x38a: {  	_ =	shalt  }

</sc_bundles>
